<compile_context>
chip_gen: v7x
topology: tpu7x:2x2x1
jax: 0.10.2.dev20260603
libtpu: 0.0.44.dev20260713+nightly
codegen_flags: <defaults>
</compile_context>

<pallas_src>
import functools

import jax
import jax.numpy as jnp
from jax import lax
from jax.experimental import pallas as pl
from jax.experimental.pallas import tpu as pltpu
from jax.experimental.pallas import tpu_sc as plsc

HID = 128
NFREQ = 64
NHEAD = 8
HDIM = HID // NHEAD
N_PL = 10000
N_DST = 64 * 6 * 60
E = 368640
LNEPS = 1e-5
SCALE = HDIM ** -0.5

C_EDGE = 128
T_EDGE = 2048
T_DST = 384
HN = N_DST // 2
NR = 11648
STRIPE = NR // 16


def _ln(x):
    mu = x.mean(-1, keepdims=True)
    var = ((x - mu) ** 2).mean(-1, keepdims=True)
    return (x - mu) * lax.rsqrt(var + LNEPS)


_COSC = (0.9999994434155783, -19.73903432200607, 64.93061147431378,
         -85.29594600637873, 58.91242234401621, -21.28277632550919)
_SINC = (6.283185031925637, -41.34161601075037, 81.60091294958659,
         -76.62654276523628, 41.40338719023908, -12.576281257548619)


def _poly(s, coeffs):
    acc = jnp.full_like(s, coeffs[-1])
    for c in coeffs[-2::-1]:
        acc = acc * s + c
    return acc


def _ln_mxu(x):
    j = jnp.full((HID, HID), 1.0 / HID, jnp.float32)
    m = x @ j
    e2 = (x * x) @ j
    var = e2 - m * m
    return (x - m) * lax.rsqrt(var + LNEPS)



def _src_prep_body(mx_ref, wk_ref, wv_ref, kv_ref):
    xs = _ln(mx_ref[...])
    kv_ref[...] = jnp.concatenate([xs @ wk_ref[...], xs @ wv_ref[...]], axis=1)


def _dst_prep_body(d_ref, wq_ref, bq_ref, q_ref, xd_ref):
    xd = _ln(d_ref[...])
    q_ref[...] = xd @ wq_ref[...] + bq_ref[...]
    xd_ref[...] = xd


def _node_prep(map_x, d, p):
    kv = pl.pallas_call(
        _src_prep_body,
        grid=(10,),
        in_specs=[
            pl.BlockSpec((N_PL // 10, HID), lambda i: (i, 0)),
            pl.BlockSpec((HID, HID), lambda i: (0, 0)),
            pl.BlockSpec((HID, HID), lambda i: (0, 0)),
        ],
        out_specs=pl.BlockSpec((N_PL // 10, 2 * HID), lambda i: (i, 0)),
        out_shape=jax.ShapeDtypeStruct((N_PL, 2 * HID), jnp.float32),
    )(map_x, p['wk'], p['wv'])
    q, xd = pl.pallas_call(
        _dst_prep_body,
        grid=(N_DST // T_DST,),
        in_specs=[
            pl.BlockSpec((T_DST, HID), lambda i: (i, 0)),
            pl.BlockSpec((HID, HID), lambda i: (0, 0)),
            pl.BlockSpec((1, HID), lambda i: (0, 0)),
        ],
        out_specs=[
            pl.BlockSpec((T_DST, HID), lambda i: (i, 0)),
            pl.BlockSpec((T_DST, HID), lambda i: (i, 0)),
        ],
        out_shape=[
            jax.ShapeDtypeStruct((N_DST, HID), jnp.float32),
            jax.ShapeDtypeStruct((N_DST, HID), jnp.float32),
        ],
    )(d, p['wq'], p['bq'].reshape(1, HID))
    return kv, q, xd



def _make_gather():
    mesh = plsc.VectorSubcoreMesh(core_axis_name="c", subcore_axis_name="s")

    @functools.partial(
        pl.kernel,
        mesh=mesh,
        out_type=[
            jax.ShapeDtypeStruct((E, 2 * HID), jnp.float32),
            jax.ShapeDtypeStruct((E, HID), jnp.float32),
        ],
        scratch_types=[
            pltpu.VMEM((2, C_EDGE), jnp.int32),
            pltpu.VMEM((2, C_EDGE), jnp.int32),
            pltpu.VMEM((C_EDGE, 2 * HID), jnp.float32),
            pltpu.VMEM((C_EDGE, 2 * HID), jnp.float32),
            pltpu.VMEM((C_EDGE, HID), jnp.float32),
            pltpu.VMEM((C_EDGE, HID), jnp.float32),
            pltpu.SemaphoreType.DMA,
            pltpu.SemaphoreType.DMA,
            pltpu.SemaphoreType.DMA,
            pltpu.SemaphoreType.DMA,
            pltpu.SemaphoreType.DMA,
            pltpu.SemaphoreType.DMA,
        ],
    )
    def gath(kv_hbm, q_hbm, src_hbm, dst_hbm, ksvs_hbm, qd_hbm,
             sidx2, didx2, kvbuf0, kvbuf1, qbuf0, qbuf1,
             semi0, semi1, semg0, semg1, semw0, semw1):
        wid = lax.axis_index("s") * 2 + lax.axis_index("c")
        per = E // 32
        nch = per // C_EDGE
        bufs = ((kvbuf0, qbuf0, semi0, semg0, semw0),
                (kvbuf1, qbuf1, semi1, semg1, semw1))

        def load_idx(i, b, semi):
            base = wid * per + i * C_EDGE
            pltpu.async_copy(src_hbm.at[pl.ds(base, C_EDGE)],
                             sidx2.at[b], semi)
            pltpu.async_copy(dst_hbm.at[pl.ds(base, C_EDGE)],
                             didx2.at[b], semi)

        def drain_idx(b, semi):
            pltpu.make_async_copy(src_hbm.at[pl.ds(0, C_EDGE)],
                                  sidx2.at[b], semi).wait()
            pltpu.make_async_copy(dst_hbm.at[pl.ds(0, C_EDGE)],
                                  didx2.at[b], semi).wait()

        load_idx(0, 0, semi0)
        load_idx(1, 1, semi1)

        def body(g, carry):
            for b in range(2):
                i = 2 * g + b
                kvbuf, qbuf, semi, semg, semw = bufs[b]

                @pl.when(i >= 2)
                def _():
                    pltpu.make_async_copy(kvbuf, ksvs_hbm.at[pl.ds(0, C_EDGE)],
                                          semw).wait()
                    pltpu.make_async_copy(qbuf, qd_hbm.at[pl.ds(0, C_EDGE)],
                                          semw).wait()

                drain_idx(b, semi)
                pltpu.async_copy(kv_hbm.at[sidx2.at[b]], kvbuf, semg)
                pltpu.async_copy(q_hbm.at[didx2.at[b]], qbuf, semg)
                pltpu.make_async_copy(kv_hbm.at[sidx2.at[b]], kvbuf,
                                      semg).wait()
                pltpu.make_async_copy(q_hbm.at[didx2.at[b]], qbuf,
                                      semg).wait()

                @pl.when(i + 2 < nch)
                def _():
                    load_idx(i + 2, b, semi)

                base = wid * per + i * C_EDGE
                pltpu.async_copy(kvbuf, ksvs_hbm.at[pl.ds(base, C_EDGE)], semw)
                pltpu.async_copy(qbuf, qd_hbm.at[pl.ds(base, C_EDGE)], semw)
            return carry

        lax.fori_loop(0, nch // 2, body, 0)
        for b in range(2):
            kvbuf, qbuf, semi, semg, semw = bufs[b]
            pltpu.make_async_copy(kvbuf, ksvs_hbm.at[pl.ds(0, C_EDGE)],
                                  semw).wait()
            pltpu.make_async_copy(qbuf, qd_hbm.at[pl.ds(0, C_EDGE)],
                                  semw).wait()

    return gath



def _edge_body(rel_ref, ksvs_ref, qd_ref, dst_ref, freqs_ref, w1_ref, b1_ref,
               w2_ref, wo_ref, bo_ref, wkr_ref, wvr_ref, u_ref, wb_ref,
               didx_ref):
    rel = rel_ref[...]
    acc = jnp.zeros((rel.shape[0], HID), jnp.float32)
    freqs = freqs_ref[...]
    for i in range(3):
        xi = rel[:, i:i + 1]
        z = xi * freqs[i][None, :]
        r = z - jnp.round(z)
        sq = r * r
        cosf = _poly(sq, _COSC)
        sinf = r * _poly(sq, _SINC)
        w1 = w1_ref[...][i]
        hi = (cosf @ w1[:NFREQ]
              + sinf @ w1[NFREQ:2 * NFREQ]
              + xi * w1[2 * NFREQ][None, :]
              + b1_ref[...][i][None, :])
        hi = jnp.maximum(_ln_mxu(hi), 0.0)
        acc = acc + hi @ w2_ref[...][i]
    relh = jnp.maximum(_ln_mxu(acc), 0.0) @ wo_ref[...] + bo_ref[...]
    r = _ln_mxu(relh)
    kr = r @ wkr_ref[...]
    vr = r @ wvr_ref[...]
    ksvs = ksvs_ref[...]
    k_e = ksvs[:, :HID] + kr
    v_e = ksvs[:, HID:] + vr
    prod = qd_ref[...] * k_e
    hsel = (lax.broadcasted_iota(jnp.int32, (HID, NHEAD), 0) // HDIM
            == lax.broadcasted_iota(jnp.int32, (HID, NHEAD), 1))
    bd = hsel.astype(jnp.float32)
    sim = (prod @ bd) * SCALE
    w128 = jnp.exp(sim) @ bd.T
    u_ref[...] = w128 * v_e
    wb_ref[...] = w128
    dstv = dst_ref[0]
    dump = HN + (lax.broadcasted_iota(jnp.int32, dstv.shape, 1) % 64)
    d0 = jnp.where(dstv < HN, dstv, dump)
    d1 = jnp.where(dstv >= HN, dstv - HN, dump)
    didx_ref[...] = jnp.concatenate([d0, d1], axis=0)


def _edge_call(pl_rel, ksvs, qd, dst3, p):
    full = lambda shape: pl.BlockSpec(shape, lambda i: tuple(0 for _ in shape))
    return pl.pallas_call(
        _edge_body,
        grid=(E // T_EDGE,),
        in_specs=[
            pl.BlockSpec((T_EDGE, 3), lambda i: (i, 0)),
            pl.BlockSpec((T_EDGE, 2 * HID), lambda i: (i, 0)),
            pl.BlockSpec((T_EDGE, HID), lambda i: (i, 0)),
            pl.BlockSpec((1, 1, T_EDGE), lambda i: (i, 0, 0)),
            full((3, NFREQ)),
            full((3, 2 * NFREQ + 1, HID)),
            full((3, HID)),
            full((3, HID, HID)),
            full((HID, HID)),
            full((1, HID)),
            full((HID, HID)),
            full((HID, HID)),
        ],
        out_specs=[
            pl.BlockSpec((T_EDGE, HID), lambda i: (i, 0)),
            pl.BlockSpec((T_EDGE, HID), lambda i: (i, 0)),
            pl.BlockSpec((2, T_EDGE), lambda i: (0, i)),
        ],
        out_shape=[
            jax.ShapeDtypeStruct((E, HID), jnp.float32),
            jax.ShapeDtypeStruct((E, HID), jnp.float32),
            jax.ShapeDtypeStruct((2, E), jnp.int32),
        ],
    )(pl_rel, ksvs, qd, dst3, p['fe_freqs'], p['fe_w1'], p['fe_b1'],
      p['fe_w2'], p['fe_wo'], p['fe_bo'].reshape(1, HID), p['wkr'], p['wvr'])



def _make_scatter():
    mesh = plsc.VectorSubcoreMesh(core_axis_name="c", subcore_axis_name="s")

    @functools.partial(
        pl.kernel,
        mesh=mesh,
        out_type=jax.ShapeDtypeStruct((2, NR, HID), jnp.float32),
        scratch_types=[
            pltpu.VMEM((C_EDGE,), jnp.int32),
            pltpu.VMEM((C_EDGE,), jnp.int32),
            pltpu.VMEM((C_EDGE, HID), jnp.float32),
            pltpu.VMEM((C_EDGE, HID), jnp.float32),
            pltpu.SemaphoreType.DMA,
            pltpu.SemaphoreType.DMA,
            pltpu.VMEM_SHARED((NR, HID), jnp.float32),
        ],
    )
    def scat(vals_hbm, idx_hbm, z_hbm, out_hbm, didx0, didx1, vbuf0, vbuf1,
             sem0, sem1, acc):
        c = lax.axis_index("c")
        s = lax.axis_index("s")
        pltpu.sync_copy(z_hbm, acc.at[pl.ds(s * STRIPE, STRIPE)])
        plsc.subcore_barrier()
        per = E // 16
        nch = per // C_EDGE
        bufs = ((didx0, vbuf0, sem0), (didx1, vbuf1, sem1))

        def load(i, didx, vbuf, sem):
            base = s * per + i * C_EDGE
            pltpu.async_copy(idx_hbm.at[pl.ds(c * E + base, C_EDGE)],
                             didx, sem)
            pltpu.async_copy(vals_hbm.at[pl.ds(base, C_EDGE)], vbuf, sem)

        def drain(didx, vbuf, sem):
            pltpu.make_async_copy(idx_hbm.at[pl.ds(0, C_EDGE)],
                                  didx, sem).wait()
            pltpu.make_async_copy(vals_hbm.at[pl.ds(0, C_EDGE)],
                                  vbuf, sem).wait()

        load(0, *bufs[0])

        def body(g, carry):
            for b in range(2):
                i = 2 * g + b
                didx, vbuf, sem = bufs[b]
                ndidx, nvbuf, nsem = bufs[1 - b]

                @pl.when(i + 1 < nch)
                def _():
                    load(i + 1, ndidx, nvbuf, nsem)

                drain(didx, vbuf, sem)
                pltpu.sync_copy(vbuf, acc.at[didx], add=True)
            return carry

        lax.fori_loop(0, nch // 2, body, 0)
        plsc.subcore_barrier()
        pltpu.sync_copy(acc.at[pl.ds(s * STRIPE, STRIPE)],
                        out_hbm.at[c, pl.ds(s * STRIPE, STRIPE)])

    return scat



def _final_body(agg_ref, den_ref, xd_ref, draw_ref,
                wg_ref, bg_ref, ws_ref, bs_ref, wo_ref, bo_ref, w1_ref, b1_ref,
                w2_ref, b2_ref, out_ref):
    agg_u = agg_ref[0]
    den128 = den_ref[0]
    agg = agg_u / (den128 + 1e-9)
    xd = xd_ref[...]
    wg = wg_ref[...]
    g = jax.nn.sigmoid(agg @ wg[:HID] + xd @ wg[HID:] + bg_ref[...])
    sv = xd @ ws_ref[...] + bs_ref[...]
    outv = agg + g * (sv - agg)
    x = draw_ref[...] + outv @ wo_ref[...] + bo_ref[...]
    h = _ln(x)
    out_ref[...] = (x + jnp.maximum(h @ w1_ref[...] + b1_ref[...], 0.0)
                    @ w2_ref[...] + b2_ref[...])


def _final_call(agg2, den2, xd, d, p):
    full = lambda shape: pl.BlockSpec(shape, lambda i: tuple(0 for _ in shape))
    row = lambda w: pl.BlockSpec((T_DST, w), lambda i: (i, 0))
    nhalf = HN // T_DST
    acc_spec = pl.BlockSpec((1, T_DST, HID),
                            lambda i: (i // nhalf, i % nhalf, 0))
    return pl.pallas_call(
        _final_body,
        grid=(N_DST // T_DST,),
        in_specs=[
            acc_spec, acc_spec,
            row(HID), row(HID),
            full((2 * HID, HID)), full((1, HID)),
            full((HID, HID)), full((1, HID)),
            full((HID, HID)), full((1, HID)),
            full((HID, 4 * HID)), full((1, 4 * HID)),
            full((4 * HID, HID)), full((1, HID)),
        ],
        out_specs=pl.BlockSpec((T_DST, HID), lambda i: (i, 0)),
        out_shape=jax.ShapeDtypeStruct((N_DST, HID), jnp.float32),
    )(agg2, den2, xd, d,
      p['wg'], p['bg'].reshape(1, HID),
      p['ws'], p['bs'].reshape(1, HID),
      p['wo'], p['bo'].reshape(1, HID),
      p['w1'], p['b1'].reshape(1, 4 * HID),
      p['w2'], p['b2'].reshape(1, HID))



def kernel(map_x, edges, pl_rel, dst_x, params):
    p = params
    src = edges[0]
    dst = edges[1]
    d = dst_x.reshape(N_DST, HID)

    kv, q, xd = _node_prep(map_x, d, p)
    ksvs, qd = _make_gather()(kv, q, src, dst)
    dst3 = dst.reshape(E // T_EDGE, 1, T_EDGE)
    u, wb, didx2 = _edge_call(pl_rel, ksvs, qd, dst3, p)
    idx_cat = didx2.reshape(2 * E)
    z = jnp.zeros((STRIPE, HID), jnp.float32)
    scat = _make_scatter()
    agg2 = scat(u, idx_cat, z)
    den2 = scat(wb, idx_cat, z)
    y = _final_call(agg2, den2, xd, d, p)
    return y.reshape(dst_x.shape)

# --- scband reference (transcript-rebuilt; emitter-appended) ---
"""Pipeline reference for scband-road-attention-62088047231244 (READ-ONLY COPY).

The authoritative reference and input builder live on the scoring server;
editing this copy changes nothing except your own understanding.
"""

import jax, jax.numpy as jnp
import numpy as np

HID = 128
NFREQ = 64
NHEAD = 8
HDIM = HID // NHEAD
N_PL = 10000
A, M, S = 64, 6, 60
E = 368640

def ln(x):
    mu = x.mean(-1, keepdims=True)
    var = ((x - mu) ** 2).mean(-1, keepdims=True)
    return (x - mu) / jnp.sqrt(var + 1e-5)

def setup_inputs(seed: int = 0):
    key = jax.random.key(seed)
    ks = jax.random.split(key, 24)
    map_x = jax.random.normal(ks[0], (N_PL, HID), dtype=jnp.float32)
    src = jax.random.randint(ks[1], (E,), 0, N_PL)
    dst = jax.random.randint(ks[2], (E,), 0, A * M * S)
    edges = jnp.stack([src, dst], axis=0)
    pl_rel = jax.random.normal(ks[3], (E, 3), dtype=jnp.float32)
    dst_x = jax.random.normal(ks[4], (A, M, S, HID), dtype=jnp.float32)
    def w(k, shape, fan_in):
        return jax.random.normal(k, shape, dtype=jnp.float32) * (1.0 / np.sqrt(fan_in))
    params = {
        'fe_freqs': jax.random.normal(ks[5], (3, NFREQ), dtype=jnp.float32),
        'fe_w1': w(ks[6], (3, 2 * NFREQ + 1, HID), 2 * NFREQ + 1),
        'fe_b1': jnp.zeros((3, HID), jnp.float32),
        'fe_w2': w(ks[7], (3, HID, HID), HID),
        'fe_b2': jnp.zeros((3, HID), jnp.float32),
        'fe_wo': w(ks[8], (HID, HID), HID),
        'fe_bo': jnp.zeros((HID,), jnp.float32),
        'wq': w(ks[9], (HID, HID), HID), 'bq': jnp.zeros((HID,), jnp.float32),
        'wk': w(ks[10], (HID, HID), HID),
        'wv': w(ks[11], (HID, HID), HID),
        'wkr': w(ks[12], (HID, HID), HID),
        'wvr': w(ks[13], (HID, HID), HID),
        'ws': w(ks[14], (HID, HID), HID), 'bs': jnp.zeros((HID,), jnp.float32),
        'wg': w(ks[15], (2 * HID, HID), 2 * HID), 'bg': jnp.zeros((HID,), jnp.float32),
        'wo': w(ks[16], (HID, HID), HID), 'bo': jnp.zeros((HID,), jnp.float32),
        'w1': w(ks[17], (HID, 4 * HID), HID), 'b1': jnp.zeros((4 * HID,), jnp.float32),
        'w2': w(ks[18], (4 * HID, HID), 4 * HID), 'b2': jnp.zeros((HID,), jnp.float32),
    }
    return {'map_x': map_x, 'edges': edges, 'pl_rel': pl_rel, 'dst_x': dst_x, 'params': params}

def fourier_emb(x, p):
    f = x[..., None] * p['fe_freqs'] * (2.0 * jnp.pi)
    f = jnp.concatenate([jnp.cos(f), jnp.sin(f), x[..., None]], axis=-1)
    h = jnp.einsum('eif,ifh->eih', f, p['fe_w1']) + p['fe_b1']
    h = jax.nn.relu(ln(h))
    h = jnp.einsum('eih,iho->eio', h, p['fe_w2']) + p['fe_b2']
    h = h.sum(axis=1)
    return jax.nn.relu(ln(h)) @ p['fe_wo'] + p['fe_bo']

def attention_layer(x_src_raw, x_dst_raw, r_raw, edges, p):
    src, dst = edges[0], edges[1]
    n_dst = x_dst_raw.shape[0]
    x_src = ln(x_src_raw)
    x_dst = ln(x_dst_raw)
    r = ln(r_raw)
    q = (x_dst @ p['wq'] + p['bq']).reshape(n_dst, NHEAD, HDIM)
    k = (x_src @ p['wk']).reshape(-1, NHEAD, HDIM)
    v = (x_src @ p['wv']).reshape(-1, NHEAD, HDIM)
    kr = (r @ p['wkr']).reshape(-1, NHEAD, HDIM)
    vr = (r @ p['wvr']).reshape(-1, NHEAD, HDIM)
    k_e = k[src] + kr
    v_e = v[src] + vr
    sim = (q[dst] * k_e).sum(-1) * (HDIM ** -0.5)
    m = jax.ops.segment_max(sim, dst, num_segments=n_dst)
    m = jnp.where(jnp.isfinite(m), m, 0.0)
    ex = jnp.exp(sim - m[dst])
    den = jax.ops.segment_sum(ex, dst, num_segments=n_dst)
    attn = ex / (den[dst] + 1e-9)
    agg = jax.ops.segment_sum(v_e * attn[..., None], dst, num_segments=n_dst).reshape(n_dst, HID)
    g = jax.nn.sigmoid(jnp.concatenate([agg, x_dst], axis=-1) @ p['wg'] + p['bg'])
    out = agg + g * ((x_dst @ p['ws'] + p['bs']) - agg)
    x = x_dst_raw + out @ p['wo'] + p['bo']
    h = ln(x)
    x = x + (jax.nn.relu(h @ p['w1'] + p['b1']) @ p['w2'] + p['b2'])
    return x

def reference(map_x, edges, pl_rel, dst_x, params):
    a, mm, s, c = dst_x.shape
    d = dst_x.reshape(-1, c)
    rel = fourier_emb(pl_rel, params)
    x = attention_layer(map_x, d, rel, edges, params)
    return x.reshape(a, mm, s, c)

if __name__ == "__main__":
    import jax
    _d = setup_inputs()
    print(jax.jit(kernel)(*tuple(_d.values())))

</pallas_src>

<mosaic_0001>
#map = affine_map<(d0, d1) -> (0, 0)>
#map1 = affine_map<(d0, d1) -> (0)>
#map2 = affine_map<(d0, d1) -> (0, 0, 0)>
module attributes {stable_mosaic.version = 14 : i64} {
  func.func @scat(%arg0: i32, %arg1: i32, %arg2: memref<368640x128xf32, #tpu.memory_space<hbm>>, %arg3: memref<737280xi32, #tpu.memory_space<hbm>>, %arg4: memref<728x128xf32, #tpu.memory_space<hbm>>, %arg5: memref<2x11648x128xf32, #tpu.memory_space<hbm>>, %arg6: memref<128xi32, #tpu.memory_space<vmem>>, %arg7: memref<128xi32, #tpu.memory_space<vmem>>, %arg8: memref<128x128xf32, #tpu.memory_space<vmem>>, %arg9: memref<128x128xf32, #tpu.memory_space<vmem>>, %arg10: memref<!tpu.dma_semaphore, #tpu.memory_space<semaphore_mem>>, %arg11: memref<!tpu.dma_semaphore, #tpu.memory_space<semaphore_mem>>, %arg12: memref<11648x128xf32, #tpu.memory_space<vmem_shared>>) attributes {dimension_semantics = [#tpu.dimension_semantics<core_parallel>, #tpu.dimension_semantics<subcore_parallel>], iteration_bounds = array<i64: 2, 16>, scalar_prefetch = 0 : i64, scratch_operands = 7 : i64, tpu.core_type = #tpu.core_type<sc_vector_subcore>, window_params = [{transform_indices = #map}, {transform_indices = #map1}, {transform_indices = #map}, {transform_indices = #map2}]} {
    %mul3A = arith.constant 728 : i32
    %mul3A_0 = arith.muli %arg1, %mul3A : i32
    "tpu.region"() ({
      %run_scoped3A = tpu.sem_alloc : memref<!tpu.dma_semaphore, #tpu.memory_space<semaphore_mem>>
      %dma_start3A_22 = arith.constant 0 : i32
      %dma_start3A_23 = tpu.memref_slice %arg12[%mul3A_0, %dma_start3A_22] : memref<11648x128xf32, #tpu.memory_space<vmem_shared>> -> memref<728x128xf32, #tpu.memory_space<vmem_shared>>
      tpu.enqueue_dma source(%arg4 : memref<728x128xf32, #tpu.memory_space<hbm>>) target(%dma_start3A_23 : memref<728x128xf32, #tpu.memory_space<vmem_shared>>) target_semaphore(%run_scoped3A : memref<!tpu.dma_semaphore, #tpu.memory_space<semaphore_mem>>)
      %dma_wait3A = arith.constant 0 : i32
      %dma_wait3A_24 = tpu.memref_slice %arg12[%mul3A_0, %dma_wait3A] : memref<11648x128xf32, #tpu.memory_space<vmem_shared>> -> memref<728x128xf32, #tpu.memory_space<vmem_shared>>
      tpu.wait_dma2 semaphore(%run_scoped3A : memref<!tpu.dma_semaphore, #tpu.memory_space<semaphore_mem>>) src(%arg4 : memref<728x128xf32, #tpu.memory_space<hbm>>) dst(%dma_wait3A_24 : memref<728x128xf32, #tpu.memory_space<vmem_shared>>)
      tpu.yield
    }) : () -> ()
    %barrier3A = arith.constant 0 : index
    tpu.barrier barrier_id(%barrier3A)
    %mul3A_1 = arith.constant 23040 : i32
    %mul3A_2 = arith.muli %arg1, %mul3A_1 : i32
    %add3A = arith.constant 0 : i32
    %add3A_3 = arith.addi %mul3A_2, %add3A : i32
    %mul3A_4 = arith.constant 368640 : i32
    %mul3A_5 = arith.muli %arg0, %mul3A_4 : i32
    %add3A_6 = arith.addi %mul3A_5, %add3A_3 : i32
    %dma_start3A = tpu.memref_slice %arg3[%add3A_6] : memref<737280xi32, #tpu.memory_space<hbm>> -> memref<128xi32, #tpu.memory_space<hbm>>
    %dma_start3A_7 = tpu.memref_slice %arg3[%add3A_6] : memref<737280xi32, #tpu.memory_space<hbm>> -> memref<128xi32, #tpu.memory_space<hbm>>
    tpu.enqueue_dma source(%dma_start3A_7 : memref<128xi32, #tpu.memory_space<hbm>>) target(%arg6 : memref<128xi32, #tpu.memory_space<vmem>>) target_semaphore(%arg10 : memref<!tpu.dma_semaphore, #tpu.memory_space<semaphore_mem>>)
    %dma_start3A_8 = arith.constant 0 : i32
    %dma_start3A_9 = tpu.memref_slice %arg2[%add3A_3, %dma_start3A_8] : memref<368640x128xf32, #tpu.memory_space<hbm>> -> memref<128x128xf32, #tpu.memory_space<hbm>>
    %dma_start3A_10 = arith.constant 0 : i32
    %dma_start3A_11 = tpu.memref_slice %arg2[%add3A_3, %dma_start3A_10] : memref<368640x128xf32, #tpu.memory_space<hbm>> -> memref<128x128xf32, #tpu.memory_space<hbm>>
    tpu.enqueue_dma source(%dma_start3A_11 : memref<128x128xf32, #tpu.memory_space<hbm>>) target(%arg8 : memref<128x128xf32, #tpu.memory_space<vmem>>) target_semaphore(%arg10 : memref<!tpu.dma_semaphore, #tpu.memory_space<semaphore_mem>>)
    %scan3A = arith.constant 0 : i32
    %scan3A_12 = arith.constant 0 : i32
    %scan3A_13 = arith.constant 90 : i32
    %scan3A_14 = arith.addi %scan3A_12, %scan3A_13 : i32
    %scan3A_15 = arith.constant 1 : i32
    scf.for %scan3A_22 = %scan3A_12 to %scan3A_14 step %scan3A_15  : i32 {
      %mul3A_23 = arith.constant 2 : i32
      %mul3A_24 = arith.muli %mul3A_23, %scan3A_22 : i32
      %add3A_25 = arith.constant 0 : i32
      %add3A_26 = arith.addi %mul3A_24, %add3A_25 : i32
      %add3A_27 = arith.constant 1 : i32
      %add3A_28 = arith.addi %add3A_26, %add3A_27 : i32
      %lt3A = arith.constant 180 : i32
      %lt3A_29 = arith.cmpi slt, %add3A_28, %lt3A : i32
      %convert_element_type3A = arith.extui %lt3A_29 : i1 to i32
      %cond3A = arith.constant 0 : i32
      %cond3A_30 = arith.cmpi ne, %convert_element_type3A, %cond3A : i32
      scf.if %cond3A_30 {
        %add3A_61 = arith.constant 1 : i32
        %add3A_62 = arith.addi %add3A_26, %add3A_61 : i32
        %mul3A_63 = arith.constant 23040 : i32
        %mul3A_64 = arith.muli %arg1, %mul3A_63 : i32
        %mul3A_65 = arith.constant 128 : i32
        %mul3A_66 = arith.muli %add3A_62, %mul3A_65 : i32
        %add3A_67 = arith.addi %mul3A_64, %mul3A_66 : i32
        %mul3A_68 = arith.constant 368640 : i32
        %mul3A_69 = arith.muli %arg0, %mul3A_68 : i32
        %add3A_70 = arith.addi %mul3A_69, %add3A_67 : i32
        %dma_start3A_71 = tpu.memref_slice %arg3[%add3A_70] : memref<737280xi32, #tpu.memory_space<hbm>> -> memref<128xi32, #tpu.memory_space<hbm>>
        %dma_start3A_72 = tpu.memref_slice %arg3[%add3A_70] : memref<737280xi32, #tpu.memory_space<hbm>> -> memref<128xi32, #tpu.memory_space<hbm>>
        tpu.enqueue_dma source(%dma_start3A_72 : memref<128xi32, #tpu.memory_space<hbm>>) target(%arg7 : memref<128xi32, #tpu.memory_space<vmem>>) target_semaphore(%arg11 : memref<!tpu.dma_semaphore, #tpu.memory_space<semaphore_mem>>)
        %dma_start3A_73 = arith.constant 0 : i32
        %dma_start3A_74 = tpu.memref_slice %arg2[%add3A_67, %dma_start3A_73] : memref<368640x128xf32, #tpu.memory_space<hbm>> -> memref<128x128xf32, #tpu.memory_space<hbm>>
        %dma_start3A_75 = arith.constant 0 : i32
        %dma_start3A_76 = tpu.memref_slice %arg2[%add3A_67, %dma_start3A_75] : memref<368640x128xf32, #tpu.memory_space<hbm>> -> memref<128x128xf32, #tpu.memory_space<hbm>>
        tpu.enqueue_dma source(%dma_start3A_76 : memref<128x128xf32, #tpu.memory_space<hbm>>) target(%arg9 : memref<128x128xf32, #tpu.memory_space<vmem>>) target_semaphore(%arg11 : memref<!tpu.dma_semaphore, #tpu.memory_space<semaphore_mem>>)
      } else {
      }
      %dma_wait3A = arith.constant 0 : i32
      %dma_wait3A_31 = tpu.memref_slice %arg3[%dma_wait3A] : memref<737280xi32, #tpu.memory_space<hbm>> -> memref<128xi32, #tpu.memory_space<hbm>>
      %dma_wait3A_32 = arith.constant 0 : i32
      %dma_wait3A_33 = tpu.memref_slice %arg3[%dma_wait3A_32] : memref<737280xi32, #tpu.memory_space<hbm>> -> memref<128xi32, #tpu.memory_space<hbm>>
      tpu.wait_dma2 semaphore(%arg10 : memref<!tpu.dma_semaphore, #tpu.memory_space<semaphore_mem>>) src(%dma_wait3A_33 : memref<128xi32, #tpu.memory_space<hbm>>) dst(%arg6 : memref<128xi32, #tpu.memory_space<vmem>>)
      %dma_wait3A_34 = arith.constant 0 : i32
      %dma_wait3A_35 = arith.constant 0 : i32
      %dma_wait3A_36 = tpu.memref_slice %arg2[%dma_wait3A_34, %dma_wait3A_35] : memref<368640x128xf32, #tpu.memory_space<hbm>> -> memref<128x128xf32, #tpu.memory_space<hbm>>
      %dma_wait3A_37 = arith.constant 0 : i32
      %dma_wait3A_38 = arith.constant 0 : i32
      %dma_wait3A_39 = tpu.memref_slice %arg2[%dma_wait3A_37, %dma_wait3A_38] : memref<368640x128xf32, #tpu.memory_space<hbm>> -> memref<128x128xf32, #tpu.memory_space<hbm>>
      tpu.wait_dma2 semaphore(%arg10 : memref<!tpu.dma_semaphore, #tpu.memory_space<semaphore_mem>>) src(%dma_wait3A_39 : memref<128x128xf32, #tpu.memory_space<hbm>>) dst(%arg8 : memref<128x128xf32, #tpu.memory_space<vmem>>)
      "tpu.region"() ({
        %run_scoped3A = tpu.sem_alloc : memref<!tpu.dma_semaphore, #tpu.memory_space<semaphore_mem>>
        %dma_start3A_61 = arith.constant 0 : i32
        %dma_start3A_62 = arith.constant 0 : i32
        %dma_start3A_63 = tpu.memref_slice %arg12[%dma_start3A_61, %dma_start3A_62] : memref<11648x128xf32, #tpu.memory_space<vmem_shared>> -> memref<11648x128xf32, #tpu.memory_space<vmem_shared>>
        tpu.enqueue_indirect_dma source(%arg8 : memref<128x128xf32, #tpu.memory_space<vmem>>) target(%dma_start3A_63 : memref<11648x128xf32, #tpu.memory_space<vmem_shared>>) offsets(%arg6 : memref<128xi32, #tpu.memory_space<vmem>>) semaphore(%run_scoped3A : memref<!tpu.dma_semaphore, #tpu.memory_space<semaphore_mem>>) {add = true}
        %dma_wait3A_64 = arith.constant 0 : i32
        %dma_wait3A_65 = arith.constant 0 : i32
        %dma_wait3A_66 = tpu.memref_slice %arg12[%dma_wait3A_64, %dma_wait3A_65] : memref<11648x128xf32, #tpu.memory_space<vmem_shared>> -> memref<11648x128xf32, #tpu.memory_space<vmem_shared>>
        tpu.wait_indirect_dma semaphore(%run_scoped3A : memref<!tpu.dma_semaphore, #tpu.memory_space<semaphore_mem>>) src(%arg8 : memref<128x128xf32, #tpu.memory_space<vmem>>) dst(%dma_wait3A_66 : memref<11648x128xf32, #tpu.memory_space<vmem_shared>>)
        tpu.yield
      }) : () -> ()
      %mul3A_40 = arith.constant 2 : i32
      %mul3A_41 = arith.muli %mul3A_40, %scan3A_22 : i32
      %add3A_42 = arith.constant 1 : i32
      %add3A_43 = arith.addi %mul3A_41, %add3A_42 : i32
      %add3A_44 = arith.constant 1 : i32
      %add3A_45 = arith.addi %add3A_43, %add3A_44 : i32
      %lt3A_46 = arith.constant 180 : i32
      %lt3A_47 = arith.cmpi slt, %add3A_45, %lt3A_46 : i32
      %convert_element_type3A_48 = arith.extui %lt3A_47 : i1 to i32
      %cond3A_49 = arith.constant 0 : i32
      %cond3A_50 = arith.cmpi ne, %convert_element_type3A_48, %cond3A_49 : i32
      scf.if %cond3A_50 {
        %add3A_61 = arith.constant 1 : i32
        %add3A_62 = arith.addi %add3A_43, %add3A_61 : i32
        %mul3A_63 = arith.constant 23040 : i32
        %mul3A_64 = arith.muli %arg1, %mul3A_63 : i32
        %mul3A_65 = arith.constant 128 : i32
        %mul3A_66 = arith.muli %add3A_62, %mul3A_65 : i32
        %add3A_67 = arith.addi %mul3A_64, %mul3A_66 : i32
        %mul3A_68 = arith.constant 368640 : i32
        %mul3A_69 = arith.muli %arg0, %mul3A_68 : i32
        %add3A_70 = arith.addi %mul3A_69, %add3A_67 : i32
        %dma_start3A_71 = tpu.memref_slice %arg3[%add3A_70] : memref<737280xi32, #tpu.memory_space<hbm>> -> memref<128xi32, #tpu.memory_space<hbm>>
        %dma_start3A_72 = tpu.memref_slice %arg3[%add3A_70] : memref<737280xi32, #tpu.memory_space<hbm>> -> memref<128xi32, #tpu.memory_space<hbm>>
        tpu.enqueue_dma source(%dma_start3A_72 : memref<128xi32, #tpu.memory_space<hbm>>) target(%arg6 : memref<128xi32, #tpu.memory_space<vmem>>) target_semaphore(%arg10 : memref<!tpu.dma_semaphore, #tpu.memory_space<semaphore_mem>>)
        %dma_start3A_73 = arith.constant 0 : i32
        %dma_start3A_74 = tpu.memref_slice %arg2[%add3A_67, %dma_start3A_73] : memref<368640x128xf32, #tpu.memory_space<hbm>> -> memref<128x128xf32, #tpu.memory_space<hbm>>
        %dma_start3A_75 = arith.constant 0 : i32
        %dma_start3A_76 = tpu.memref_slice %arg2[%add3A_67, %dma_start3A_75] : memref<368640x128xf32, #tpu.memory_space<hbm>> -> memref<128x128xf32, #tpu.memory_space<hbm>>
        tpu.enqueue_dma source(%dma_start3A_76 : memref<128x128xf32, #tpu.memory_space<hbm>>) target(%arg8 : memref<128x128xf32, #tpu.memory_space<vmem>>) target_semaphore(%arg10 : memref<!tpu.dma_semaphore, #tpu.memory_space<semaphore_mem>>)
      } else {
      }
      %dma_wait3A_51 = arith.constant 0 : i32
      %dma_wait3A_52 = tpu.memref_slice %arg3[%dma_wait3A_51] : memref<737280xi32, #tpu.memory_space<hbm>> -> memref<128xi32, #tpu.memory_space<hbm>>
      %dma_wait3A_53 = arith.constant 0 : i32
      %dma_wait3A_54 = tpu.memref_slice %arg3[%dma_wait3A_53] : memref<737280xi32, #tpu.memory_space<hbm>> -> memref<128xi32, #tpu.memory_space<hbm>>
      tpu.wait_dma2 semaphore(%arg11 : memref<!tpu.dma_semaphore, #tpu.memory_space<semaphore_mem>>) src(%dma_wait3A_54 : memref<128xi32, #tpu.memory_space<hbm>>) dst(%arg7 : memref<128xi32, #tpu.memory_space<vmem>>)
      %dma_wait3A_55 = arith.constant 0 : i32
      %dma_wait3A_56 = arith.constant 0 : i32
      %dma_wait3A_57 = tpu.memref_slice %arg2[%dma_wait3A_55, %dma_wait3A_56] : memref<368640x128xf32, #tpu.memory_space<hbm>> -> memref<128x128xf32, #tpu.memory_space<hbm>>
      %dma_wait3A_58 = arith.constant 0 : i32
      %dma_wait3A_59 = arith.constant 0 : i32
      %dma_wait3A_60 = tpu.memref_slice %arg2[%dma_wait3A_58, %dma_wait3A_59] : memref<368640x128xf32, #tpu.memory_space<hbm>> -> memref<128x128xf32, #tpu.memory_space<hbm>>
      tpu.wait_dma2 semaphore(%arg11 : memref<!tpu.dma_semaphore, #tpu.memory_space<semaphore_mem>>) src(%dma_wait3A_60 : memref<128x128xf32, #tpu.memory_space<hbm>>) dst(%arg9 : memref<128x128xf32, #tpu.memory_space<vmem>>)
      "tpu.region"() ({
        %run_scoped3A = tpu.sem_alloc : memref<!tpu.dma_semaphore, #tpu.memory_space<semaphore_mem>>
        %dma_start3A_61 = arith.constant 0 : i32
        %dma_start3A_62 = arith.constant 0 : i32
        %dma_start3A_63 = tpu.memref_slice %arg12[%dma_start3A_61, %dma_start3A_62] : memref<11648x128xf32, #tpu.memory_space<vmem_shared>> -> memref<11648x128xf32, #tpu.memory_space<vmem_shared>>
        tpu.enqueue_indirect_dma source(%arg9 : memref<128x128xf32, #tpu.memory_space<vmem>>) target(%dma_start3A_63 : memref<11648x128xf32, #tpu.memory_space<vmem_shared>>) offsets(%arg7 : memref<128xi32, #tpu.memory_space<vmem>>) semaphore(%run_scoped3A : memref<!tpu.dma_semaphore, #tpu.memory_space<semaphore_mem>>) {add = true}
        %dma_wait3A_64 = arith.constant 0 : i32
        %dma_wait3A_65 = arith.constant 0 : i32
        %dma_wait3A_66 = tpu.memref_slice %arg12[%dma_wait3A_64, %dma_wait3A_65] : memref<11648x128xf32, #tpu.memory_space<vmem_shared>> -> memref<11648x128xf32, #tpu.memory_space<vmem_shared>>
        tpu.wait_indirect_dma semaphore(%run_scoped3A : memref<!tpu.dma_semaphore, #tpu.memory_space<semaphore_mem>>) src(%arg9 : memref<128x128xf32, #tpu.memory_space<vmem>>) dst(%dma_wait3A_66 : memref<11648x128xf32, #tpu.memory_space<vmem_shared>>)
        tpu.yield
      }) : () -> ()
    }
    %scan3A_16 = arith.constant 90 : i32
    %barrier3A_17 = arith.constant 0 : index
    tpu.barrier barrier_id(%barrier3A_17)
    %mul3A_18 = arith.constant 728 : i32
    %mul3A_19 = arith.muli %arg1, %mul3A_18 : i32
    %mul3A_20 = arith.constant 728 : i32
    %mul3A_21 = arith.muli %arg1, %mul3A_20 : i32
    "tpu.region"() ({
      %run_scoped3A = tpu.sem_alloc : memref<!tpu.dma_semaphore, #tpu.memory_space<semaphore_mem>>
      %dma_start3A_22 = arith.constant 0 : i32
      %dma_start3A_23 = tpu.memref_slice %arg5[%arg0, %mul3A_21, %dma_start3A_22] : memref<2x11648x128xf32, #tpu.memory_space<hbm>> -> memref<1x728x128xf32, #tpu.memory_space<hbm>>
      %dma_start3A_24 = tpu.memref_squeeze %dma_start3A_23 : memref<1x728x128xf32, #tpu.memory_space<hbm>> -> memref<728x128xf32, #tpu.memory_space<hbm>>
      %dma_start3A_25 = arith.constant 0 : i32
      %dma_start3A_26 = tpu.memref_slice %arg12[%mul3A_19, %dma_start3A_25] : memref<11648x128xf32, #tpu.memory_space<vmem_shared>> -> memref<728x128xf32, #tpu.memory_space<vmem_shared>>
      tpu.enqueue_dma source(%dma_start3A_26 : memref<728x128xf32, #tpu.memory_space<vmem_shared>>) target(%dma_start3A_24 : memref<728x128xf32, #tpu.memory_space<hbm>>) target_semaphore(%run_scoped3A : memref<!tpu.dma_semaphore, #tpu.memory_space<semaphore_mem>>)
      %dma_wait3A = arith.constant 0 : i32
      %dma_wait3A_27 = tpu.memref_slice %arg5[%arg0, %mul3A_21, %dma_wait3A] : memref<2x11648x128xf32, #tpu.memory_space<hbm>> -> memref<1x728x128xf32, #tpu.memory_space<hbm>>
      %dma_wait3A_28 = tpu.memref_squeeze %dma_wait3A_27 : memref<1x728x128xf32, #tpu.memory_space<hbm>> -> memref<728x128xf32, #tpu.memory_space<hbm>>
      %dma_wait3A_29 = arith.constant 0 : i32
      %dma_wait3A_30 = tpu.memref_slice %arg12[%mul3A_19, %dma_wait3A_29] : memref<11648x128xf32, #tpu.memory_space<vmem_shared>> -> memref<728x128xf32, #tpu.memory_space<vmem_shared>>
      tpu.wait_dma2 semaphore(%run_scoped3A : memref<!tpu.dma_semaphore, #tpu.memory_space<semaphore_mem>>) src(%dma_wait3A_30 : memref<728x128xf32, #tpu.memory_space<vmem_shared>>) dst(%dma_wait3A_28 : memref<728x128xf32, #tpu.memory_space<hbm>>)
      tpu.yield
    }) : () -> ()
    return
  }
}

#map = affine_map<(d0, d1) -> (0, 0)>
#map1 = affine_map<(d0, d1) -> (0)>
#map2 = affine_map<(d0, d1) -> (0, 0, 0)>
module attributes {stable_mosaic.version = 14 : i64} {
  func.func @scat(%arg0: i32, %arg1: i32, %arg2: memref<368640x128xf32, #tpu.memory_space<hbm>>, %arg3: memref<737280xi32, #tpu.memory_space<hbm>>, %arg4: memref<728x128xf32, #tpu.memory_space<hbm>>, %arg5: memref<2x11648x128xf32, #tpu.memory_space<hbm>>, %arg6: memref<128xi32, #tpu.memory_space<vmem>>, %arg7: memref<128xi32, #tpu.memory_space<vmem>>, %arg8: memref<128x128xf32, #tpu.memory_space<vmem>>, %arg9: memref<128x128xf32, #tpu.memory_space<vmem>>, %arg10: memref<!tpu.dma_semaphore, #tpu.memory_space<semaphore_mem>>, %arg11: memref<!tpu.dma_semaphore, #tpu.memory_space<semaphore_mem>>, %arg12: memref<11648x128xf32, #tpu.memory_space<vmem_shared>>) attributes {dimension_semantics = [#tpu.dimension_semantics<core_parallel>, #tpu.dimension_semantics<subcore_parallel>], iteration_bounds = array<i64: 2, 16>, scalar_prefetch = 0 : i64, scratch_operands = 7 : i64, tpu.core_type = #tpu.core_type<sc_vector_subcore>, window_params = [{transform_indices = #map}, {transform_indices = #map1}, {transform_indices = #map}, {transform_indices = #map2}]} {
    %mul3A = arith.constant 728 : i32
    %mul3A_0 = arith.muli %arg1, %mul3A : i32
    "tpu.region"() ({
      %run_scoped3A = tpu.sem_alloc : memref<!tpu.dma_semaphore, #tpu.memory_space<semaphore_mem>>
      %dma_start3A_22 = arith.constant 0 : i32
      %dma_start3A_23 = tpu.memref_slice %arg12[%mul3A_0, %dma_start3A_22] : memref<11648x128xf32, #tpu.memory_space<vmem_shared>> -> memref<728x128xf32, #tpu.memory_space<vmem_shared>>
      tpu.enqueue_dma source(%arg4 : memref<728x128xf32, #tpu.memory_space<hbm>>) target(%dma_start3A_23 : memref<728x128xf32, #tpu.memory_space<vmem_shared>>) target_semaphore(%run_scoped3A : memref<!tpu.dma_semaphore, #tpu.memory_space<semaphore_mem>>)
      %dma_wait3A = arith.constant 0 : i32
      %dma_wait3A_24 = tpu.memref_slice %arg12[%mul3A_0, %dma_wait3A] : memref<11648x128xf32, #tpu.memory_space<vmem_shared>> -> memref<728x128xf32, #tpu.memory_space<vmem_shared>>
      tpu.wait_dma2 semaphore(%run_scoped3A : memref<!tpu.dma_semaphore, #tpu.memory_space<semaphore_mem>>) src(%arg4 : memref<728x128xf32, #tpu.memory_space<hbm>>) dst(%dma_wait3A_24 : memref<728x128xf32, #tpu.memory_space<vmem_shared>>)
      tpu.yield
    }) : () -> ()
    %barrier3A = arith.constant 0 : index
    tpu.barrier barrier_id(%barrier3A)
    %mul3A_1 = arith.constant 23040 : i32
    %mul3A_2 = arith.muli %arg1, %mul3A_1 : i32
    %add3A = arith.constant 0 : i32
    %add3A_3 = arith.addi %mul3A_2, %add3A : i32
    %mul3A_4 = arith.constant 368640 : i32
    %mul3A_5 = arith.muli %arg0, %mul3A_4 : i32
    %add3A_6 = arith.addi %mul3A_5, %add3A_3 : i32
    %dma_start3A = tpu.memref_slice %arg3[%add3A_6] : memref<737280xi32, #tpu.memory_space<hbm>> -> memref<128xi32, #tpu.memory_space<hbm>>
    %dma_start3A_7 = tpu.memref_slice %arg3[%add3A_6] : memref<737280xi32, #tpu.memory_space<hbm>> -> memref<128xi32, #tpu.memory_space<hbm>>
    tpu.enqueue_dma source(%dma_start3A_7 : memref<128xi32, #tpu.memory_space<hbm>>) target(%arg6 : memref<128xi32, #tpu.memory_space<vmem>>) target_semaphore(%arg10 : memref<!tpu.dma_semaphore, #tpu.memory_space<semaphore_mem>>)
    %dma_start3A_8 = arith.constant 0 : i32
    %dma_start3A_9 = tpu.memref_slice %arg2[%add3A_3, %dma_start3A_8] : memref<368640x128xf32, #tpu.memory_space<hbm>> -> memref<128x128xf32, #tpu.memory_space<hbm>>
    %dma_start3A_10 = arith.constant 0 : i32
    %dma_start3A_11 = tpu.memref_slice %arg2[%add3A_3, %dma_start3A_10] : memref<368640x128xf32, #tpu.memory_space<hbm>> -> memref<128x128xf32, #tpu.memory_space<hbm>>
    tpu.enqueue_dma source(%dma_start3A_11 : memref<128x128xf32, #tpu.memory_space<hbm>>) target(%arg8 : memref<128x128xf32, #tpu.memory_space<vmem>>) target_semaphore(%arg10 : memref<!tpu.dma_semaphore, #tpu.memory_space<semaphore_mem>>)
    %scan3A = arith.constant 0 : i32
    %scan3A_12 = arith.constant 0 : i32
    %scan3A_13 = arith.constant 90 : i32
    %scan3A_14 = arith.addi %scan3A_12, %scan3A_13 : i32
    %scan3A_15 = arith.constant 1 : i32
    scf.for %scan3A_22 = %scan3A_12 to %scan3A_14 step %scan3A_15  : i32 {
      %mul3A_23 = arith.constant 2 : i32
      %mul3A_24 = arith.muli %mul3A_23, %scan3A_22 : i32
      %add3A_25 = arith.constant 0 : i32
      %add3A_26 = arith.addi %mul3A_24, %add3A_25 : i32
      %add3A_27 = arith.constant 1 : i32
      %add3A_28 = arith.addi %add3A_26, %add3A_27 : i32
      %lt3A = arith.constant 180 : i32
      %lt3A_29 = arith.cmpi slt, %add3A_28, %lt3A : i32
      %convert_element_type3A = arith.extui %lt3A_29 : i1 to i32
      %cond3A = arith.constant 0 : i32
      %cond3A_30 = arith.cmpi ne, %convert_element_type3A, %cond3A : i32
      scf.if %cond3A_30 {
        %add3A_61 = arith.constant 1 : i32
        %add3A_62 = arith.addi %add3A_26, %add3A_61 : i32
        %mul3A_63 = arith.constant 23040 : i32
        %mul3A_64 = arith.muli %arg1, %mul3A_63 : i32
        %mul3A_65 = arith.constant 128 : i32
        %mul3A_66 = arith.muli %add3A_62, %mul3A_65 : i32
        %add3A_67 = arith.addi %mul3A_64, %mul3A_66 : i32
        %mul3A_68 = arith.constant 368640 : i32
        %mul3A_69 = arith.muli %arg0, %mul3A_68 : i32
        %add3A_70 = arith.addi %mul3A_69, %add3A_67 : i32
        %dma_start3A_71 = tpu.memref_slice %arg3[%add3A_70] : memref<737280xi32, #tpu.memory_space<hbm>> -> memref<128xi32, #tpu.memory_space<hbm>>
        %dma_start3A_72 = tpu.memref_slice %arg3[%add3A_70] : memref<737280xi32, #tpu.memory_space<hbm>> -> memref<128xi32, #tpu.memory_space<hbm>>
        tpu.enqueue_dma source(%dma_start3A_72 : memref<128xi32, #tpu.memory_space<hbm>>) target(%arg7 : memref<128xi32, #tpu.memory_space<vmem>>) target_semaphore(%arg11 : memref<!tpu.dma_semaphore, #tpu.memory_space<semaphore_mem>>)
        %dma_start3A_73 = arith.constant 0 : i32
        %dma_start3A_74 = tpu.memref_slice %arg2[%add3A_67, %dma_start3A_73] : memref<368640x128xf32, #tpu.memory_space<hbm>> -> memref<128x128xf32, #tpu.memory_space<hbm>>
        %dma_start3A_75 = arith.constant 0 : i32
        %dma_start3A_76 = tpu.memref_slice %arg2[%add3A_67, %dma_start3A_75] : memref<368640x128xf32, #tpu.memory_space<hbm>> -> memref<128x128xf32, #tpu.memory_space<hbm>>
        tpu.enqueue_dma source(%dma_start3A_76 : memref<128x128xf32, #tpu.memory_space<hbm>>) target(%arg9 : memref<128x128xf32, #tpu.memory_space<vmem>>) target_semaphore(%arg11 : memref<!tpu.dma_semaphore, #tpu.memory_space<semaphore_mem>>)
      } else {
      }
      %dma_wait3A = arith.constant 0 : i32
      %dma_wait3A_31 = tpu.memref_slice %arg3[%dma_wait3A] : memref<737280xi32, #tpu.memory_space<hbm>> -> memref<128xi32, #tpu.memory_space<hbm>>
      %dma_wait3A_32 = arith.constant 0 : i32
      %dma_wait3A_33 = tpu.memref_slice %arg3[%dma_wait3A_32] : memref<737280xi32, #tpu.memory_space<hbm>> -> memref<128xi32, #tpu.memory_space<hbm>>
      tpu.wait_dma2 semaphore(%arg10 : memref<!tpu.dma_semaphore, #tpu.memory_space<semaphore_mem>>) src(%dma_wait3A_33 : memref<128xi32, #tpu.memory_space<hbm>>) dst(%arg6 : memref<128xi32, #tpu.memory_space<vmem>>)
      %dma_wait3A_34 = arith.constant 0 : i32
      %dma_wait3A_35 = arith.constant 0 : i32
      %dma_wait3A_36 = tpu.memref_slice %arg2[%dma_wait3A_34, %dma_wait3A_35] : memref<368640x128xf32, #tpu.memory_space<hbm>> -> memref<128x128xf32, #tpu.memory_space<hbm>>
      %dma_wait3A_37 = arith.constant 0 : i32
      %dma_wait3A_38 = arith.constant 0 : i32
      %dma_wait3A_39 = tpu.memref_slice %arg2[%dma_wait3A_37, %dma_wait3A_38] : memref<368640x128xf32, #tpu.memory_space<hbm>> -> memref<128x128xf32, #tpu.memory_space<hbm>>
      tpu.wait_dma2 semaphore(%arg10 : memref<!tpu.dma_semaphore, #tpu.memory_space<semaphore_mem>>) src(%dma_wait3A_39 : memref<128x128xf32, #tpu.memory_space<hbm>>) dst(%arg8 : memref<128x128xf32, #tpu.memory_space<vmem>>)
      "tpu.region"() ({
        %run_scoped3A = tpu.sem_alloc : memref<!tpu.dma_semaphore, #tpu.memory_space<semaphore_mem>>
        %dma_start3A_61 = arith.constant 0 : i32
        %dma_start3A_62 = arith.constant 0 : i32
        %dma_start3A_63 = tpu.memref_slice %arg12[%dma_start3A_61, %dma_start3A_62] : memref<11648x128xf32, #tpu.memory_space<vmem_shared>> -> memref<11648x128xf32, #tpu.memory_space<vmem_shared>>
        tpu.enqueue_indirect_dma source(%arg8 : memref<128x128xf32, #tpu.memory_space<vmem>>) target(%dma_start3A_63 : memref<11648x128xf32, #tpu.memory_space<vmem_shared>>) offsets(%arg6 : memref<128xi32, #tpu.memory_space<vmem>>) semaphore(%run_scoped3A : memref<!tpu.dma_semaphore, #tpu.memory_space<semaphore_mem>>) {add = true}
        %dma_wait3A_64 = arith.constant 0 : i32
        %dma_wait3A_65 = arith.constant 0 : i32
        %dma_wait3A_66 = tpu.memref_slice %arg12[%dma_wait3A_64, %dma_wait3A_65] : memref<11648x128xf32, #tpu.memory_space<vmem_shared>> -> memref<11648x128xf32, #tpu.memory_space<vmem_shared>>
        tpu.wait_indirect_dma semaphore(%run_scoped3A : memref<!tpu.dma_semaphore, #tpu.memory_space<semaphore_mem>>) src(%arg8 : memref<128x128xf32, #tpu.memory_space<vmem>>) dst(%dma_wait3A_66 : memref<11648x128xf32, #tpu.memory_space<vmem_shared>>)
        tpu.yield
      }) : () -> ()
      %mul3A_40 = arith.constant 2 : i32
      %mul3A_41 = arith.muli %mul3A_40, %scan3A_22 : i32
      %add3A_42 = arith.constant 1 : i32
      %add3A_43 = arith.addi %mul3A_41, %add3A_42 : i32
      %add3A_44 = arith.constant 1 : i32
      %add3A_45 = arith.addi %add3A_43, %add3A_44 : i32
      %lt3A_46 = arith.constant 180 : i32
      %lt3A_47 = arith.cmpi slt, %add3A_45, %lt3A_46 : i32
      %convert_element_type3A_48 = arith.extui %lt3A_47 : i1 to i32
      %cond3A_49 = arith.constant 0 : i32
      %cond3A_50 = arith.cmpi ne, %convert_element_type3A_48, %cond3A_49 : i32
      scf.if %cond3A_50 {
        %add3A_61 = arith.constant 1 : i32
        %add3A_62 = arith.addi %add3A_43, %add3A_61 : i32
        %mul3A_63 = arith.constant 23040 : i32
        %mul3A_64 = arith.muli %arg1, %mul3A_63 : i32
        %mul3A_65 = arith.constant 128 : i32
        %mul3A_66 = arith.muli %add3A_62, %mul3A_65 : i32
        %add3A_67 = arith.addi %mul3A_64, %mul3A_66 : i32
        %mul3A_68 = arith.constant 368640 : i32
        %mul3A_69 = arith.muli %arg0, %mul3A_68 : i32
        %add3A_70 = arith.addi %mul3A_69, %add3A_67 : i32
        %dma_start3A_71 = tpu.memref_slice %arg3[%add3A_70] : memref<737280xi32, #tpu.memory_space<hbm>> -> memref<128xi32, #tpu.memory_space<hbm>>
        %dma_start3A_72 = tpu.memref_slice %arg3[%add3A_70] : memref<737280xi32, #tpu.memory_space<hbm>> -> memref<128xi32, #tpu.memory_space<hbm>>
        tpu.enqueue_dma source(%dma_start3A_72 : memref<128xi32, #tpu.memory_space<hbm>>) target(%arg6 : memref<128xi32, #tpu.memory_space<vmem>>) target_semaphore(%arg10 : memref<!tpu.dma_semaphore, #tpu.memory_space<semaphore_mem>>)
        %dma_start3A_73 = arith.constant 0 : i32
        %dma_start3A_74 = tpu.memref_slice %arg2[%add3A_67, %dma_start3A_73] : memref<368640x128xf32, #tpu.memory_space<hbm>> -> memref<128x128xf32, #tpu.memory_space<hbm>>
        %dma_start3A_75 = arith.constant 0 : i32
        %dma_start3A_76 = tpu.memref_slice %arg2[%add3A_67, %dma_start3A_75] : memref<368640x128xf32, #tpu.memory_space<hbm>> -> memref<128x128xf32, #tpu.memory_space<hbm>>
        tpu.enqueue_dma source(%dma_start3A_76 : memref<128x128xf32, #tpu.memory_space<hbm>>) target(%arg8 : memref<128x128xf32, #tpu.memory_space<vmem>>) target_semaphore(%arg10 : memref<!tpu.dma_semaphore, #tpu.memory_space<semaphore_mem>>)
      } else {
      }
      %dma_wait3A_51 = arith.constant 0 : i32
      %dma_wait3A_52 = tpu.memref_slice %arg3[%dma_wait3A_51] : memref<737280xi32, #tpu.memory_space<hbm>> -> memref<128xi32, #tpu.memory_space<hbm>>
      %dma_wait3A_53 = arith.constant 0 : i32
      %dma_wait3A_54 = tpu.memref_slice %arg3[%dma_wait3A_53] : memref<737280xi32, #tpu.memory_space<hbm>> -> memref<128xi32, #tpu.memory_space<hbm>>
      tpu.wait_dma2 semaphore(%arg11 : memref<!tpu.dma_semaphore, #tpu.memory_space<semaphore_mem>>) src(%dma_wait3A_54 : memref<128xi32, #tpu.memory_space<hbm>>) dst(%arg7 : memref<128xi32, #tpu.memory_space<vmem>>)
      %dma_wait3A_55 = arith.constant 0 : i32
      %dma_wait3A_56 = arith.constant 0 : i32
      %dma_wait3A_57 = tpu.memref_slice %arg2[%dma_wait3A_55, %dma_wait3A_56] : memref<368640x128xf32, #tpu.memory_space<hbm>> -> memref<128x128xf32, #tpu.memory_space<hbm>>
      %dma_wait3A_58 = arith.constant 0 : i32
      %dma_wait3A_59 = arith.constant 0 : i32
      %dma_wait3A_60 = tpu.memref_slice %arg2[%dma_wait3A_58, %dma_wait3A_59] : memref<368640x128xf32, #tpu.memory_space<hbm>> -> memref<128x128xf32, #tpu.memory_space<hbm>>
      tpu.wait_dma2 semaphore(%arg11 : memref<!tpu.dma_semaphore, #tpu.memory_space<semaphore_mem>>) src(%dma_wait3A_60 : memref<128x128xf32, #tpu.memory_space<hbm>>) dst(%arg9 : memref<128x128xf32, #tpu.memory_space<vmem>>)
      "tpu.region"() ({
        %run_scoped3A = tpu.sem_alloc : memref<!tpu.dma_semaphore, #tpu.memory_space<semaphore_mem>>
        %dma_start3A_61 = arith.constant 0 : i32
        %dma_start3A_62 = arith.constant 0 : i32
        %dma_start3A_63 = tpu.memref_slice %arg12[%dma_start3A_61, %dma_start3A_62] : memref<11648x128xf32, #tpu.memory_space<vmem_shared>> -> memref<11648x128xf32, #tpu.memory_space<vmem_shared>>
        tpu.enqueue_indirect_dma source(%arg9 : memref<128x128xf32, #tpu.memory_space<vmem>>) target(%dma_start3A_63 : memref<11648x128xf32, #tpu.memory_space<vmem_shared>>) offsets(%arg7 : memref<128xi32, #tpu.memory_space<vmem>>) semaphore(%run_scoped3A : memref<!tpu.dma_semaphore, #tpu.memory_space<semaphore_mem>>) {add = true}
        %dma_wait3A_64 = arith.constant 0 : i32
        %dma_wait3A_65 = arith.constant 0 : i32
        %dma_wait3A_66 = tpu.memref_slice %arg12[%dma_wait3A_64, %dma_wait3A_65] : memref<11648x128xf32, #tpu.memory_space<vmem_shared>> -> memref<11648x128xf32, #tpu.memory_space<vmem_shared>>
        tpu.wait_indirect_dma semaphore(%run_scoped3A : memref<!tpu.dma_semaphore, #tpu.memory_space<semaphore_mem>>) src(%arg9 : memref<128x128xf32, #tpu.memory_space<vmem>>) dst(%dma_wait3A_66 : memref<11648x128xf32, #tpu.memory_space<vmem_shared>>)
        tpu.yield
      }) : () -> ()
    }
    %scan3A_16 = arith.constant 90 : i32
    %barrier3A_17 = arith.constant 0 : index
    tpu.barrier barrier_id(%barrier3A_17)
    %mul3A_18 = arith.constant 728 : i32
    %mul3A_19 = arith.muli %arg1, %mul3A_18 : i32
    %mul3A_20 = arith.constant 728 : i32
    %mul3A_21 = arith.muli %arg1, %mul3A_20 : i32
    "tpu.region"() ({
      %run_scoped3A = tpu.sem_alloc : memref<!tpu.dma_semaphore, #tpu.memory_space<semaphore_mem>>
      %dma_start3A_22 = arith.constant 0 : i32
      %dma_start3A_23 = tpu.memref_slice %arg5[%arg0, %mul3A_21, %dma_start3A_22] : memref<2x11648x128xf32, #tpu.memory_space<hbm>> -> memref<1x728x128xf32, #tpu.memory_space<hbm>>
      %dma_start3A_24 = tpu.memref_squeeze %dma_start3A_23 : memref<1x728x128xf32, #tpu.memory_space<hbm>> -> memref<728x128xf32, #tpu.memory_space<hbm>>
      %dma_start3A_25 = arith.constant 0 : i32
      %dma_start3A_26 = tpu.memref_slice %arg12[%mul3A_19, %dma_start3A_25] : memref<11648x128xf32, #tpu.memory_space<vmem_shared>> -> memref<728x128xf32, #tpu.memory_space<vmem_shared>>
      tpu.enqueue_dma source(%dma_start3A_26 : memref<728x128xf32, #tpu.memory_space<vmem_shared>>) target(%dma_start3A_24 : memref<728x128xf32, #tpu.memory_space<hbm>>) target_semaphore(%run_scoped3A : memref<!tpu.dma_semaphore, #tpu.memory_space<semaphore_mem>>)
      %dma_wait3A = arith.constant 0 : i32
      %dma_wait3A_27 = tpu.memref_slice %arg5[%arg0, %mul3A_21, %dma_wait3A] : memref<2x11648x128xf32, #tpu.memory_space<hbm>> -> memref<1x728x128xf32, #tpu.memory_space<hbm>>
      %dma_wait3A_28 = tpu.memref_squeeze %dma_wait3A_27 : memref<1x728x128xf32, #tpu.memory_space<hbm>> -> memref<728x128xf32, #tpu.memory_space<hbm>>
      %dma_wait3A_29 = arith.constant 0 : i32
      %dma_wait3A_30 = tpu.memref_slice %arg12[%mul3A_19, %dma_wait3A_29] : memref<11648x128xf32, #tpu.memory_space<vmem_shared>> -> memref<728x128xf32, #tpu.memory_space<vmem_shared>>
      tpu.wait_dma2 semaphore(%run_scoped3A : memref<!tpu.dma_semaphore, #tpu.memory_space<semaphore_mem>>) src(%dma_wait3A_30 : memref<728x128xf32, #tpu.memory_space<vmem_shared>>) dst(%dma_wait3A_28 : memref<728x128xf32, #tpu.memory_space<hbm>>)
      tpu.yield
    }) : () -> ()
    return
  }
}

#map = affine_map<(d0, d1) -> (0, 0)>
#map1 = affine_map<(d0, d1) -> (0)>
module attributes {stable_mosaic.version = 14 : i64} {
  func.func @gath(%arg0: i32, %arg1: i32, %arg2: memref<10000x256xf32, #tpu.memory_space<hbm>>, %arg3: memref<23040x128xf32, #tpu.memory_space<hbm>>, %arg4: memref<368640xi32, #tpu.memory_space<hbm>>, %arg5: memref<368640xi32, #tpu.memory_space<hbm>>, %arg6: memref<368640x256xf32, #tpu.memory_space<hbm>>, %arg7: memref<368640x128xf32, #tpu.memory_space<hbm>>, %arg8: memref<2x128xi32, #tpu.memory_space<vmem>>, %arg9: memref<2x128xi32, #tpu.memory_space<vmem>>, %arg10: memref<128x256xf32, #tpu.memory_space<vmem>>, %arg11: memref<128x256xf32, #tpu.memory_space<vmem>>, %arg12: memref<128x128xf32, #tpu.memory_space<vmem>>, %arg13: memref<128x128xf32, #tpu.memory_space<vmem>>, %arg14: memref<!tpu.dma_semaphore, #tpu.memory_space<semaphore_mem>>, %arg15: memref<!tpu.dma_semaphore, #tpu.memory_space<semaphore_mem>>, %arg16: memref<!tpu.dma_semaphore, #tpu.memory_space<semaphore_mem>>, %arg17: memref<!tpu.dma_semaphore, #tpu.memory_space<semaphore_mem>>, %arg18: memref<!tpu.dma_semaphore, #tpu.memory_space<semaphore_mem>>, %arg19: memref<!tpu.dma_semaphore, #tpu.memory_space<semaphore_mem>>) attributes {dimension_semantics = [#tpu.dimension_semantics<core_parallel>, #tpu.dimension_semantics<subcore_parallel>], iteration_bounds = array<i64: 2, 16>, scalar_prefetch = 0 : i64, scratch_operands = 12 : i64, tpu.core_type = #tpu.core_type<sc_vector_subcore>, window_params = [{transform_indices = #map}, {transform_indices = #map}, {transform_indices = #map1}, {transform_indices = #map1}, {transform_indices = #map}, {transform_indices = #map}]} {
    %mul3A = arith.constant 2 : i32
    %mul3A_0 = arith.muli %arg1, %mul3A : i32
    %add3A = arith.addi %mul3A_0, %arg0 : i32
    %mul3A_1 = arith.constant 11520 : i32
    %mul3A_2 = arith.muli %add3A, %mul3A_1 : i32
    %add3A_3 = arith.constant 0 : i32
    %add3A_4 = arith.addi %mul3A_2, %add3A_3 : i32
    %dma_start3A = arith.constant 0 : i32
    %dma_start3A_5 = arith.constant 0 : i32
    %dma_start3A_6 = tpu.memref_slice %arg8[%dma_start3A, %dma_start3A_5] : memref<2x128xi32, #tpu.memory_space<vmem>> -> memref<1x128xi32, #tpu.memory_space<vmem>>
    %dma_start3A_7 = tpu.memref_squeeze %dma_start3A_6 : memref<1x128xi32, #tpu.memory_space<vmem>> -> memref<128xi32, #tpu.memory_space<vmem>>
    %dma_start3A_8 = tpu.memref_slice %arg4[%add3A_4] : memref<368640xi32, #tpu.memory_space<hbm>> -> memref<128xi32, #tpu.memory_space<hbm>>
    %dma_start3A_9 = arith.constant 0 : i32
    %dma_start3A_10 = tpu.memref_slice %arg8[%dma_start3A, %dma_start3A_9] : memref<2x128xi32, #tpu.memory_space<vmem>> -> memref<1x128xi32, #tpu.memory_space<vmem>>
    %dma_start3A_11 = tpu.memref_squeeze %dma_start3A_10 : memref<1x128xi32, #tpu.memory_space<vmem>> -> memref<128xi32, #tpu.memory_space<vmem>>
    %dma_start3A_12 = tpu.memref_slice %arg4[%add3A_4] : memref<368640xi32, #tpu.memory_space<hbm>> -> memref<128xi32, #tpu.memory_space<hbm>>
    tpu.enqueue_dma source(%dma_start3A_12 : memref<128xi32, #tpu.memory_space<hbm>>) target(%dma_start3A_11 : memref<128xi32, #tpu.memory_space<vmem>>) target_semaphore(%arg14 : memref<!tpu.dma_semaphore, #tpu.memory_space<semaphore_mem>>)
    %dma_start3A_13 = arith.constant 0 : i32
    %dma_start3A_14 = arith.constant 0 : i32
    %dma_start3A_15 = tpu.memref_slice %arg9[%dma_start3A_13, %dma_start3A_14] : memref<2x128xi32, #tpu.memory_space<vmem>> -> memref<1x128xi32, #tpu.memory_space<vmem>>
    %dma_start3A_16 = tpu.memref_squeeze %dma_start3A_15 : memref<1x128xi32, #tpu.memory_space<vmem>> -> memref<128xi32, #tpu.memory_space<vmem>>
    %dma_start3A_17 = tpu.memref_slice %arg5[%add3A_4] : memref<368640xi32, #tpu.memory_space<hbm>> -> memref<128xi32, #tpu.memory_space<hbm>>
    %dma_start3A_18 = arith.constant 0 : i32
    %dma_start3A_19 = tpu.memref_slice %arg9[%dma_start3A_13, %dma_start3A_18] : memref<2x128xi32, #tpu.memory_space<vmem>> -> memref<1x128xi32, #tpu.memory_space<vmem>>
    %dma_start3A_20 = tpu.memref_squeeze %dma_start3A_19 : memref<1x128xi32, #tpu.memory_space<vmem>> -> memref<128xi32, #tpu.memory_space<vmem>>
    %dma_start3A_21 = tpu.memref_slice %arg5[%add3A_4] : memref<368640xi32, #tpu.memory_space<hbm>> -> memref<128xi32, #tpu.memory_space<hbm>>
    tpu.enqueue_dma source(%dma_start3A_21 : memref<128xi32, #tpu.memory_space<hbm>>) target(%dma_start3A_20 : memref<128xi32, #tpu.memory_space<vmem>>) target_semaphore(%arg14 : memref<!tpu.dma_semaphore, #tpu.memory_space<semaphore_mem>>)
    %mul3A_22 = arith.constant 11520 : i32
    %mul3A_23 = arith.muli %add3A, %mul3A_22 : i32
    %add3A_24 = arith.constant 128 : i32
    %add3A_25 = arith.addi %mul3A_23, %add3A_24 : i32
    %dma_start3A_26 = arith.constant 1 : i32
    %dma_start3A_27 = arith.constant 0 : i32
    %dma_start3A_28 = tpu.memref_slice %arg8[%dma_start3A_26, %dma_start3A_27] : memref<2x128xi32, #tpu.memory_space<vmem>> -> memref<1x128xi32, #tpu.memory_space<vmem>>
    %dma_start3A_29 = tpu.memref_squeeze %dma_start3A_28 : memref<1x128xi32, #tpu.memory_space<vmem>> -> memref<128xi32, #tpu.memory_space<vmem>>
    %dma_start3A_30 = tpu.memref_slice %arg4[%add3A_25] : memref<368640xi32, #tpu.memory_space<hbm>> -> memref<128xi32, #tpu.memory_space<hbm>>
    %dma_start3A_31 = arith.constant 0 : i32
    %dma_start3A_32 = tpu.memref_slice %arg8[%dma_start3A_26, %dma_start3A_31] : memref<2x128xi32, #tpu.memory_space<vmem>> -> memref<1x128xi32, #tpu.memory_space<vmem>>
    %dma_start3A_33 = tpu.memref_squeeze %dma_start3A_32 : memref<1x128xi32, #tpu.memory_space<vmem>> -> memref<128xi32, #tpu.memory_space<vmem>>
    %dma_start3A_34 = tpu.memref_slice %arg4[%add3A_25] : memref<368640xi32, #tpu.memory_space<hbm>> -> memref<128xi32, #tpu.memory_space<hbm>>
    tpu.enqueue_dma source(%dma_start3A_34 : memref<128xi32, #tpu.memory_space<hbm>>) target(%dma_start3A_33 : memref<128xi32, #tpu.memory_space<vmem>>) target_semaphore(%arg15 : memref<!tpu.dma_semaphore, #tpu.memory_space<semaphore_mem>>)
    %dma_start3A_35 = arith.constant 1 : i32
    %dma_start3A_36 = arith.constant 0 : i32
    %dma_start3A_37 = tpu.memref_slice %arg9[%dma_start3A_35, %dma_start3A_36] : memref<2x128xi32, #tpu.memory_space<vmem>> -> memref<1x128xi32, #tpu.memory_space<vmem>>
    %dma_start3A_38 = tpu.memref_squeeze %dma_start3A_37 : memref<1x128xi32, #tpu.memory_space<vmem>> -> memref<128xi32, #tpu.memory_space<vmem>>
    %dma_start3A_39 = tpu.memref_slice %arg5[%add3A_25] : memref<368640xi32, #tpu.memory_space<hbm>> -> memref<128xi32, #tpu.memory_space<hbm>>
    %dma_start3A_40 = arith.constant 0 : i32
    %dma_start3A_41 = tpu.memref_slice %arg9[%dma_start3A_35, %dma_start3A_40] : memref<2x128xi32, #tpu.memory_space<vmem>> -> memref<1x128xi32, #tpu.memory_space<vmem>>
    %dma_start3A_42 = tpu.memref_squeeze %dma_start3A_41 : memref<1x128xi32, #tpu.memory_space<vmem>> -> memref<128xi32, #tpu.memory_space<vmem>>
    %dma_start3A_43 = tpu.memref_slice %arg5[%add3A_25] : memref<368640xi32, #tpu.memory_space<hbm>> -> memref<128xi32, #tpu.memory_space<hbm>>
    tpu.enqueue_dma source(%dma_start3A_43 : memref<128xi32, #tpu.memory_space<hbm>>) target(%dma_start3A_42 : memref<128xi32, #tpu.memory_space<vmem>>) target_semaphore(%arg15 : memref<!tpu.dma_semaphore, #tpu.memory_space<semaphore_mem>>)
    %scan3A = arith.constant 0 : i32
    %scan3A_44 = arith.constant 0 : i32
    %scan3A_45 = arith.constant 45 : i32
    %scan3A_46 = arith.addi %scan3A_44, %scan3A_45 : i32
    %scan3A_47 = arith.constant 1 : i32
    scf.for %scan3A_72 = %scan3A_44 to %scan3A_46 step %scan3A_47  : i32 {
      %mul3A_73 = arith.constant 2 : i32
      %mul3A_74 = arith.muli %mul3A_73, %scan3A_72 : i32
      %add3A_75 = arith.constant 0 : i32
      %add3A_76 = arith.addi %mul3A_74, %add3A_75 : i32
      %ge3A = arith.constant 2 : i32
      %ge3A_77 = arith.cmpi sge, %add3A_76, %ge3A : i32
      %convert_element_type3A = arith.extui %ge3A_77 : i1 to i32
      %cond3A = arith.constant 0 : i32
      %cond3A_78 = arith.cmpi ne, %convert_element_type3A, %cond3A : i32
      scf.if %cond3A_78 {
        %dma_wait3A_227 = arith.constant 0 : i32
        %dma_wait3A_228 = arith.constant 0 : i32
        %dma_wait3A_229 = tpu.memref_slice %arg6[%dma_wait3A_227, %dma_wait3A_228] : memref<368640x256xf32, #tpu.memory_space<hbm>> -> memref<128x256xf32, #tpu.memory_space<hbm>>
        %dma_wait3A_230 = arith.constant 0 : i32
        %dma_wait3A_231 = arith.constant 0 : i32
        %dma_wait3A_232 = tpu.memref_slice %arg6[%dma_wait3A_230, %dma_wait3A_231] : memref<368640x256xf32, #tpu.memory_space<hbm>> -> memref<128x256xf32, #tpu.memory_space<hbm>>
        tpu.wait_dma2 semaphore(%arg18 : memref<!tpu.dma_semaphore, #tpu.memory_space<semaphore_mem>>) src(%arg10 : memref<128x256xf32, #tpu.memory_space<vmem>>) dst(%dma_wait3A_232 : memref<128x256xf32, #tpu.memory_space<hbm>>)
        %dma_wait3A_233 = arith.constant 0 : i32
        %dma_wait3A_234 = arith.constant 0 : i32
        %dma_wait3A_235 = tpu.memref_slice %arg7[%dma_wait3A_233, %dma_wait3A_234] : memref<368640x128xf32, #tpu.memory_space<hbm>> -> memref<128x128xf32, #tpu.memory_space<hbm>>
        %dma_wait3A_236 = arith.constant 0 : i32
        %dma_wait3A_237 = arith.constant 0 : i32
        %dma_wait3A_238 = tpu.memref_slice %arg7[%dma_wait3A_236, %dma_wait3A_237] : memref<368640x128xf32, #tpu.memory_space<hbm>> -> memref<128x128xf32, #tpu.memory_space<hbm>>
        tpu.wait_dma2 semaphore(%arg18 : memref<!tpu.dma_semaphore, #tpu.memory_space<semaphore_mem>>) src(%arg12 : memref<128x128xf32, #tpu.memory_space<vmem>>) dst(%dma_wait3A_238 : memref<128x128xf32, #tpu.memory_space<hbm>>)
      } else {
      }
      %dma_wait3A_79 = arith.constant 0 : i32
      %dma_wait3A_80 = arith.constant 0 : i32
      %dma_wait3A_81 = tpu.memref_slice %arg8[%dma_wait3A_79, %dma_wait3A_80] : memref<2x128xi32, #tpu.memory_space<vmem>> -> memref<1x128xi32, #tpu.memory_space<vmem>>
      %dma_wait3A_82 = tpu.memref_squeeze %dma_wait3A_81 : memref<1x128xi32, #tpu.memory_space<vmem>> -> memref<128xi32, #tpu.memory_space<vmem>>
      %dma_wait3A_83 = arith.constant 0 : i32
      %dma_wait3A_84 = tpu.memref_slice %arg4[%dma_wait3A_83] : memref<368640xi32, #tpu.memory_space<hbm>> -> memref<128xi32, #tpu.memory_space<hbm>>
      %dma_wait3A_85 = arith.constant 0 : i32
      %dma_wait3A_86 = tpu.memref_slice %arg8[%dma_wait3A_79, %dma_wait3A_85] : memref<2x128xi32, #tpu.memory_space<vmem>> -> memref<1x128xi32, #tpu.memory_space<vmem>>
      %dma_wait3A_87 = tpu.memref_squeeze %dma_wait3A_86 : memref<1x128xi32, #tpu.memory_space<vmem>> -> memref<128xi32, #tpu.memory_space<vmem>>
      %dma_wait3A_88 = arith.constant 0 : i32
      %dma_wait3A_89 = tpu.memref_slice %arg4[%dma_wait3A_88] : memref<368640xi32, #tpu.memory_space<hbm>> -> memref<128xi32, #tpu.memory_space<hbm>>
      tpu.wait_dma2 semaphore(%arg14 : memref<!tpu.dma_semaphore, #tpu.memory_space<semaphore_mem>>) src(%dma_wait3A_89 : memref<128xi32, #tpu.memory_space<hbm>>) dst(%dma_wait3A_87 : memref<128xi32, #tpu.memory_space<vmem>>)
      %dma_wait3A_90 = arith.constant 0 : i32
      %dma_wait3A_91 = arith.constant 0 : i32
      %dma_wait3A_92 = tpu.memref_slice %arg9[%dma_wait3A_90, %dma_wait3A_91] : memref<2x128xi32, #tpu.memory_space<vmem>> -> memref<1x128xi32, #tpu.memory_space<vmem>>
      %dma_wait3A_93 = tpu.memref_squeeze %dma_wait3A_92 : memref<1x128xi32, #tpu.memory_space<vmem>> -> memref<128xi32, #tpu.memory_space<vmem>>
      %dma_wait3A_94 = arith.constant 0 : i32
      %dma_wait3A_95 = tpu.memref_slice %arg5[%dma_wait3A_94] : memref<368640xi32, #tpu.memory_space<hbm>> -> memref<128xi32, #tpu.memory_space<hbm>>
      %dma_wait3A_96 = arith.constant 0 : i32
      %dma_wait3A_97 = tpu.memref_slice %arg9[%dma_wait3A_90, %dma_wait3A_96] : memref<2x128xi32, #tpu.memory_space<vmem>> -> memref<1x128xi32, #tpu.memory_space<vmem>>
      %dma_wait3A_98 = tpu.memref_squeeze %dma_wait3A_97 : memref<1x128xi32, #tpu.memory_space<vmem>> -> memref<128xi32, #tpu.memory_space<vmem>>
      %dma_wait3A_99 = arith.constant 0 : i32
      %dma_wait3A_100 = tpu.memref_slice %arg5[%dma_wait3A_99] : memref<368640xi32, #tpu.memory_space<hbm>> -> memref<128xi32, #tpu.memory_space<hbm>>
      tpu.wait_dma2 semaphore(%arg14 : memref<!tpu.dma_semaphore, #tpu.memory_space<semaphore_mem>>) src(%dma_wait3A_100 : memref<128xi32, #tpu.memory_space<hbm>>) dst(%dma_wait3A_98 : memref<128xi32, #tpu.memory_space<vmem>>)
      %dma_start3A_101 = arith.constant 0 : i32
      %dma_start3A_102 = arith.constant 0 : i32
      %dma_start3A_103 = tpu.memref_slice %arg8[%dma_start3A_101, %dma_start3A_102] : memref<2x128xi32, #tpu.memory_space<vmem>> -> memref<1x128xi32, #tpu.memory_space<vmem>>
      %dma_start3A_104 = tpu.memref_squeeze %dma_start3A_103 : memref<1x128xi32, #tpu.memory_space<vmem>> -> memref<128xi32, #tpu.memory_space<vmem>>
      %dma_start3A_105 = arith.constant 0 : i32
      %dma_start3A_106 = arith.constant 0 : i32
      %dma_start3A_107 = tpu.memref_slice %arg2[%dma_start3A_105, %dma_start3A_106] : memref<10000x256xf32, #tpu.memory_space<hbm>> -> memref<10000x256xf32, #tpu.memory_space<hbm>>
      tpu.enqueue_indirect_dma source(%dma_start3A_107 : memref<10000x256xf32, #tpu.memory_space<hbm>>) target(%arg10 : memref<128x256xf32, #tpu.memory_space<vmem>>) offsets(%dma_start3A_104 : memref<128xi32, #tpu.memory_space<vmem>>) semaphore(%arg16 : memref<!tpu.dma_semaphore, #tpu.memory_space<semaphore_mem>>)
      %dma_start3A_108 = arith.constant 0 : i32
      %dma_start3A_109 = arith.constant 0 : i32
      %dma_start3A_110 = tpu.memref_slice %arg9[%dma_start3A_108, %dma_start3A_109] : memref<2x128xi32, #tpu.memory_space<vmem>> -> memref<1x128xi32, #tpu.memory_space<vmem>>
      %dma_start3A_111 = tpu.memref_squeeze %dma_start3A_110 : memref<1x128xi32, #tpu.memory_space<vmem>> -> memref<128xi32, #tpu.memory_space<vmem>>
      %dma_start3A_112 = arith.constant 0 : i32
      %dma_start3A_113 = arith.constant 0 : i32
      %dma_start3A_114 = tpu.memref_slice %arg3[%dma_start3A_112, %dma_start3A_113] : memref<23040x128xf32, #tpu.memory_space<hbm>> -> memref<23040x128xf32, #tpu.memory_space<hbm>>
      tpu.enqueue_indirect_dma source(%dma_start3A_114 : memref<23040x128xf32, #tpu.memory_space<hbm>>) target(%arg12 : memref<128x128xf32, #tpu.memory_space<vmem>>) offsets(%dma_start3A_111 : memref<128xi32, #tpu.memory_space<vmem>>) semaphore(%arg16 : memref<!tpu.dma_semaphore, #tpu.memory_space<semaphore_mem>>)
      %dma_wait3A_115 = arith.constant 0 : i32
      %dma_wait3A_116 = arith.constant 0 : i32
      %dma_wait3A_117 = tpu.memref_slice %arg8[%dma_wait3A_115, %dma_wait3A_116] : memref<2x128xi32, #tpu.memory_space<vmem>> -> memref<1x128xi32, #tpu.memory_space<vmem>>
      %dma_wait3A_118 = tpu.memref_squeeze %dma_wait3A_117 : memref<1x128xi32, #tpu.memory_space<vmem>> -> memref<128xi32, #tpu.memory_space<vmem>>
      %dma_wait3A_119 = arith.constant 0 : i32
      %dma_wait3A_120 = arith.constant 0 : i32
      %dma_wait3A_121 = tpu.memref_slice %arg2[%dma_wait3A_119, %dma_wait3A_120] : memref<10000x256xf32, #tpu.memory_space<hbm>> -> memref<10000x256xf32, #tpu.memory_space<hbm>>
      tpu.wait_indirect_dma semaphore(%arg16 : memref<!tpu.dma_semaphore, #tpu.memory_space<semaphore_mem>>) src(%dma_wait3A_121 : memref<10000x256xf32, #tpu.memory_space<hbm>>) dst(%arg10 : memref<128x256xf32, #tpu.memory_space<vmem>>)
      %dma_wait3A_122 = arith.constant 0 : i32
      %dma_wait3A_123 = arith.constant 0 : i32
      %dma_wait3A_124 = tpu.memref_slice %arg9[%dma_wait3A_122, %dma_wait3A_123] : memref<2x128xi32, #tpu.memory_space<vmem>> -> memref<1x128xi32, #tpu.memory_space<vmem>>
      %dma_wait3A_125 = tpu.memref_squeeze %dma_wait3A_124 : memref<1x128xi32, #tpu.memory_space<vmem>> -> memref<128xi32, #tpu.memory_space<vmem>>
      %dma_wait3A_126 = arith.constant 0 : i32
      %dma_wait3A_127 = arith.constant 0 : i32
      %dma_wait3A_128 = tpu.memref_slice %arg3[%dma_wait3A_126, %dma_wait3A_127] : memref<23040x128xf32, #tpu.memory_space<hbm>> -> memref<23040x128xf32, #tpu.memory_space<hbm>>
      tpu.wait_indirect_dma semaphore(%arg16 : memref<!tpu.dma_semaphore, #tpu.memory_space<semaphore_mem>>) src(%dma_wait3A_128 : memref<23040x128xf32, #tpu.memory_space<hbm>>) dst(%arg12 : memref<128x128xf32, #tpu.memory_space<vmem>>)
      %add3A_129 = arith.constant 2 : i32
      %add3A_130 = arith.addi %add3A_76, %add3A_129 : i32
      %lt3A = arith.constant 90 : i32
      %lt3A_131 = arith.cmpi slt, %add3A_130, %lt3A : i32
      %convert_element_type3A_132 = arith.extui %lt3A_131 : i1 to i32
      %cond3A_133 = arith.constant 0 : i32
      %cond3A_134 = arith.cmpi ne, %convert_element_type3A_132, %cond3A_133 : i32
      scf.if %cond3A_134 {
        %add3A_227 = arith.constant 2 : i32
        %add3A_228 = arith.addi %add3A_76, %add3A_227 : i32
        %mul3A_229 = arith.constant 11520 : i32
        %mul3A_230 = arith.muli %add3A, %mul3A_229 : i32
        %mul3A_231 = arith.constant 128 : i32
        %mul3A_232 = arith.muli %add3A_228, %mul3A_231 : i32
        %add3A_233 = arith.addi %mul3A_230, %mul3A_232 : i32
        %dma_start3A_234 = arith.constant 0 : i32
        %dma_start3A_235 = arith.constant 0 : i32
        %dma_start3A_236 = tpu.memref_slice %arg8[%dma_start3A_234, %dma_start3A_235] : memref<2x128xi32, #tpu.memory_space<vmem>> -> memref<1x128xi32, #tpu.memory_space<vmem>>
        %dma_start3A_237 = tpu.memref_squeeze %dma_start3A_236 : memref<1x128xi32, #tpu.memory_space<vmem>> -> memref<128xi32, #tpu.memory_space<vmem>>
        %dma_start3A_238 = tpu.memref_slice %arg4[%add3A_233] : memref<368640xi32, #tpu.memory_space<hbm>> -> memref<128xi32, #tpu.memory_space<hbm>>
        %dma_start3A_239 = arith.constant 0 : i32
        %dma_start3A_240 = tpu.memref_slice %arg8[%dma_start3A_234, %dma_start3A_239] : memref<2x128xi32, #tpu.memory_space<vmem>> -> memref<1x128xi32, #tpu.memory_space<vmem>>
        %dma_start3A_241 = tpu.memref_squeeze %dma_start3A_240 : memref<1x128xi32, #tpu.memory_space<vmem>> -> memref<128xi32, #tpu.memory_space<vmem>>
        %dma_start3A_242 = tpu.memref_slice %arg4[%add3A_233] : memref<368640xi32, #tpu.memory_space<hbm>> -> memref<128xi32, #tpu.memory_space<hbm>>
        tpu.enqueue_dma source(%dma_start3A_242 : memref<128xi32, #tpu.memory_space<hbm>>) target(%dma_start3A_241 : memref<128xi32, #tpu.memory_space<vmem>>) target_semaphore(%arg14 : memref<!tpu.dma_semaphore, #tpu.memory_space<semaphore_mem>>)
        %dma_start3A_243 = arith.constant 0 : i32
        %dma_start3A_244 = arith.constant 0 : i32
        %dma_start3A_245 = tpu.memref_slice %arg9[%dma_start3A_243, %dma_start3A_244] : memref<2x128xi32, #tpu.memory_space<vmem>> -> memref<1x128xi32, #tpu.memory_space<vmem>>
        %dma_start3A_246 = tpu.memref_squeeze %dma_start3A_245 : memref<1x128xi32, #tpu.memory_space<vmem>> -> memref<128xi32, #tpu.memory_space<vmem>>
        %dma_start3A_247 = tpu.memref_slice %arg5[%add3A_233] : memref<368640xi32, #tpu.memory_space<hbm>> -> memref<128xi32, #tpu.memory_space<hbm>>
        %dma_start3A_248 = arith.constant 0 : i32
        %dma_start3A_249 = tpu.memref_slice %arg9[%dma_start3A_243, %dma_start3A_248] : memref<2x128xi32, #tpu.memory_space<vmem>> -> memref<1x128xi32, #tpu.memory_space<vmem>>
        %dma_start3A_250 = tpu.memref_squeeze %dma_start3A_249 : memref<1x128xi32, #tpu.memory_space<vmem>> -> memref<128xi32, #tpu.memory_space<vmem>>
        %dma_start3A_251 = tpu.memref_slice %arg5[%add3A_233] : memref<368640xi32, #tpu.memory_space<hbm>> -> memref<128xi32, #tpu.memory_space<hbm>>
        tpu.enqueue_dma source(%dma_start3A_251 : memref<128xi32, #tpu.memory_space<hbm>>) target(%dma_start3A_250 : memref<128xi32, #tpu.memory_space<vmem>>) target_semaphore(%arg14 : memref<!tpu.dma_semaphore, #tpu.memory_space<semaphore_mem>>)
      } else {
      }
      %mul3A_135 = arith.constant 11520 : i32
      %mul3A_136 = arith.muli %add3A, %mul3A_135 : i32
      %mul3A_137 = arith.constant 128 : i32
      %mul3A_138 = arith.muli %add3A_76, %mul3A_137 : i32
      %add3A_139 = arith.addi %mul3A_136, %mul3A_138 : i32
      %dma_start3A_140 = arith.constant 0 : i32
      %dma_start3A_141 = tpu.memref_slice %arg6[%add3A_139, %dma_start3A_140] : memref<368640x256xf32, #tpu.memory_space<hbm>> -> memref<128x256xf32, #tpu.memory_space<hbm>>
      %dma_start3A_142 = arith.constant 0 : i32
      %dma_start3A_143 = tpu.memref_slice %arg6[%add3A_139, %dma_start3A_142] : memref<368640x256xf32, #tpu.memory_space<hbm>> -> memref<128x256xf32, #tpu.memory_space<hbm>>
      tpu.enqueue_dma source(%arg10 : memref<128x256xf32, #tpu.memory_space<vmem>>) target(%dma_start3A_143 : memref<128x256xf32, #tpu.memory_space<hbm>>) target_semaphore(%arg18 : memref<!tpu.dma_semaphore, #tpu.memory_space<semaphore_mem>>)
      %dma_start3A_144 = arith.constant 0 : i32
      %dma_start3A_145 = tpu.memref_slice %arg7[%add3A_139, %dma_start3A_144] : memref<368640x128xf32, #tpu.memory_space<hbm>> -> memref<128x128xf32, #tpu.memory_space<hbm>>
      %dma_start3A_146 = arith.constant 0 : i32
      %dma_start3A_147 = tpu.memref_slice %arg7[%add3A_139, %dma_start3A_146] : memref<368640x128xf32, #tpu.memory_space<hbm>> -> memref<128x128xf32, #tpu.memory_space<hbm>>
      tpu.enqueue_dma source(%arg12 : memref<128x128xf32, #tpu.memory_space<vmem>>) target(%dma_start3A_147 : memref<128x128xf32, #tpu.memory_space<hbm>>) target_semaphore(%arg18 : memref<!tpu.dma_semaphore, #tpu.memory_space<semaphore_mem>>)
      %mul3A_148 = arith.constant 2 : i32
      %mul3A_149 = arith.muli %mul3A_148, %scan3A_72 : i32
      %add3A_150 = arith.constant 1 : i32
      %add3A_151 = arith.addi %mul3A_149, %add3A_150 : i32
      %ge3A_152 = arith.constant 2 : i32
      %ge3A_153 = arith.cmpi sge, %add3A_151, %ge3A_152 : i32
      %convert_element_type3A_154 = arith.extui %ge3A_153 : i1 to i32
      %cond3A_155 = arith.constant 0 : i32
      %cond3A_156 = arith.cmpi ne, %convert_element_type3A_154, %cond3A_155 : i32
      scf.if %cond3A_156 {
        %dma_wait3A_227 = arith.constant 0 : i32
        %dma_wait3A_228 = arith.constant 0 : i32
        %dma_wait3A_229 = tpu.memref_slice %arg6[%dma_wait3A_227, %dma_wait3A_228] : memref<368640x256xf32, #tpu.memory_space<hbm>> -> memref<128x256xf32, #tpu.memory_space<hbm>>
        %dma_wait3A_230 = arith.constant 0 : i32
        %dma_wait3A_231 = arith.constant 0 : i32
        %dma_wait3A_232 = tpu.memref_slice %arg6[%dma_wait3A_230, %dma_wait3A_231] : memref<368640x256xf32, #tpu.memory_space<hbm>> -> memref<128x256xf32, #tpu.memory_space<hbm>>
        tpu.wait_dma2 semaphore(%arg19 : memref<!tpu.dma_semaphore, #tpu.memory_space<semaphore_mem>>) src(%arg11 : memref<128x256xf32, #tpu.memory_space<vmem>>) dst(%dma_wait3A_232 : memref<128x256xf32, #tpu.memory_space<hbm>>)
        %dma_wait3A_233 = arith.constant 0 : i32
        %dma_wait3A_234 = arith.constant 0 : i32
        %dma_wait3A_235 = tpu.memref_slice %arg7[%dma_wait3A_233, %dma_wait3A_234] : memref<368640x128xf32, #tpu.memory_space<hbm>> -> memref<128x128xf32, #tpu.memory_space<hbm>>
        %dma_wait3A_236 = arith.constant 0 : i32
        %dma_wait3A_237 = arith.constant 0 : i32
        %dma_wait3A_238 = tpu.memref_slice %arg7[%dma_wait3A_236, %dma_wait3A_237] : memref<368640x128xf32, #tpu.memory_space<hbm>> -> memref<128x128xf32, #tpu.memory_space<hbm>>
        tpu.wait_dma2 semaphore(%arg19 : memref<!tpu.dma_semaphore, #tpu.memory_space<semaphore_mem>>) src(%arg13 : memref<128x128xf32, #tpu.memory_space<vmem>>) dst(%dma_wait3A_238 : memref<128x128xf32, #tpu.memory_space<hbm>>)
      } else {
      }
      %dma_wait3A_157 = arith.constant 1 : i32
      %dma_wait3A_158 = arith.constant 0 : i32
      %dma_wait3A_159 = tpu.memref_slice %arg8[%dma_wait3A_157, %dma_wait3A_158] : memref<2x128xi32, #tpu.memory_space<vmem>> -> memref<1x128xi32, #tpu.memory_space<vmem>>
      %dma_wait3A_160 = tpu.memref_squeeze %dma_wait3A_159 : memref<1x128xi32, #tpu.memory_space<vmem>> -> memref<128xi32, #tpu.memory_space<vmem>>
      %dma_wait3A_161 = arith.constant 0 : i32
      %dma_wait3A_162 = tpu.memref_slice %arg4[%dma_wait3A_161] : memref<368640xi32, #tpu.memory_space<hbm>> -> memref<128xi32, #tpu.memory_space<hbm>>
      %dma_wait3A_163 = arith.constant 0 : i32
      %dma_wait3A_164 = tpu.memref_slice %arg8[%dma_wait3A_157, %dma_wait3A_163] : memref<2x128xi32, #tpu.memory_space<vmem>> -> memref<1x128xi32, #tpu.memory_space<vmem>>
      %dma_wait3A_165 = tpu.memref_squeeze %dma_wait3A_164 : memref<1x128xi32, #tpu.memory_space<vmem>> -> memref<128xi32, #tpu.memory_space<vmem>>
      %dma_wait3A_166 = arith.constant 0 : i32
      %dma_wait3A_167 = tpu.memref_slice %arg4[%dma_wait3A_166] : memref<368640xi32, #tpu.memory_space<hbm>> -> memref<128xi32, #tpu.memory_space<hbm>>
      tpu.wait_dma2 semaphore(%arg15 : memref<!tpu.dma_semaphore, #tpu.memory_space<semaphore_mem>>) src(%dma_wait3A_167 : memref<128xi32, #tpu.memory_space<hbm>>) dst(%dma_wait3A_165 : memref<128xi32, #tpu.memory_space<vmem>>)
      %dma_wait3A_168 = arith.constant 1 : i32
      %dma_wait3A_169 = arith.constant 0 : i32
      %dma_wait3A_170 = tpu.memref_slice %arg9[%dma_wait3A_168, %dma_wait3A_169] : memref<2x128xi32, #tpu.memory_space<vmem>> -> memref<1x128xi32, #tpu.memory_space<vmem>>
      %dma_wait3A_171 = tpu.memref_squeeze %dma_wait3A_170 : memref<1x128xi32, #tpu.memory_space<vmem>> -> memref<128xi32, #tpu.memory_space<vmem>>
      %dma_wait3A_172 = arith.constant 0 : i32
      %dma_wait3A_173 = tpu.memref_slice %arg5[%dma_wait3A_172] : memref<368640xi32, #tpu.memory_space<hbm>> -> memref<128xi32, #tpu.memory_space<hbm>>
      %dma_wait3A_174 = arith.constant 0 : i32
      %dma_wait3A_175 = tpu.memref_slice %arg9[%dma_wait3A_168, %dma_wait3A_174] : memref<2x128xi32, #tpu.memory_space<vmem>> -> memref<1x128xi32, #tpu.memory_space<vmem>>
      %dma_wait3A_176 = tpu.memref_squeeze %dma_wait3A_175 : memref<1x128xi32, #tpu.memory_space<vmem>> -> memref<128xi32, #tpu.memory_space<vmem>>
      %dma_wait3A_177 = arith.constant 0 : i32
      %dma_wait3A_178 = tpu.memref_slice %arg5[%dma_wait3A_177] : memref<368640xi32, #tpu.memory_space<hbm>> -> memref<128xi32, #tpu.memory_space<hbm>>
      tpu.wait_dma2 semaphore(%arg15 : memref<!tpu.dma_semaphore, #tpu.memory_space<semaphore_mem>>) src(%dma_wait3A_178 : memref<128xi32, #tpu.memory_space<hbm>>) dst(%dma_wait3A_176 : memref<128xi32, #tpu.memory_space<vmem>>)
      %dma_start3A_179 = arith.constant 1 : i32
      %dma_start3A_180 = arith.constant 0 : i32
      %dma_start3A_181 = tpu.memref_slice %arg8[%dma_start3A_179, %dma_start3A_180] : memref<2x128xi32, #tpu.memory_space<vmem>> -> memref<1x128xi32, #tpu.memory_space<vmem>>
      %dma_start3A_182 = tpu.memref_squeeze %dma_start3A_181 : memref<1x128xi32, #tpu.memory_space<vmem>> -> memref<128xi32, #tpu.memory_space<vmem>>
      %dma_start3A_183 = arith.constant 0 : i32
      %dma_start3A_184 = arith.constant 0 : i32
      %dma_start3A_185 = tpu.memref_slice %arg2[%dma_start3A_183, %dma_start3A_184] : memref<10000x256xf32, #tpu.memory_space<hbm>> -> memref<10000x256xf32, #tpu.memory_space<hbm>>
      tpu.enqueue_indirect_dma source(%dma_start3A_185 : memref<10000x256xf32, #tpu.memory_space<hbm>>) target(%arg11 : memref<128x256xf32, #tpu.memory_space<vmem>>) offsets(%dma_start3A_182 : memref<128xi32, #tpu.memory_space<vmem>>) semaphore(%arg17 : memref<!tpu.dma_semaphore, #tpu.memory_space<semaphore_mem>>)
      %dma_start3A_186 = arith.constant 1 : i32
      %dma_start3A_187 = arith.constant 0 : i32
      %dma_start3A_188 = tpu.memref_slice %arg9[%dma_start3A_186, %dma_start3A_187] : memref<2x128xi32, #tpu.memory_space<vmem>> -> memref<1x128xi32, #tpu.memory_space<vmem>>
      %dma_start3A_189 = tpu.memref_squeeze %dma_start3A_188 : memref<1x128xi32, #tpu.memory_space<vmem>> -> memref<128xi32, #tpu.memory_space<vmem>>
      %dma_start3A_190 = arith.constant 0 : i32
      %dma_start3A_191 = arith.constant 0 : i32
      %dma_start3A_192 = tpu.memref_slice %arg3[%dma_start3A_190, %dma_start3A_191] : memref<23040x128xf32, #tpu.memory_space<hbm>> -> memref<23040x128xf32, #tpu.memory_space<hbm>>
      tpu.enqueue_indirect_dma source(%dma_start3A_192 : memref<23040x128xf32, #tpu.memory_space<hbm>>) target(%arg13 : memref<128x128xf32, #tpu.memory_space<vmem>>) offsets(%dma_start3A_189 : memref<128xi32, #tpu.memory_space<vmem>>) semaphore(%arg17 : memref<!tpu.dma_semaphore, #tpu.memory_space<semaphore_mem>>)
      %dma_wait3A_193 = arith.constant 1 : i32
      %dma_wait3A_194 = arith.constant 0 : i32
      %dma_wait3A_195 = tpu.memref_slice %arg8[%dma_wait3A_193, %dma_wait3A_194] : memref<2x128xi32, #tpu.memory_space<vmem>> -> memref<1x128xi32, #tpu.memory_space<vmem>>
      %dma_wait3A_196 = tpu.memref_squeeze %dma_wait3A_195 : memref<1x128xi32, #tpu.memory_space<vmem>> -> memref<128xi32, #tpu.memory_space<vmem>>
      %dma_wait3A_197 = arith.constant 0 : i32
      %dma_wait3A_198 = arith.constant 0 : i32
      %dma_wait3A_199 = tpu.memref_slice %arg2[%dma_wait3A_197, %dma_wait3A_198] : memref<10000x256xf32, #tpu.memory_space<hbm>> -> memref<10000x256xf32, #tpu.memory_space<hbm>>
      tpu.wait_indirect_dma semaphore(%arg17 : memref<!tpu.dma_semaphore, #tpu.memory_space<semaphore_mem>>) src(%dma_wait3A_199 : memref<10000x256xf32, #tpu.memory_space<hbm>>) dst(%arg11 : memref<128x256xf32, #tpu.memory_space<vmem>>)
      %dma_wait3A_200 = arith.constant 1 : i32
      %dma_wait3A_201 = arith.constant 0 : i32
      %dma_wait3A_202 = tpu.memref_slice %arg9[%dma_wait3A_200, %dma_wait3A_201] : memref<2x128xi32, #tpu.memory_space<vmem>> -> memref<1x128xi32, #tpu.memory_space<vmem>>
      %dma_wait3A_203 = tpu.memref_squeeze %dma_wait3A_202 : memref<1x128xi32, #tpu.memory_space<vmem>> -> memref<128xi32, #tpu.memory_space<vmem>>
      %dma_wait3A_204 = arith.constant 0 : i32
      %dma_wait3A_205 = arith.constant 0 : i32
      %dma_wait3A_206 = tpu.memref_slice %arg3[%dma_wait3A_204, %dma_wait3A_205] : memref<23040x128xf32, #tpu.memory_space<hbm>> -> memref<23040x128xf32, #tpu.memory_space<hbm>>
      tpu.wait_indirect_dma semaphore(%arg17 : memref<!tpu.dma_semaphore, #tpu.memory_space<semaphore_mem>>) src(%dma_wait3A_206 : memref<23040x128xf32, #tpu.memory_space<hbm>>) dst(%arg13 : memref<128x128xf32, #tpu.memory_space<vmem>>)
      %add3A_207 = arith.constant 2 : i32
      %add3A_208 = arith.addi %add3A_151, %add3A_207 : i32
      %lt3A_209 = arith.constant 90 : i32
      %lt3A_210 = arith.cmpi slt, %add3A_208, %lt3A_209 : i32
      %convert_element_type3A_211 = arith.extui %lt3A_210 : i1 to i32
      %cond3A_212 = arith.constant 0 : i32
      %cond3A_213 = arith.cmpi ne, %convert_element_type3A_211, %cond3A_212 : i32
      scf.if %cond3A_213 {
        %add3A_227 = arith.constant 2 : i32
        %add3A_228 = arith.addi %add3A_151, %add3A_227 : i32
        %mul3A_229 = arith.constant 11520 : i32
        %mul3A_230 = arith.muli %add3A, %mul3A_229 : i32
        %mul3A_231 = arith.constant 128 : i32
        %mul3A_232 = arith.muli %add3A_228, %mul3A_231 : i32
        %add3A_233 = arith.addi %mul3A_230, %mul3A_232 : i32
        %dma_start3A_234 = arith.constant 1 : i32
        %dma_start3A_235 = arith.constant 0 : i32
        %dma_start3A_236 = tpu.memref_slice %arg8[%dma_start3A_234, %dma_start3A_235] : memref<2x128xi32, #tpu.memory_space<vmem>> -> memref<1x128xi32, #tpu.memory_space<vmem>>
        %dma_start3A_237 = tpu.memref_squeeze %dma_start3A_236 : memref<1x128xi32, #tpu.memory_space<vmem>> -> memref<128xi32, #tpu.memory_space<vmem>>
        %dma_start3A_238 = tpu.memref_slice %arg4[%add3A_233] : memref<368640xi32, #tpu.memory_space<hbm>> -> memref<128xi32, #tpu.memory_space<hbm>>
        %dma_start3A_239 = arith.constant 0 : i32
        %dma_start3A_240 = tpu.memref_slice %arg8[%dma_start3A_234, %dma_start3A_239] : memref<2x128xi32, #tpu.memory_space<vmem>> -> memref<1x128xi32, #tpu.memory_space<vmem>>
        %dma_start3A_241 = tpu.memref_squeeze %dma_start3A_240 : memref<1x128xi32, #tpu.memory_space<vmem>> -> memref<128xi32, #tpu.memory_space<vmem>>
        %dma_start3A_242 = tpu.memref_slice %arg4[%add3A_233] : memref<368640xi32, #tpu.memory_space<hbm>> -> memref<128xi32, #tpu.memory_space<hbm>>
        tpu.enqueue_dma source(%dma_start3A_242 : memref<128xi32, #tpu.memory_space<hbm>>) target(%dma_start3A_241 : memref<128xi32, #tpu.memory_space<vmem>>) target_semaphore(%arg15 : memref<!tpu.dma_semaphore, #tpu.memory_space<semaphore_mem>>)
        %dma_start3A_243 = arith.constant 1 : i32
        %dma_start3A_244 = arith.constant 0 : i32
        %dma_start3A_245 = tpu.memref_slice %arg9[%dma_start3A_243, %dma_start3A_244] : memref<2x128xi32, #tpu.memory_space<vmem>> -> memref<1x128xi32, #tpu.memory_space<vmem>>
        %dma_start3A_246 = tpu.memref_squeeze %dma_start3A_245 : memref<1x128xi32, #tpu.memory_space<vmem>> -> memref<128xi32, #tpu.memory_space<vmem>>
        %dma_start3A_247 = tpu.memref_slice %arg5[%add3A_233] : memref<368640xi32, #tpu.memory_space<hbm>> -> memref<128xi32, #tpu.memory_space<hbm>>
        %dma_start3A_248 = arith.constant 0 : i32
        %dma_start3A_249 = tpu.memref_slice %arg9[%dma_start3A_243, %dma_start3A_248] : memref<2x128xi32, #tpu.memory_space<vmem>> -> memref<1x128xi32, #tpu.memory_space<vmem>>
        %dma_start3A_250 = tpu.memref_squeeze %dma_start3A_249 : memref<1x128xi32, #tpu.memory_space<vmem>> -> memref<128xi32, #tpu.memory_space<vmem>>
        %dma_start3A_251 = tpu.memref_slice %arg5[%add3A_233] : memref<368640xi32, #tpu.memory_space<hbm>> -> memref<128xi32, #tpu.memory_space<hbm>>
        tpu.enqueue_dma source(%dma_start3A_251 : memref<128xi32, #tpu.memory_space<hbm>>) target(%dma_start3A_250 : memref<128xi32, #tpu.memory_space<vmem>>) target_semaphore(%arg15 : memref<!tpu.dma_semaphore, #tpu.memory_space<semaphore_mem>>)
      } else {
      }
      %mul3A_214 = arith.constant 11520 : i32
      %mul3A_215 = arith.muli %add3A, %mul3A_214 : i32
      %mul3A_216 = arith.constant 128 : i32
      %mul3A_217 = arith.muli %add3A_151, %mul3A_216 : i32
      %add3A_218 = arith.addi %mul3A_215, %mul3A_217 : i32
      %dma_start3A_219 = arith.constant 0 : i32
      %dma_start3A_220 = tpu.memref_slice %arg6[%add3A_218, %dma_start3A_219] : memref<368640x256xf32, #tpu.memory_space<hbm>> -> memref<128x256xf32, #tpu.memory_space<hbm>>
      %dma_start3A_221 = arith.constant 0 : i32
      %dma_start3A_222 = tpu.memref_slice %arg6[%add3A_218, %dma_start3A_221] : memref<368640x256xf32, #tpu.memory_space<hbm>> -> memref<128x256xf32, #tpu.memory_space<hbm>>
      tpu.enqueue_dma source(%arg11 : memref<128x256xf32, #tpu.memory_space<vmem>>) target(%dma_start3A_222 : memref<128x256xf32, #tpu.memory_space<hbm>>) target_semaphore(%arg19 : memref<!tpu.dma_semaphore, #tpu.memory_space<semaphore_mem>>)
      %dma_start3A_223 = arith.constant 0 : i32
      %dma_start3A_224 = tpu.memref_slice %arg7[%add3A_218, %dma_start3A_223] : memref<368640x128xf32, #tpu.memory_space<hbm>> -> memref<128x128xf32, #tpu.memory_space<hbm>>
      %dma_start3A_225 = arith.constant 0 : i32
      %dma_start3A_226 = tpu.memref_slice %arg7[%add3A_218, %dma_start3A_225] : memref<368640x128xf32, #tpu.memory_space<hbm>> -> memref<128x128xf32, #tpu.memory_space<hbm>>
      tpu.enqueue_dma source(%arg13 : memref<128x128xf32, #tpu.memory_space<vmem>>) target(%dma_start3A_226 : memref<128x128xf32, #tpu.memory_space<hbm>>) target_semaphore(%arg19 : memref<!tpu.dma_semaphore, #tpu.memory_space<semaphore_mem>>)
    }
    %scan3A_48 = arith.constant 45 : i32
    %dma_wait3A = arith.constant 0 : i32
    %dma_wait3A_49 = arith.constant 0 : i32
    %dma_wait3A_50 = tpu.memref_slice %arg6[%dma_wait3A, %dma_wait3A_49] : memref<368640x256xf32, #tpu.memory_space<hbm>> -> memref<128x256xf32, #tpu.memory_space<hbm>>
    %dma_wait3A_51 = arith.constant 0 : i32
    %dma_wait3A_52 = arith.constant 0 : i32
    %dma_wait3A_53 = tpu.memref_slice %arg6[%dma_wait3A_51, %dma_wait3A_52] : memref<368640x256xf32, #tpu.memory_space<hbm>> -> memref<128x256xf32, #tpu.memory_space<hbm>>
    tpu.wait_dma2 semaphore(%arg18 : memref<!tpu.dma_semaphore, #tpu.memory_space<semaphore_mem>>) src(%arg10 : memref<128x256xf32, #tpu.memory_space<vmem>>) dst(%dma_wait3A_53 : memref<128x256xf32, #tpu.memory_space<hbm>>)
    %dma_wait3A_54 = arith.constant 0 : i32
    %dma_wait3A_55 = arith.constant 0 : i32
    %dma_wait3A_56 = tpu.memref_slice %arg7[%dma_wait3A_54, %dma_wait3A_55] : memref<368640x128xf32, #tpu.memory_space<hbm>> -> memref<128x128xf32, #tpu.memory_space<hbm>>
    %dma_wait3A_57 = arith.constant 0 : i32
    %dma_wait3A_58 = arith.constant 0 : i32
    %dma_wait3A_59 = tpu.memref_slice %arg7[%dma_wait3A_57, %dma_wait3A_58] : memref<368640x128xf32, #tpu.memory_space<hbm>> -> memref<128x128xf32, #tpu.memory_space<hbm>>
    tpu.wait_dma2 semaphore(%arg18 : memref<!tpu.dma_semaphore, #tpu.memory_space<semaphore_mem>>) src(%arg12 : memref<128x128xf32, #tpu.memory_space<vmem>>) dst(%dma_wait3A_59 : memref<128x128xf32, #tpu.memory_space<hbm>>)
    %dma_wait3A_60 = arith.constant 0 : i32
    %dma_wait3A_61 = arith.constant 0 : i32
    %dma_wait3A_62 = tpu.memref_slice %arg6[%dma_wait3A_60, %dma_wait3A_61] : memref<368640x256xf32, #tpu.memory_space<hbm>> -> memref<128x256xf32, #tpu.memory_space<hbm>>
    %dma_wait3A_63 = arith.constant 0 : i32
    %dma_wait3A_64 = arith.constant 0 : i32
    %dma_wait3A_65 = tpu.memref_slice %arg6[%dma_wait3A_63, %dma_wait3A_64] : memref<368640x256xf32, #tpu.memory_space<hbm>> -> memref<128x256xf32, #tpu.memory_space<hbm>>
    tpu.wait_dma2 semaphore(%arg19 : memref<!tpu.dma_semaphore, #tpu.memory_space<semaphore_mem>>) src(%arg11 : memref<128x256xf32, #tpu.memory_space<vmem>>) dst(%dma_wait3A_65 : memref<128x256xf32, #tpu.memory_space<hbm>>)
    %dma_wait3A_66 = arith.constant 0 : i32
    %dma_wait3A_67 = arith.constant 0 : i32
    %dma_wait3A_68 = tpu.memref_slice %arg7[%dma_wait3A_66, %dma_wait3A_67] : memref<368640x128xf32, #tpu.memory_space<hbm>> -> memref<128x128xf32, #tpu.memory_space<hbm>>
    %dma_wait3A_69 = arith.constant 0 : i32
    %dma_wait3A_70 = arith.constant 0 : i32
    %dma_wait3A_71 = tpu.memref_slice %arg7[%dma_wait3A_69, %dma_wait3A_70] : memref<368640x128xf32, #tpu.memory_space<hbm>> -> memref<128x128xf32, #tpu.memory_space<hbm>>
    tpu.wait_dma2 semaphore(%arg19 : memref<!tpu.dma_semaphore, #tpu.memory_space<semaphore_mem>>) src(%arg13 : memref<128x128xf32, #tpu.memory_space<vmem>>) dst(%dma_wait3A_71 : memref<128x128xf32, #tpu.memory_space<hbm>>)
    return
  }
}

module attributes {stable_mosaic.version = 14 : i64} {
  func.func @_dst_prep_body(%arg0: i32, %arg1: memref<384x128xf32, #tpu.memory_space<vmem>>, %arg2: memref<128x128xf32, #tpu.memory_space<vmem>>, %arg3: memref<1x128xf32, #tpu.memory_space<vmem>>, %arg4: memref<384x128xf32, #tpu.memory_space<vmem>>, %arg5: memref<384x128xf32, #tpu.memory_space<vmem>>) attributes {dimension_semantics = [#tpu.dimension_semantics<arbitrary>], iteration_bounds = array<i64: 60>, scalar_prefetch = 0 : i64, scratch_operands = 0 : i64, tpu.core_type = #tpu.core_type<tc>, window_params = [{transform_indices = @transform_0, window_bounds = array<i64: 384, 128>}, {pipeline_mode = #tpu.pipeline_mode<synchronous>, transform_indices = @transform_1, window_bounds = array<i64: 128, 128>}, {pipeline_mode = #tpu.pipeline_mode<synchronous>, transform_indices = @transform_2, window_bounds = array<i64: 1, 128>}, {transform_indices = @transform_3, window_bounds = array<i64: 384, 128>}, {transform_indices = @transform_4, window_bounds = array<i64: 384, 128>}]} {
    %get3A = arith.constant 0 : index
    %get3A_0 = arith.constant 0 : index
    %get3A_1 = vector.load %arg1[%get3A, %get3A_0] : memref<384x128xf32, #tpu.memory_space<vmem>>, vector<384x128xf32>
    %reduce_sum3A = arith.constant dense<0.000000e+00> : vector<384xf32>
    %reduce_sum3A_2 = vector.multi_reduction <add>, %get3A_1, %reduce_sum3A [1] : vector<384x128xf32> to vector<384xf32>
    %broadcast_in_dim3A = vector.shape_cast %reduce_sum3A_2 : vector<384xf32> to vector<384x1xf32>
    %div3A = arith.constant 1.280000e+02 : f32
    %div3A_3 = vector.broadcast %div3A : f32 to vector<384x1xf32>
    %div3A_4 = arith.divf %broadcast_in_dim3A, %div3A_3 : vector<384x1xf32>
    %sub3A = vector.broadcast %div3A_4 : vector<384x1xf32> to vector<384x128xf32>
    %sub3A_5 = arith.subf %get3A_1, %sub3A : vector<384x128xf32>
    %integer_pow3A = arith.mulf %sub3A_5, %sub3A_5 : vector<384x128xf32>
    %reduce_sum3A_6 = arith.constant dense<0.000000e+00> : vector<384xf32>
    %reduce_sum3A_7 = vector.multi_reduction <add>, %integer_pow3A, %reduce_sum3A_6 [1] : vector<384x128xf32> to vector<384xf32>
    %broadcast_in_dim3A_8 = vector.shape_cast %reduce_sum3A_7 : vector<384xf32> to vector<384x1xf32>
    %div3A_9 = arith.constant 1.280000e+02 : f32
    %div3A_10 = vector.broadcast %div3A_9 : f32 to vector<384x1xf32>
    %div3A_11 = arith.divf %broadcast_in_dim3A_8, %div3A_10 : vector<384x1xf32>
    %sub3A_12 = vector.broadcast %div3A_4 : vector<384x1xf32> to vector<384x128xf32>
    %sub3A_13 = arith.subf %get3A_1, %sub3A_12 : vector<384x128xf32>
    %add3A = arith.constant 9.99999974E-6 : f32
    %add3A_14 = vector.broadcast %add3A : f32 to vector<384x1xf32>
    %add3A_15 = arith.addf %div3A_11, %add3A_14 : vector<384x1xf32>
    %rsqrt3A = math.rsqrt %add3A_15 : vector<384x1xf32>
    %mul3A = vector.broadcast %rsqrt3A : vector<384x1xf32> to vector<384x128xf32>
    %mul3A_16 = arith.mulf %sub3A_13, %mul3A : vector<384x128xf32>
    %get3A_17 = arith.constant 0 : index
    %get3A_18 = arith.constant 0 : index
    %get3A_19 = vector.load %arg2[%get3A_17, %get3A_18] : memref<128x128xf32, #tpu.memory_space<vmem>>, vector<128x128xf32>
    %dot_general3A = arith.constant dense<0.000000e+00> : vector<384x128xf32>
    %dot_general3A_20 = tpu.matmul %mul3A_16, %get3A_19, %dot_general3A {dimension_numbers = #tpu.dot_dimension_numbers<[1], [0], [0], [1], [0, 0, 1, 1], [], []>, transpose_lhs_hint = false} : vector<384x128xf32>, vector<128x128xf32>, vector<384x128xf32> -> vector<384x128xf32>
    %get3A_21 = arith.constant 0 : index
    %get3A_22 = arith.constant 0 : index
    %get3A_23 = vector.load %arg3[%get3A_21, %get3A_22] : memref<1x128xf32, #tpu.memory_space<vmem>>, vector<1x128xf32>
    %add3A_24 = vector.broadcast %get3A_23 : vector<1x128xf32> to vector<384x128xf32>
    %add3A_25 = arith.addf %dot_general3A_20, %add3A_24 : vector<384x128xf32>
    %swap3A = arith.constant 0 : index
    %swap3A_26 = arith.constant 0 : index
    %swap3A_27 = vector.load %arg4[%swap3A, %swap3A_26] : memref<384x128xf32, #tpu.memory_space<vmem>>, vector<384x128xf32>
    tpu.vector_store %arg4[%swap3A, %swap3A_26], %add3A_25 {strides = array<i32>} : memref<384x128xf32, #tpu.memory_space<vmem>>, vector<384x128xf32>,
    %swap3A_28 = arith.constant 0 : index
    %swap3A_29 = arith.constant 0 : index
    %swap3A_30 = vector.load %arg5[%swap3A_28, %swap3A_29] : memref<384x128xf32, #tpu.memory_space<vmem>>, vector<384x128xf32>
    tpu.vector_store %arg5[%swap3A_28, %swap3A_29], %mul3A_16 {strides = array<i32>} : memref<384x128xf32, #tpu.memory_space<vmem>>, vector<384x128xf32>,
    return
  }
  func.func @transform_0(%arg0: i32) -> (i32, i32) {
    %c0_i32 = arith.constant 0 : i32
    %c0_i32_0 = arith.constant 0 : i32
    return %arg0, %c0_i32 : i32, i32
  }
  func.func @transform_1(%arg0: i32) -> (i32, i32) {
    %c0_i32 = arith.constant 0 : i32
    %c0_i32_0 = arith.constant 0 : i32
    %c0_i32_1 = arith.constant 0 : i32
    return %c0_i32, %c0_i32_0 : i32, i32
  }
  func.func @transform_2(%arg0: i32) -> (i32, i32) {
    %c0_i32 = arith.constant 0 : i32
    %c0_i32_0 = arith.constant 0 : i32
    %c0_i32_1 = arith.constant 0 : i32
    return %c0_i32, %c0_i32_0 : i32, i32
  }
  func.func @transform_3(%arg0: i32) -> (i32, i32) {
    %c0_i32 = arith.constant 0 : i32
    %c0_i32_0 = arith.constant 0 : i32
    return %arg0, %c0_i32 : i32, i32
  }
  func.func @transform_4(%arg0: i32) -> (i32, i32) {
    %c0_i32 = arith.constant 0 : i32
    %c0_i32_0 = arith.constant 0 : i32
    return %arg0, %c0_i32 : i32, i32
  }
}

module attributes {stable_mosaic.version = 14 : i64} {
  func.func @_src_prep_body(%arg0: i32, %arg1: memref<1000x128xf32, #tpu.memory_space<vmem>>, %arg2: memref<128x128xf32, #tpu.memory_space<vmem>>, %arg3: memref<128x128xf32, #tpu.memory_space<vmem>>, %arg4: memref<1000x256xf32, #tpu.memory_space<vmem>>) attributes {dimension_semantics = [#tpu.dimension_semantics<arbitrary>], iteration_bounds = array<i64: 10>, scalar_prefetch = 0 : i64, scratch_operands = 0 : i64, tpu.core_type = #tpu.core_type<tc>, window_params = [{transform_indices = @transform_0, window_bounds = array<i64: 1000, 128>}, {pipeline_mode = #tpu.pipeline_mode<synchronous>, transform_indices = @transform_1, window_bounds = array<i64: 128, 128>}, {pipeline_mode = #tpu.pipeline_mode<synchronous>, transform_indices = @transform_2, window_bounds = array<i64: 128, 128>}, {transform_indices = @transform_3, window_bounds = array<i64: 1000, 256>}]} {
    %get3A = arith.constant 0 : index
    %get3A_0 = arith.constant 0 : index
    %get3A_1 = vector.load %arg1[%get3A, %get3A_0] : memref<1000x128xf32, #tpu.memory_space<vmem>>, vector<1000x128xf32>
    %reduce_sum3A = arith.constant dense<0.000000e+00> : vector<1000xf32>
    %reduce_sum3A_2 = vector.multi_reduction <add>, %get3A_1, %reduce_sum3A [1] : vector<1000x128xf32> to vector<1000xf32>
    %broadcast_in_dim3A = vector.shape_cast %reduce_sum3A_2 : vector<1000xf32> to vector<1000x1xf32>
    %div3A = arith.constant 1.280000e+02 : f32
    %div3A_3 = vector.broadcast %div3A : f32 to vector<1000x1xf32>
    %div3A_4 = arith.divf %broadcast_in_dim3A, %div3A_3 : vector<1000x1xf32>
    %sub3A = vector.broadcast %div3A_4 : vector<1000x1xf32> to vector<1000x128xf32>
    %sub3A_5 = arith.subf %get3A_1, %sub3A : vector<1000x128xf32>
    %integer_pow3A = arith.mulf %sub3A_5, %sub3A_5 : vector<1000x128xf32>
    %reduce_sum3A_6 = arith.constant dense<0.000000e+00> : vector<1000xf32>
    %reduce_sum3A_7 = vector.multi_reduction <add>, %integer_pow3A, %reduce_sum3A_6 [1] : vector<1000x128xf32> to vector<1000xf32>
    %broadcast_in_dim3A_8 = vector.shape_cast %reduce_sum3A_7 : vector<1000xf32> to vector<1000x1xf32>
    %div3A_9 = arith.constant 1.280000e+02 : f32
    %div3A_10 = vector.broadcast %div3A_9 : f32 to vector<1000x1xf32>
    %div3A_11 = arith.divf %broadcast_in_dim3A_8, %div3A_10 : vector<1000x1xf32>
    %sub3A_12 = vector.broadcast %div3A_4 : vector<1000x1xf32> to vector<1000x128xf32>
    %sub3A_13 = arith.subf %get3A_1, %sub3A_12 : vector<1000x128xf32>
    %add3A = arith.constant 9.99999974E-6 : f32
    %add3A_14 = vector.broadcast %add3A : f32 to vector<1000x1xf32>
    %add3A_15 = arith.addf %div3A_11, %add3A_14 : vector<1000x1xf32>
    %rsqrt3A = math.rsqrt %add3A_15 : vector<1000x1xf32>
    %mul3A = vector.broadcast %rsqrt3A : vector<1000x1xf32> to vector<1000x128xf32>
    %mul3A_16 = arith.mulf %sub3A_13, %mul3A : vector<1000x128xf32>
    %get3A_17 = arith.constant 0 : index
    %get3A_18 = arith.constant 0 : index
    %get3A_19 = vector.load %arg2[%get3A_17, %get3A_18] : memref<128x128xf32, #tpu.memory_space<vmem>>, vector<128x128xf32>
    %dot_general3A = arith.constant dense<0.000000e+00> : vector<1000x128xf32>
    %dot_general3A_20 = tpu.matmul %mul3A_16, %get3A_19, %dot_general3A {dimension_numbers = #tpu.dot_dimension_numbers<[1], [0], [0], [1], [0, 0, 1, 1], [], []>, transpose_lhs_hint = false} : vector<1000x128xf32>, vector<128x128xf32>, vector<1000x128xf32> -> vector<1000x128xf32>
    %get3A_21 = arith.constant 0 : index
    %get3A_22 = arith.constant 0 : index
    %get3A_23 = vector.load %arg3[%get3A_21, %get3A_22] : memref<128x128xf32, #tpu.memory_space<vmem>>, vector<128x128xf32>
    %dot_general3A_24 = arith.constant dense<0.000000e+00> : vector<1000x128xf32>
    %dot_general3A_25 = tpu.matmul %mul3A_16, %get3A_23, %dot_general3A_24 {dimension_numbers = #tpu.dot_dimension_numbers<[1], [0], [0], [1], [0, 0, 1, 1], [], []>, transpose_lhs_hint = false} : vector<1000x128xf32>, vector<128x128xf32>, vector<1000x128xf32> -> vector<1000x128xf32>
    %concatenate3A = tpu.concatenate %dot_general3A_20, %dot_general3A_25 in 1 : vector<1000x128xf32>, vector<1000x128xf32> -> vector<1000x256xf32>
    %swap3A = arith.constant 0 : index
    %swap3A_26 = arith.constant 0 : index
    %swap3A_27 = vector.load %arg4[%swap3A, %swap3A_26] : memref<1000x256xf32, #tpu.memory_space<vmem>>, vector<1000x256xf32>
    tpu.vector_store %arg4[%swap3A, %swap3A_26], %concatenate3A {strides = array<i32>} : memref<1000x256xf32, #tpu.memory_space<vmem>>, vector<1000x256xf32>,
    return
  }
  func.func @transform_0(%arg0: i32) -> (i32, i32) {
    %c0_i32 = arith.constant 0 : i32
    %c0_i32_0 = arith.constant 0 : i32
    return %arg0, %c0_i32 : i32, i32
  }
  func.func @transform_1(%arg0: i32) -> (i32, i32) {
    %c0_i32 = arith.constant 0 : i32
    %c0_i32_0 = arith.constant 0 : i32
    %c0_i32_1 = arith.constant 0 : i32
    return %c0_i32, %c0_i32_0 : i32, i32
  }
  func.func @transform_2(%arg0: i32) -> (i32, i32) {
    %c0_i32 = arith.constant 0 : i32
    %c0_i32_0 = arith.constant 0 : i32
    %c0_i32_1 = arith.constant 0 : i32
    return %c0_i32, %c0_i32_0 : i32, i32
  }
  func.func @transform_3(%arg0: i32) -> (i32, i32) {
    %c0_i32 = arith.constant 0 : i32
    %c0_i32_0 = arith.constant 0 : i32
    return %arg0, %c0_i32 : i32, i32
  }
}

module attributes {stable_mosaic.version = 14 : i64} {
  func.func @_edge_body(%arg0: i32, %arg1: memref<2048x3xf32, #tpu.memory_space<vmem>>, %arg2: memref<2048x256xf32, #tpu.memory_space<vmem>>, %arg3: memref<2048x128xf32, #tpu.memory_space<vmem>>, %arg4: memref<1x1x2048xi32, #tpu.memory_space<vmem>>, %arg5: memref<3x64xf32, #tpu.memory_space<vmem>>, %arg6: memref<3x129x128xf32, #tpu.memory_space<vmem>>, %arg7: memref<3x128xf32, #tpu.memory_space<vmem>>, %arg8: memref<3x128x128xf32, #tpu.memory_space<vmem>>, %arg9: memref<128x128xf32, #tpu.memory_space<vmem>>, %arg10: memref<1x128xf32, #tpu.memory_space<vmem>>, %arg11: memref<128x128xf32, #tpu.memory_space<vmem>>, %arg12: memref<128x128xf32, #tpu.memory_space<vmem>>, %arg13: memref<2048x128xf32, #tpu.memory_space<vmem>>, %arg14: memref<2048x128xf32, #tpu.memory_space<vmem>>, %arg15: memref<2x2048xi32, #tpu.memory_space<vmem>>) attributes {dimension_semantics = [#tpu.dimension_semantics<arbitrary>], iteration_bounds = array<i64: 180>, scalar_prefetch = 0 : i64, scratch_operands = 0 : i64, tpu.core_type = #tpu.core_type<tc>, window_params = [{transform_indices = @transform_0, window_bounds = array<i64: 2048, 3>}, {transform_indices = @transform_1, window_bounds = array<i64: 2048, 256>}, {transform_indices = @transform_2, window_bounds = array<i64: 2048, 128>}, {transform_indices = @transform_3, window_bounds = array<i64: 1, 1, 2048>}, {pipeline_mode = #tpu.pipeline_mode<synchronous>, transform_indices = @transform_4, window_bounds = array<i64: 3, 64>}, {pipeline_mode = #tpu.pipeline_mode<synchronous>, transform_indices = @transform_5, window_bounds = array<i64: 3, 129, 128>}, {pipeline_mode = #tpu.pipeline_mode<synchronous>, transform_indices = @transform_6, window_bounds = array<i64: 3, 128>}, {pipeline_mode = #tpu.pipeline_mode<synchronous>, transform_indices = @transform_7, window_bounds = array<i64: 3, 128, 128>}, {pipeline_mode = #tpu.pipeline_mode<synchronous>, transform_indices = @transform_8, window_bounds = array<i64: 128, 128>}, {pipeline_mode = #tpu.pipeline_mode<synchronous>, transform_indices = @transform_9, window_bounds = array<i64: 1, 128>}, {pipeline_mode = #tpu.pipeline_mode<synchronous>, transform_indices = @transform_10, window_bounds = array<i64: 128, 128>}, {pipeline_mode = #tpu.pipeline_mode<synchronous>, transform_indices = @transform_11, window_bounds = array<i64: 128, 128>}, {transform_indices = @transform_12, window_bounds = array<i64: 2048, 128>}, {transform_indices = @transform_13, window_bounds = array<i64: 2048, 128>}, {transform_indices = @transform_14, window_bounds = array<i64: 2, 2048>}]} {
    %get3A = arith.constant 0 : index
    %get3A_0 = arith.constant 0 : index
    %get3A_1 = vector.load %arg1[%get3A, %get3A_0] : memref<2048x3xf32, #tpu.memory_space<vmem>>, vector<2048x3xf32>
    %broadcast_in_dim3A = arith.constant 0.000000e+00 : f32
    %broadcast_in_dim3A_2 = vector.broadcast %broadcast_in_dim3A : f32 to vector<2048x128xf32>
    %get3A_3 = arith.constant 0 : index
    %get3A_4 = arith.constant 0 : index
    %get3A_5 = vector.load %arg5[%get3A_3, %get3A_4] : memref<3x64xf32, #tpu.memory_space<vmem>>, vector<3x64xf32>
    %slice3A = vector.extract_strided_slice %get3A_1 {offsets = [0, 0], sizes = [2048, 1], strides = [1, 1]} : vector<2048x3xf32> to vector<2048x1xf32>
    %slice3A_6 = vector.extract_strided_slice %get3A_5 {offsets = [0, 0], sizes = [1, 64], strides = [1, 1]} : vector<3x64xf32> to vector<1x64xf32>
    %squeeze3A = vector.shape_cast %slice3A_6 : vector<1x64xf32> to vector<64xf32>
    %broadcast_in_dim3A_7 = vector.shape_cast %squeeze3A : vector<64xf32> to vector<1x64xf32>
    %mul3A = vector.broadcast %slice3A : vector<2048x1xf32> to vector<2048x64xf32>
    %mul3A_8 = vector.broadcast %broadcast_in_dim3A_7 : vector<1x64xf32> to vector<2048x64xf32>
    %mul3A_9 = arith.mulf %mul3A, %mul3A_8 : vector<2048x64xf32>
    %round3A = math.roundeven %mul3A_9 : vector<2048x64xf32>
    %sub3A = arith.subf %mul3A_9, %round3A : vector<2048x64xf32>
    %mul3A_10 = arith.mulf %sub3A, %sub3A : vector<2048x64xf32>
    %broadcast_in_dim3A_11 = arith.constant -21.2827759 : f32
    %broadcast_in_dim3A_12 = vector.broadcast %broadcast_in_dim3A_11 : f32 to vector<2048x64xf32>
    %mul3A_13 = arith.mulf %broadcast_in_dim3A_12, %mul3A_10 : vector<2048x64xf32>
    %add3A = arith.constant 58.9124222 : f32
    %add3A_14 = vector.broadcast %add3A : f32 to vector<2048x64xf32>
    %add3A_15 = arith.addf %mul3A_13, %add3A_14 : vector<2048x64xf32>
    %mul3A_16 = arith.mulf %add3A_15, %mul3A_10 : vector<2048x64xf32>
    %add3A_17 = arith.constant -85.2959442 : f32
    %add3A_18 = vector.broadcast %add3A_17 : f32 to vector<2048x64xf32>
    %add3A_19 = arith.addf %mul3A_16, %add3A_18 : vector<2048x64xf32>
    %mul3A_20 = arith.mulf %add3A_19, %mul3A_10 : vector<2048x64xf32>
    %add3A_21 = arith.constant 64.9306107 : f32
    %add3A_22 = vector.broadcast %add3A_21 : f32 to vector<2048x64xf32>
    %add3A_23 = arith.addf %mul3A_20, %add3A_22 : vector<2048x64xf32>
    %mul3A_24 = arith.mulf %add3A_23, %mul3A_10 : vector<2048x64xf32>
    %add3A_25 = arith.constant -19.7390347 : f32
    %add3A_26 = vector.broadcast %add3A_25 : f32 to vector<2048x64xf32>
    %add3A_27 = arith.addf %mul3A_24, %add3A_26 : vector<2048x64xf32>
    %mul3A_28 = arith.mulf %add3A_27, %mul3A_10 : vector<2048x64xf32>
    %add3A_29 = arith.constant 0.999999463 : f32
    %add3A_30 = vector.broadcast %add3A_29 : f32 to vector<2048x64xf32>
    %add3A_31 = arith.addf %mul3A_28, %add3A_30 : vector<2048x64xf32>
    %broadcast_in_dim3A_32 = arith.constant -12.5762815 : f32
    %broadcast_in_dim3A_33 = vector.broadcast %broadcast_in_dim3A_32 : f32 to vector<2048x64xf32>
    %mul3A_34 = arith.mulf %broadcast_in_dim3A_33, %mul3A_10 : vector<2048x64xf32>
    %add3A_35 = arith.constant 41.403389 : f32
    %add3A_36 = vector.broadcast %add3A_35 : f32 to vector<2048x64xf32>
    %add3A_37 = arith.addf %mul3A_34, %add3A_36 : vector<2048x64xf32>
    %mul3A_38 = arith.mulf %add3A_37, %mul3A_10 : vector<2048x64xf32>
    %add3A_39 = arith.constant -76.6265411 : f32
    %add3A_40 = vector.broadcast %add3A_39 : f32 to vector<2048x64xf32>
    %add3A_41 = arith.addf %mul3A_38, %add3A_40 : vector<2048x64xf32>
    %mul3A_42 = arith.mulf %add3A_41, %mul3A_10 : vector<2048x64xf32>
    %add3A_43 = arith.constant 81.600914 : f32
    %add3A_44 = vector.broadcast %add3A_43 : f32 to vector<2048x64xf32>
    %add3A_45 = arith.addf %mul3A_42, %add3A_44 : vector<2048x64xf32>
    %mul3A_46 = arith.mulf %add3A_45, %mul3A_10 : vector<2048x64xf32>
    %add3A_47 = arith.constant -41.3416176 : f32
    %add3A_48 = vector.broadcast %add3A_47 : f32 to vector<2048x64xf32>
    %add3A_49 = arith.addf %mul3A_46, %add3A_48 : vector<2048x64xf32>
    %mul3A_50 = arith.mulf %add3A_49, %mul3A_10 : vector<2048x64xf32>
    %add3A_51 = arith.constant 6.283185 : f32
    %add3A_52 = vector.broadcast %add3A_51 : f32 to vector<2048x64xf32>
    %add3A_53 = arith.addf %mul3A_50, %add3A_52 : vector<2048x64xf32>
    %mul3A_54 = arith.mulf %sub3A, %add3A_53 : vector<2048x64xf32>
    %get3A_55 = arith.constant 0 : index
    %get3A_56 = arith.constant 0 : index
    %get3A_57 = arith.constant 0 : index
    %get3A_58 = vector.load %arg6[%get3A_55, %get3A_56, %get3A_57] : memref<3x129x128xf32, #tpu.memory_space<vmem>>, vector<3x129x128xf32>
    %slice3A_59 = vector.extract_strided_slice %get3A_58 {offsets = [0, 0, 0], sizes = [1, 129, 128], strides = [1, 1, 1]} : vector<3x129x128xf32> to vector<1x129x128xf32>
    %squeeze3A_60 = vector.shape_cast %slice3A_59 : vector<1x129x128xf32> to vector<129x128xf32>
    %slice3A_61 = vector.extract_strided_slice %squeeze3A_60 {offsets = [0, 0], sizes = [64, 128], strides = [1, 1]} : vector<129x128xf32> to vector<64x128xf32>
    %dot_general3A = arith.constant dense<0.000000e+00> : vector<2048x128xf32>
    %dot_general3A_62 = tpu.matmul %add3A_31, %slice3A_61, %dot_general3A {dimension_numbers = #tpu.dot_dimension_numbers<[1], [0], [0], [1], [0, 0, 1, 1], [], []>, transpose_lhs_hint = false} : vector<2048x64xf32>, vector<64x128xf32>, vector<2048x128xf32> -> vector<2048x128xf32>
    %slice3A_63 = vector.extract_strided_slice %squeeze3A_60 {offsets = [64, 0], sizes = [64, 128], strides = [1, 1]} : vector<129x128xf32> to vector<64x128xf32>
    %dot_general3A_64 = arith.constant dense<0.000000e+00> : vector<2048x128xf32>
    %dot_general3A_65 = tpu.matmul %mul3A_54, %slice3A_63, %dot_general3A_64 {dimension_numbers = #tpu.dot_dimension_numbers<[1], [0], [0], [1], [0, 0, 1, 1], [], []>, transpose_lhs_hint = false} : vector<2048x64xf32>, vector<64x128xf32>, vector<2048x128xf32> -> vector<2048x128xf32>
    %add3A_66 = arith.addf %dot_general3A_62, %dot_general3A_65 : vector<2048x128xf32>
    %slice3A_67 = vector.extract_strided_slice %squeeze3A_60 {offsets = [128, 0], sizes = [1, 128], strides = [1, 1]} : vector<129x128xf32> to vector<1x128xf32>
    %squeeze3A_68 = vector.shape_cast %slice3A_67 : vector<1x128xf32> to vector<128xf32>
    %broadcast_in_dim3A_69 = vector.shape_cast %squeeze3A_68 : vector<128xf32> to vector<1x128xf32>
    %mul3A_70 = vector.broadcast %slice3A : vector<2048x1xf32> to vector<2048x128xf32>
    %mul3A_71 = vector.broadcast %broadcast_in_dim3A_69 : vector<1x128xf32> to vector<2048x128xf32>
    %mul3A_72 = arith.mulf %mul3A_70, %mul3A_71 : vector<2048x128xf32>
    %add3A_73 = arith.addf %add3A_66, %mul3A_72 : vector<2048x128xf32>
    %get3A_74 = arith.constant 0 : index
    %get3A_75 = arith.constant 0 : index
    %get3A_76 = vector.load %arg7[%get3A_74, %get3A_75] : memref<3x128xf32, #tpu.memory_space<vmem>>, vector<3x128xf32>
    %slice3A_77 = vector.extract_strided_slice %get3A_76 {offsets = [0, 0], sizes = [1, 128], strides = [1, 1]} : vector<3x128xf32> to vector<1x128xf32>
    %squeeze3A_78 = vector.shape_cast %slice3A_77 : vector<1x128xf32> to vector<128xf32>
    %broadcast_in_dim3A_79 = vector.shape_cast %squeeze3A_78 : vector<128xf32> to vector<1x128xf32>
    %add3A_80 = vector.broadcast %broadcast_in_dim3A_79 : vector<1x128xf32> to vector<2048x128xf32>
    %add3A_81 = arith.addf %add3A_73, %add3A_80 : vector<2048x128xf32>
    %broadcast_in_dim3A_82 = arith.constant 7.812500e-03 : f32
    %broadcast_in_dim3A_83 = vector.broadcast %broadcast_in_dim3A_82 : f32 to vector<128x128xf32>
    %dot_general3A_84 = arith.constant dense<0.000000e+00> : vector<2048x128xf32>
    %dot_general3A_85 = tpu.matmul %add3A_81, %broadcast_in_dim3A_83, %dot_general3A_84 {dimension_numbers = #tpu.dot_dimension_numbers<[1], [0], [0], [1], [0, 0, 1, 1], [], []>, transpose_lhs_hint = false} : vector<2048x128xf32>, vector<128x128xf32>, vector<2048x128xf32> -> vector<2048x128xf32>
    %mul3A_86 = arith.mulf %add3A_81, %add3A_81 : vector<2048x128xf32>
    %dot_general3A_87 = arith.constant dense<0.000000e+00> : vector<2048x128xf32>
    %dot_general3A_88 = tpu.matmul %mul3A_86, %broadcast_in_dim3A_83, %dot_general3A_87 {dimension_numbers = #tpu.dot_dimension_numbers<[1], [0], [0], [1], [0, 0, 1, 1], [], []>, transpose_lhs_hint = false} : vector<2048x128xf32>, vector<128x128xf32>, vector<2048x128xf32> -> vector<2048x128xf32>
    %mul3A_89 = arith.mulf %dot_general3A_85, %dot_general3A_85 : vector<2048x128xf32>
    %sub3A_90 = arith.subf %dot_general3A_88, %mul3A_89 : vector<2048x128xf32>
    %sub3A_91 = arith.subf %add3A_81, %dot_general3A_85 : vector<2048x128xf32>
    %add3A_92 = arith.constant 9.99999974E-6 : f32
    %add3A_93 = vector.broadcast %add3A_92 : f32 to vector<2048x128xf32>
    %add3A_94 = arith.addf %sub3A_90, %add3A_93 : vector<2048x128xf32>
    %rsqrt3A = math.rsqrt %add3A_94 : vector<2048x128xf32>
    %mul3A_95 = arith.mulf %sub3A_91, %rsqrt3A : vector<2048x128xf32>
    %max3A = arith.constant 0.000000e+00 : f32
    %max3A_96 = vector.broadcast %max3A : f32 to vector<2048x128xf32>
    %max3A_97 = arith.maximumf %mul3A_95, %max3A_96 : vector<2048x128xf32>
    %get3A_98 = arith.constant 0 : index
    %get3A_99 = arith.constant 0 : index
    %get3A_100 = arith.constant 0 : index
    %get3A_101 = vector.load %arg8[%get3A_98, %get3A_99, %get3A_100] : memref<3x128x128xf32, #tpu.memory_space<vmem>>, vector<3x128x128xf32>
    %slice3A_102 = vector.extract_strided_slice %get3A_101 {offsets = [0, 0, 0], sizes = [1, 128, 128], strides = [1, 1, 1]} : vector<3x128x128xf32> to vector<1x128x128xf32>
    %squeeze3A_103 = vector.shape_cast %slice3A_102 : vector<1x128x128xf32> to vector<128x128xf32>
    %dot_general3A_104 = arith.constant dense<0.000000e+00> : vector<2048x128xf32>
    %dot_general3A_105 = tpu.matmul %max3A_97, %squeeze3A_103, %dot_general3A_104 {dimension_numbers = #tpu.dot_dimension_numbers<[1], [0], [0], [1], [0, 0, 1, 1], [], []>, transpose_lhs_hint = false} : vector<2048x128xf32>, vector<128x128xf32>, vector<2048x128xf32> -> vector<2048x128xf32>
    %add3A_106 = arith.addf %broadcast_in_dim3A_2, %dot_general3A_105 : vector<2048x128xf32>
    %slice3A_107 = vector.extract_strided_slice %get3A_1 {offsets = [0, 1], sizes = [2048, 1], strides = [1, 1]} : vector<2048x3xf32> to vector<2048x1xf32>
    %slice3A_108 = vector.extract_strided_slice %get3A_5 {offsets = [1, 0], sizes = [1, 64], strides = [1, 1]} : vector<3x64xf32> to vector<1x64xf32>
    %squeeze3A_109 = vector.shape_cast %slice3A_108 : vector<1x64xf32> to vector<64xf32>
    %broadcast_in_dim3A_110 = vector.shape_cast %squeeze3A_109 : vector<64xf32> to vector<1x64xf32>
    %mul3A_111 = vector.broadcast %slice3A_107 : vector<2048x1xf32> to vector<2048x64xf32>
    %mul3A_112 = vector.broadcast %broadcast_in_dim3A_110 : vector<1x64xf32> to vector<2048x64xf32>
    %mul3A_113 = arith.mulf %mul3A_111, %mul3A_112 : vector<2048x64xf32>
    %round3A_114 = math.roundeven %mul3A_113 : vector<2048x64xf32>
    %sub3A_115 = arith.subf %mul3A_113, %round3A_114 : vector<2048x64xf32>
    %mul3A_116 = arith.mulf %sub3A_115, %sub3A_115 : vector<2048x64xf32>
    %broadcast_in_dim3A_117 = arith.constant -21.2827759 : f32
    %broadcast_in_dim3A_118 = vector.broadcast %broadcast_in_dim3A_117 : f32 to vector<2048x64xf32>
    %mul3A_119 = arith.mulf %broadcast_in_dim3A_118, %mul3A_116 : vector<2048x64xf32>
    %add3A_120 = arith.constant 58.9124222 : f32
    %add3A_121 = vector.broadcast %add3A_120 : f32 to vector<2048x64xf32>
    %add3A_122 = arith.addf %mul3A_119, %add3A_121 : vector<2048x64xf32>
    %mul3A_123 = arith.mulf %add3A_122, %mul3A_116 : vector<2048x64xf32>
    %add3A_124 = arith.constant -85.2959442 : f32
    %add3A_125 = vector.broadcast %add3A_124 : f32 to vector<2048x64xf32>
    %add3A_126 = arith.addf %mul3A_123, %add3A_125 : vector<2048x64xf32>
    %mul3A_127 = arith.mulf %add3A_126, %mul3A_116 : vector<2048x64xf32>
    %add3A_128 = arith.constant 64.9306107 : f32
    %add3A_129 = vector.broadcast %add3A_128 : f32 to vector<2048x64xf32>
    %add3A_130 = arith.addf %mul3A_127, %add3A_129 : vector<2048x64xf32>
    %mul3A_131 = arith.mulf %add3A_130, %mul3A_116 : vector<2048x64xf32>
    %add3A_132 = arith.constant -19.7390347 : f32
    %add3A_133 = vector.broadcast %add3A_132 : f32 to vector<2048x64xf32>
    %add3A_134 = arith.addf %mul3A_131, %add3A_133 : vector<2048x64xf32>
    %mul3A_135 = arith.mulf %add3A_134, %mul3A_116 : vector<2048x64xf32>
    %add3A_136 = arith.constant 0.999999463 : f32
    %add3A_137 = vector.broadcast %add3A_136 : f32 to vector<2048x64xf32>
    %add3A_138 = arith.addf %mul3A_135, %add3A_137 : vector<2048x64xf32>
    %broadcast_in_dim3A_139 = arith.constant -12.5762815 : f32
    %broadcast_in_dim3A_140 = vector.broadcast %broadcast_in_dim3A_139 : f32 to vector<2048x64xf32>
    %mul3A_141 = arith.mulf %broadcast_in_dim3A_140, %mul3A_116 : vector<2048x64xf32>
    %add3A_142 = arith.constant 41.403389 : f32
    %add3A_143 = vector.broadcast %add3A_142 : f32 to vector<2048x64xf32>
    %add3A_144 = arith.addf %mul3A_141, %add3A_143 : vector<2048x64xf32>
    %mul3A_145 = arith.mulf %add3A_144, %mul3A_116 : vector<2048x64xf32>
    %add3A_146 = arith.constant -76.6265411 : f32
    %add3A_147 = vector.broadcast %add3A_146 : f32 to vector<2048x64xf32>
    %add3A_148 = arith.addf %mul3A_145, %add3A_147 : vector<2048x64xf32>
    %mul3A_149 = arith.mulf %add3A_148, %mul3A_116 : vector<2048x64xf32>
    %add3A_150 = arith.constant 81.600914 : f32
    %add3A_151 = vector.broadcast %add3A_150 : f32 to vector<2048x64xf32>
    %add3A_152 = arith.addf %mul3A_149, %add3A_151 : vector<2048x64xf32>
    %mul3A_153 = arith.mulf %add3A_152, %mul3A_116 : vector<2048x64xf32>
    %add3A_154 = arith.constant -41.3416176 : f32
    %add3A_155 = vector.broadcast %add3A_154 : f32 to vector<2048x64xf32>
    %add3A_156 = arith.addf %mul3A_153, %add3A_155 : vector<2048x64xf32>
    %mul3A_157 = arith.mulf %add3A_156, %mul3A_116 : vector<2048x64xf32>
    %add3A_158 = arith.constant 6.283185 : f32
    %add3A_159 = vector.broadcast %add3A_158 : f32 to vector<2048x64xf32>
    %add3A_160 = arith.addf %mul3A_157, %add3A_159 : vector<2048x64xf32>
    %mul3A_161 = arith.mulf %sub3A_115, %add3A_160 : vector<2048x64xf32>
    %get3A_162 = arith.constant 0 : index
    %get3A_163 = arith.constant 0 : index
    %get3A_164 = arith.constant 0 : index
    %get3A_165 = vector.load %arg6[%get3A_162, %get3A_163, %get3A_164] : memref<3x129x128xf32, #tpu.memory_space<vmem>>, vector<3x129x128xf32>
    %slice3A_166 = vector.extract_strided_slice %get3A_165 {offsets = [1, 0, 0], sizes = [1, 129, 128], strides = [1, 1, 1]} : vector<3x129x128xf32> to vector<1x129x128xf32>
    %squeeze3A_167 = vector.shape_cast %slice3A_166 : vector<1x129x128xf32> to vector<129x128xf32>
    %slice3A_168 = vector.extract_strided_slice %squeeze3A_167 {offsets = [0, 0], sizes = [64, 128], strides = [1, 1]} : vector<129x128xf32> to vector<64x128xf32>
    %dot_general3A_169 = arith.constant dense<0.000000e+00> : vector<2048x128xf32>
    %dot_general3A_170 = tpu.matmul %add3A_138, %slice3A_168, %dot_general3A_169 {dimension_numbers = #tpu.dot_dimension_numbers<[1], [0], [0], [1], [0, 0, 1, 1], [], []>, transpose_lhs_hint = false} : vector<2048x64xf32>, vector<64x128xf32>, vector<2048x128xf32> -> vector<2048x128xf32>
    %slice3A_171 = vector.extract_strided_slice %squeeze3A_167 {offsets = [64, 0], sizes = [64, 128], strides = [1, 1]} : vector<129x128xf32> to vector<64x128xf32>
    %dot_general3A_172 = arith.constant dense<0.000000e+00> : vector<2048x128xf32>
    %dot_general3A_173 = tpu.matmul %mul3A_161, %slice3A_171, %dot_general3A_172 {dimension_numbers = #tpu.dot_dimension_numbers<[1], [0], [0], [1], [0, 0, 1, 1], [], []>, transpose_lhs_hint = false} : vector<2048x64xf32>, vector<64x128xf32>, vector<2048x128xf32> -> vector<2048x128xf32>
    %add3A_174 = arith.addf %dot_general3A_170, %dot_general3A_173 : vector<2048x128xf32>
    %slice3A_175 = vector.extract_strided_slice %squeeze3A_167 {offsets = [128, 0], sizes = [1, 128], strides = [1, 1]} : vector<129x128xf32> to vector<1x128xf32>
    %squeeze3A_176 = vector.shape_cast %slice3A_175 : vector<1x128xf32> to vector<128xf32>
    %broadcast_in_dim3A_177 = vector.shape_cast %squeeze3A_176 : vector<128xf32> to vector<1x128xf32>
    %mul3A_178 = vector.broadcast %slice3A_107 : vector<2048x1xf32> to vector<2048x128xf32>
    %mul3A_179 = vector.broadcast %broadcast_in_dim3A_177 : vector<1x128xf32> to vector<2048x128xf32>
    %mul3A_180 = arith.mulf %mul3A_178, %mul3A_179 : vector<2048x128xf32>
    %add3A_181 = arith.addf %add3A_174, %mul3A_180 : vector<2048x128xf32>
    %get3A_182 = arith.constant 0 : index
    %get3A_183 = arith.constant 0 : index
    %get3A_184 = vector.load %arg7[%get3A_182, %get3A_183] : memref<3x128xf32, #tpu.memory_space<vmem>>, vector<3x128xf32>
    %slice3A_185 = vector.extract_strided_slice %get3A_184 {offsets = [1, 0], sizes = [1, 128], strides = [1, 1]} : vector<3x128xf32> to vector<1x128xf32>
    %squeeze3A_186 = vector.shape_cast %slice3A_185 : vector<1x128xf32> to vector<128xf32>
    %broadcast_in_dim3A_187 = vector.shape_cast %squeeze3A_186 : vector<128xf32> to vector<1x128xf32>
    %add3A_188 = vector.broadcast %broadcast_in_dim3A_187 : vector<1x128xf32> to vector<2048x128xf32>
    %add3A_189 = arith.addf %add3A_181, %add3A_188 : vector<2048x128xf32>
    %broadcast_in_dim3A_190 = arith.constant 7.812500e-03 : f32
    %broadcast_in_dim3A_191 = vector.broadcast %broadcast_in_dim3A_190 : f32 to vector<128x128xf32>
    %dot_general3A_192 = arith.constant dense<0.000000e+00> : vector<2048x128xf32>
    %dot_general3A_193 = tpu.matmul %add3A_189, %broadcast_in_dim3A_191, %dot_general3A_192 {dimension_numbers = #tpu.dot_dimension_numbers<[1], [0], [0], [1], [0, 0, 1, 1], [], []>, transpose_lhs_hint = false} : vector<2048x128xf32>, vector<128x128xf32>, vector<2048x128xf32> -> vector<2048x128xf32>
    %mul3A_194 = arith.mulf %add3A_189, %add3A_189 : vector<2048x128xf32>
    %dot_general3A_195 = arith.constant dense<0.000000e+00> : vector<2048x128xf32>
    %dot_general3A_196 = tpu.matmul %mul3A_194, %broadcast_in_dim3A_191, %dot_general3A_195 {dimension_numbers = #tpu.dot_dimension_numbers<[1], [0], [0], [1], [0, 0, 1, 1], [], []>, transpose_lhs_hint = false} : vector<2048x128xf32>, vector<128x128xf32>, vector<2048x128xf32> -> vector<2048x128xf32>
    %mul3A_197 = arith.mulf %dot_general3A_193, %dot_general3A_193 : vector<2048x128xf32>
    %sub3A_198 = arith.subf %dot_general3A_196, %mul3A_197 : vector<2048x128xf32>
    %sub3A_199 = arith.subf %add3A_189, %dot_general3A_193 : vector<2048x128xf32>
    %add3A_200 = arith.constant 9.99999974E-6 : f32
    %add3A_201 = vector.broadcast %add3A_200 : f32 to vector<2048x128xf32>
    %add3A_202 = arith.addf %sub3A_198, %add3A_201 : vector<2048x128xf32>
    %rsqrt3A_203 = math.rsqrt %add3A_202 : vector<2048x128xf32>
    %mul3A_204 = arith.mulf %sub3A_199, %rsqrt3A_203 : vector<2048x128xf32>
    %max3A_205 = arith.constant 0.000000e+00 : f32
    %max3A_206 = vector.broadcast %max3A_205 : f32 to vector<2048x128xf32>
    %max3A_207 = arith.maximumf %mul3A_204, %max3A_206 : vector<2048x128xf32>
    %get3A_208 = arith.constant 0 : index
    %get3A_209 = arith.constant 0 : index
    %get3A_210 = arith.constant 0 : index
    %get3A_211 = vector.load %arg8[%get3A_208, %get3A_209, %get3A_210] : memref<3x128x128xf32, #tpu.memory_space<vmem>>, vector<3x128x128xf32>
    %slice3A_212 = vector.extract_strided_slice %get3A_211 {offsets = [1, 0, 0], sizes = [1, 128, 128], strides = [1, 1, 1]} : vector<3x128x128xf32> to vector<1x128x128xf32>
    %squeeze3A_213 = vector.shape_cast %slice3A_212 : vector<1x128x128xf32> to vector<128x128xf32>
    %dot_general3A_214 = arith.constant dense<0.000000e+00> : vector<2048x128xf32>
    %dot_general3A_215 = tpu.matmul %max3A_207, %squeeze3A_213, %dot_general3A_214 {dimension_numbers = #tpu.dot_dimension_numbers<[1], [0], [0], [1], [0, 0, 1, 1], [], []>, transpose_lhs_hint = false} : vector<2048x128xf32>, vector<128x128xf32>, vector<2048x128xf32> -> vector<2048x128xf32>
    %add3A_216 = arith.addf %add3A_106, %dot_general3A_215 : vector<2048x128xf32>
    %slice3A_217 = vector.extract_strided_slice %get3A_1 {offsets = [0, 2], sizes = [2048, 1], strides = [1, 1]} : vector<2048x3xf32> to vector<2048x1xf32>
    %slice3A_218 = vector.extract_strided_slice %get3A_5 {offsets = [2, 0], sizes = [1, 64], strides = [1, 1]} : vector<3x64xf32> to vector<1x64xf32>
    %squeeze3A_219 = vector.shape_cast %slice3A_218 : vector<1x64xf32> to vector<64xf32>
    %broadcast_in_dim3A_220 = vector.shape_cast %squeeze3A_219 : vector<64xf32> to vector<1x64xf32>
    %mul3A_221 = vector.broadcast %slice3A_217 : vector<2048x1xf32> to vector<2048x64xf32>
    %mul3A_222 = vector.broadcast %broadcast_in_dim3A_220 : vector<1x64xf32> to vector<2048x64xf32>
    %mul3A_223 = arith.mulf %mul3A_221, %mul3A_222 : vector<2048x64xf32>
    %round3A_224 = math.roundeven %mul3A_223 : vector<2048x64xf32>
    %sub3A_225 = arith.subf %mul3A_223, %round3A_224 : vector<2048x64xf32>
    %mul3A_226 = arith.mulf %sub3A_225, %sub3A_225 : vector<2048x64xf32>
    %broadcast_in_dim3A_227 = arith.constant -21.2827759 : f32
    %broadcast_in_dim3A_228 = vector.broadcast %broadcast_in_dim3A_227 : f32 to vector<2048x64xf32>
    %mul3A_229 = arith.mulf %broadcast_in_dim3A_228, %mul3A_226 : vector<2048x64xf32>
    %add3A_230 = arith.constant 58.9124222 : f32
    %add3A_231 = vector.broadcast %add3A_230 : f32 to vector<2048x64xf32>
    %add3A_232 = arith.addf %mul3A_229, %add3A_231 : vector<2048x64xf32>
    %mul3A_233 = arith.mulf %add3A_232, %mul3A_226 : vector<2048x64xf32>
    %add3A_234 = arith.constant -85.2959442 : f32
    %add3A_235 = vector.broadcast %add3A_234 : f32 to vector<2048x64xf32>
    %add3A_236 = arith.addf %mul3A_233, %add3A_235 : vector<2048x64xf32>
    %mul3A_237 = arith.mulf %add3A_236, %mul3A_226 : vector<2048x64xf32>
    %add3A_238 = arith.constant 64.9306107 : f32
    %add3A_239 = vector.broadcast %add3A_238 : f32 to vector<2048x64xf32>
    %add3A_240 = arith.addf %mul3A_237, %add3A_239 : vector<2048x64xf32>
    %mul3A_241 = arith.mulf %add3A_240, %mul3A_226 : vector<2048x64xf32>
    %add3A_242 = arith.constant -19.7390347 : f32
    %add3A_243 = vector.broadcast %add3A_242 : f32 to vector<2048x64xf32>
    %add3A_244 = arith.addf %mul3A_241, %add3A_243 : vector<2048x64xf32>
    %mul3A_245 = arith.mulf %add3A_244, %mul3A_226 : vector<2048x64xf32>
    %add3A_246 = arith.constant 0.999999463 : f32
    %add3A_247 = vector.broadcast %add3A_246 : f32 to vector<2048x64xf32>
    %add3A_248 = arith.addf %mul3A_245, %add3A_247 : vector<2048x64xf32>
    %broadcast_in_dim3A_249 = arith.constant -12.5762815 : f32
    %broadcast_in_dim3A_250 = vector.broadcast %broadcast_in_dim3A_249 : f32 to vector<2048x64xf32>
    %mul3A_251 = arith.mulf %broadcast_in_dim3A_250, %mul3A_226 : vector<2048x64xf32>
    %add3A_252 = arith.constant 41.403389 : f32
    %add3A_253 = vector.broadcast %add3A_252 : f32 to vector<2048x64xf32>
    %add3A_254 = arith.addf %mul3A_251, %add3A_253 : vector<2048x64xf32>
    %mul3A_255 = arith.mulf %add3A_254, %mul3A_226 : vector<2048x64xf32>
    %add3A_256 = arith.constant -76.6265411 : f32
    %add3A_257 = vector.broadcast %add3A_256 : f32 to vector<2048x64xf32>
    %add3A_258 = arith.addf %mul3A_255, %add3A_257 : vector<2048x64xf32>
    %mul3A_259 = arith.mulf %add3A_258, %mul3A_226 : vector<2048x64xf32>
    %add3A_260 = arith.constant 81.600914 : f32
    %add3A_261 = vector.broadcast %add3A_260 : f32 to vector<2048x64xf32>
    %add3A_262 = arith.addf %mul3A_259, %add3A_261 : vector<2048x64xf32>
    %mul3A_263 = arith.mulf %add3A_262, %mul3A_226 : vector<2048x64xf32>
    %add3A_264 = arith.constant -41.3416176 : f32
    %add3A_265 = vector.broadcast %add3A_264 : f32 to vector<2048x64xf32>
    %add3A_266 = arith.addf %mul3A_263, %add3A_265 : vector<2048x64xf32>
    %mul3A_267 = arith.mulf %add3A_266, %mul3A_226 : vector<2048x64xf32>
    %add3A_268 = arith.constant 6.283185 : f32
    %add3A_269 = vector.broadcast %add3A_268 : f32 to vector<2048x64xf32>
    %add3A_270 = arith.addf %mul3A_267, %add3A_269 : vector<2048x64xf32>
    %mul3A_271 = arith.mulf %sub3A_225, %add3A_270 : vector<2048x64xf32>
    %get3A_272 = arith.constant 0 : index
    %get3A_273 = arith.constant 0 : index
    %get3A_274 = arith.constant 0 : index
    %get3A_275 = vector.load %arg6[%get3A_272, %get3A_273, %get3A_274] : memref<3x129x128xf32, #tpu.memory_space<vmem>>, vector<3x129x128xf32>
    %slice3A_276 = vector.extract_strided_slice %get3A_275 {offsets = [2, 0, 0], sizes = [1, 129, 128], strides = [1, 1, 1]} : vector<3x129x128xf32> to vector<1x129x128xf32>
    %squeeze3A_277 = vector.shape_cast %slice3A_276 : vector<1x129x128xf32> to vector<129x128xf32>
    %slice3A_278 = vector.extract_strided_slice %squeeze3A_277 {offsets = [0, 0], sizes = [64, 128], strides = [1, 1]} : vector<129x128xf32> to vector<64x128xf32>
    %dot_general3A_279 = arith.constant dense<0.000000e+00> : vector<2048x128xf32>
    %dot_general3A_280 = tpu.matmul %add3A_248, %slice3A_278, %dot_general3A_279 {dimension_numbers = #tpu.dot_dimension_numbers<[1], [0], [0], [1], [0, 0, 1, 1], [], []>, transpose_lhs_hint = false} : vector<2048x64xf32>, vector<64x128xf32>, vector<2048x128xf32> -> vector<2048x128xf32>
    %slice3A_281 = vector.extract_strided_slice %squeeze3A_277 {offsets = [64, 0], sizes = [64, 128], strides = [1, 1]} : vector<129x128xf32> to vector<64x128xf32>
    %dot_general3A_282 = arith.constant dense<0.000000e+00> : vector<2048x128xf32>
    %dot_general3A_283 = tpu.matmul %mul3A_271, %slice3A_281, %dot_general3A_282 {dimension_numbers = #tpu.dot_dimension_numbers<[1], [0], [0], [1], [0, 0, 1, 1], [], []>, transpose_lhs_hint = false} : vector<2048x64xf32>, vector<64x128xf32>, vector<2048x128xf32> -> vector<2048x128xf32>
    %add3A_284 = arith.addf %dot_general3A_280, %dot_general3A_283 : vector<2048x128xf32>
    %slice3A_285 = vector.extract_strided_slice %squeeze3A_277 {offsets = [128, 0], sizes = [1, 128], strides = [1, 1]} : vector<129x128xf32> to vector<1x128xf32>
    %squeeze3A_286 = vector.shape_cast %slice3A_285 : vector<1x128xf32> to vector<128xf32>
    %broadcast_in_dim3A_287 = vector.shape_cast %squeeze3A_286 : vector<128xf32> to vector<1x128xf32>
    %mul3A_288 = vector.broadcast %slice3A_217 : vector<2048x1xf32> to vector<2048x128xf32>
    %mul3A_289 = vector.broadcast %broadcast_in_dim3A_287 : vector<1x128xf32> to vector<2048x128xf32>
    %mul3A_290 = arith.mulf %mul3A_288, %mul3A_289 : vector<2048x128xf32>
    %add3A_291 = arith.addf %add3A_284, %mul3A_290 : vector<2048x128xf32>
    %get3A_292 = arith.constant 0 : index
    %get3A_293 = arith.constant 0 : index
    %get3A_294 = vector.load %arg7[%get3A_292, %get3A_293] : memref<3x128xf32, #tpu.memory_space<vmem>>, vector<3x128xf32>
    %slice3A_295 = vector.extract_strided_slice %get3A_294 {offsets = [2, 0], sizes = [1, 128], strides = [1, 1]} : vector<3x128xf32> to vector<1x128xf32>
    %squeeze3A_296 = vector.shape_cast %slice3A_295 : vector<1x128xf32> to vector<128xf32>
    %broadcast_in_dim3A_297 = vector.shape_cast %squeeze3A_296 : vector<128xf32> to vector<1x128xf32>
    %add3A_298 = vector.broadcast %broadcast_in_dim3A_297 : vector<1x128xf32> to vector<2048x128xf32>
    %add3A_299 = arith.addf %add3A_291, %add3A_298 : vector<2048x128xf32>
    %broadcast_in_dim3A_300 = arith.constant 7.812500e-03 : f32
    %broadcast_in_dim3A_301 = vector.broadcast %broadcast_in_dim3A_300 : f32 to vector<128x128xf32>
    %dot_general3A_302 = arith.constant dense<0.000000e+00> : vector<2048x128xf32>
    %dot_general3A_303 = tpu.matmul %add3A_299, %broadcast_in_dim3A_301, %dot_general3A_302 {dimension_numbers = #tpu.dot_dimension_numbers<[1], [0], [0], [1], [0, 0, 1, 1], [], []>, transpose_lhs_hint = false} : vector<2048x128xf32>, vector<128x128xf32>, vector<2048x128xf32> -> vector<2048x128xf32>
    %mul3A_304 = arith.mulf %add3A_299, %add3A_299 : vector<2048x128xf32>
    %dot_general3A_305 = arith.constant dense<0.000000e+00> : vector<2048x128xf32>
    %dot_general3A_306 = tpu.matmul %mul3A_304, %broadcast_in_dim3A_301, %dot_general3A_305 {dimension_numbers = #tpu.dot_dimension_numbers<[1], [0], [0], [1], [0, 0, 1, 1], [], []>, transpose_lhs_hint = false} : vector<2048x128xf32>, vector<128x128xf32>, vector<2048x128xf32> -> vector<2048x128xf32>
    %mul3A_307 = arith.mulf %dot_general3A_303, %dot_general3A_303 : vector<2048x128xf32>
    %sub3A_308 = arith.subf %dot_general3A_306, %mul3A_307 : vector<2048x128xf32>
    %sub3A_309 = arith.subf %add3A_299, %dot_general3A_303 : vector<2048x128xf32>
    %add3A_310 = arith.constant 9.99999974E-6 : f32
    %add3A_311 = vector.broadcast %add3A_310 : f32 to vector<2048x128xf32>
    %add3A_312 = arith.addf %sub3A_308, %add3A_311 : vector<2048x128xf32>
    %rsqrt3A_313 = math.rsqrt %add3A_312 : vector<2048x128xf32>
    %mul3A_314 = arith.mulf %sub3A_309, %rsqrt3A_313 : vector<2048x128xf32>
    %max3A_315 = arith.constant 0.000000e+00 : f32
    %max3A_316 = vector.broadcast %max3A_315 : f32 to vector<2048x128xf32>
    %max3A_317 = arith.maximumf %mul3A_314, %max3A_316 : vector<2048x128xf32>
    %get3A_318 = arith.constant 0 : index
    %get3A_319 = arith.constant 0 : index
    %get3A_320 = arith.constant 0 : index
    %get3A_321 = vector.load %arg8[%get3A_318, %get3A_319, %get3A_320] : memref<3x128x128xf32, #tpu.memory_space<vmem>>, vector<3x128x128xf32>
    %slice3A_322 = vector.extract_strided_slice %get3A_321 {offsets = [2, 0, 0], sizes = [1, 128, 128], strides = [1, 1, 1]} : vector<3x128x128xf32> to vector<1x128x128xf32>
    %squeeze3A_323 = vector.shape_cast %slice3A_322 : vector<1x128x128xf32> to vector<128x128xf32>
    %dot_general3A_324 = arith.constant dense<0.000000e+00> : vector<2048x128xf32>
    %dot_general3A_325 = tpu.matmul %max3A_317, %squeeze3A_323, %dot_general3A_324 {dimension_numbers = #tpu.dot_dimension_numbers<[1], [0], [0], [1], [0, 0, 1, 1], [], []>, transpose_lhs_hint = false} : vector<2048x128xf32>, vector<128x128xf32>, vector<2048x128xf32> -> vector<2048x128xf32>
    %add3A_326 = arith.addf %add3A_216, %dot_general3A_325 : vector<2048x128xf32>
    %broadcast_in_dim3A_327 = arith.constant 7.812500e-03 : f32
    %broadcast_in_dim3A_328 = vector.broadcast %broadcast_in_dim3A_327 : f32 to vector<128x128xf32>
    %dot_general3A_329 = arith.constant dense<0.000000e+00> : vector<2048x128xf32>
    %dot_general3A_330 = tpu.matmul %add3A_326, %broadcast_in_dim3A_328, %dot_general3A_329 {dimension_numbers = #tpu.dot_dimension_numbers<[1], [0], [0], [1], [0, 0, 1, 1], [], []>, transpose_lhs_hint = false} : vector<2048x128xf32>, vector<128x128xf32>, vector<2048x128xf32> -> vector<2048x128xf32>
    %mul3A_331 = arith.mulf %add3A_326, %add3A_326 : vector<2048x128xf32>
    %dot_general3A_332 = arith.constant dense<0.000000e+00> : vector<2048x128xf32>
    %dot_general3A_333 = tpu.matmul %mul3A_331, %broadcast_in_dim3A_328, %dot_general3A_332 {dimension_numbers = #tpu.dot_dimension_numbers<[1], [0], [0], [1], [0, 0, 1, 1], [], []>, transpose_lhs_hint = false} : vector<2048x128xf32>, vector<128x128xf32>, vector<2048x128xf32> -> vector<2048x128xf32>
    %mul3A_334 = arith.mulf %dot_general3A_330, %dot_general3A_330 : vector<2048x128xf32>
    %sub3A_335 = arith.subf %dot_general3A_333, %mul3A_334 : vector<2048x128xf32>
    %sub3A_336 = arith.subf %add3A_326, %dot_general3A_330 : vector<2048x128xf32>
    %add3A_337 = arith.constant 9.99999974E-6 : f32
    %add3A_338 = vector.broadcast %add3A_337 : f32 to vector<2048x128xf32>
    %add3A_339 = arith.addf %sub3A_335, %add3A_338 : vector<2048x128xf32>
    %rsqrt3A_340 = math.rsqrt %add3A_339 : vector<2048x128xf32>
    %mul3A_341 = arith.mulf %sub3A_336, %rsqrt3A_340 : vector<2048x128xf32>
    %max3A_342 = arith.constant 0.000000e+00 : f32
    %max3A_343 = vector.broadcast %max3A_342 : f32 to vector<2048x128xf32>
    %max3A_344 = arith.maximumf %mul3A_341, %max3A_343 : vector<2048x128xf32>
    %get3A_345 = arith.constant 0 : index
    %get3A_346 = arith.constant 0 : index
    %get3A_347 = vector.load %arg9[%get3A_345, %get3A_346] : memref<128x128xf32, #tpu.memory_space<vmem>>, vector<128x128xf32>
    %dot_general3A_348 = arith.constant dense<0.000000e+00> : vector<2048x128xf32>
    %dot_general3A_349 = tpu.matmul %max3A_344, %get3A_347, %dot_general3A_348 {dimension_numbers = #tpu.dot_dimension_numbers<[1], [0], [0], [1], [0, 0, 1, 1], [], []>, transpose_lhs_hint = false} : vector<2048x128xf32>, vector<128x128xf32>, vector<2048x128xf32> -> vector<2048x128xf32>
    %get3A_350 = arith.constant 0 : index
    %get3A_351 = arith.constant 0 : index
    %get3A_352 = vector.load %arg10[%get3A_350, %get3A_351] : memref<1x128xf32, #tpu.memory_space<vmem>>, vector<1x128xf32>
    %add3A_353 = vector.broadcast %get3A_352 : vector<1x128xf32> to vector<2048x128xf32>
    %add3A_354 = arith.addf %dot_general3A_349, %add3A_353 : vector<2048x128xf32>
    %broadcast_in_dim3A_355 = arith.constant 7.812500e-03 : f32
    %broadcast_in_dim3A_356 = vector.broadcast %broadcast_in_dim3A_355 : f32 to vector<128x128xf32>
    %dot_general3A_357 = arith.constant dense<0.000000e+00> : vector<2048x128xf32>
    %dot_general3A_358 = tpu.matmul %add3A_354, %broadcast_in_dim3A_356, %dot_general3A_357 {dimension_numbers = #tpu.dot_dimension_numbers<[1], [0], [0], [1], [0, 0, 1, 1], [], []>, transpose_lhs_hint = false} : vector<2048x128xf32>, vector<128x128xf32>, vector<2048x128xf32> -> vector<2048x128xf32>
    %mul3A_359 = arith.mulf %add3A_354, %add3A_354 : vector<2048x128xf32>
    %dot_general3A_360 = arith.constant dense<0.000000e+00> : vector<2048x128xf32>
    %dot_general3A_361 = tpu.matmul %mul3A_359, %broadcast_in_dim3A_356, %dot_general3A_360 {dimension_numbers = #tpu.dot_dimension_numbers<[1], [0], [0], [1], [0, 0, 1, 1], [], []>, transpose_lhs_hint = false} : vector<2048x128xf32>, vector<128x128xf32>, vector<2048x128xf32> -> vector<2048x128xf32>
    %mul3A_362 = arith.mulf %dot_general3A_358, %dot_general3A_358 : vector<2048x128xf32>
    %sub3A_363 = arith.subf %dot_general3A_361, %mul3A_362 : vector<2048x128xf32>
    %sub3A_364 = arith.subf %add3A_354, %dot_general3A_358 : vector<2048x128xf32>
    %add3A_365 = arith.constant 9.99999974E-6 : f32
    %add3A_366 = vector.broadcast %add3A_365 : f32 to vector<2048x128xf32>
    %add3A_367 = arith.addf %sub3A_363, %add3A_366 : vector<2048x128xf32>
    %rsqrt3A_368 = math.rsqrt %add3A_367 : vector<2048x128xf32>
    %mul3A_369 = arith.mulf %sub3A_364, %rsqrt3A_368 : vector<2048x128xf32>
    %get3A_370 = arith.constant 0 : index
    %get3A_371 = arith.constant 0 : index
    %get3A_372 = vector.load %arg11[%get3A_370, %get3A_371] : memref<128x128xf32, #tpu.memory_space<vmem>>, vector<128x128xf32>
    %dot_general3A_373 = arith.constant dense<0.000000e+00> : vector<2048x128xf32>
    %dot_general3A_374 = tpu.matmul %mul3A_369, %get3A_372, %dot_general3A_373 {dimension_numbers = #tpu.dot_dimension_numbers<[1], [0], [0], [1], [0, 0, 1, 1], [], []>, transpose_lhs_hint = false} : vector<2048x128xf32>, vector<128x128xf32>, vector<2048x128xf32> -> vector<2048x128xf32>
    %get3A_375 = arith.constant 0 : index
    %get3A_376 = arith.constant 0 : index
    %get3A_377 = vector.load %arg12[%get3A_375, %get3A_376] : memref<128x128xf32, #tpu.memory_space<vmem>>, vector<128x128xf32>
    %dot_general3A_378 = arith.constant dense<0.000000e+00> : vector<2048x128xf32>
    %dot_general3A_379 = tpu.matmul %mul3A_369, %get3A_377, %dot_general3A_378 {dimension_numbers = #tpu.dot_dimension_numbers<[1], [0], [0], [1], [0, 0, 1, 1], [], []>, transpose_lhs_hint = false} : vector<2048x128xf32>, vector<128x128xf32>, vector<2048x128xf32> -> vector<2048x128xf32>
    %get3A_380 = arith.constant 0 : index
    %get3A_381 = arith.constant 0 : index
    %get3A_382 = vector.load %arg2[%get3A_380, %get3A_381] : memref<2048x256xf32, #tpu.memory_space<vmem>>, vector<2048x256xf32>
    %slice3A_383 = vector.extract_strided_slice %get3A_382 {offsets = [0, 0], sizes = [2048, 128], strides = [1, 1]} : vector<2048x256xf32> to vector<2048x128xf32>
    %add3A_384 = arith.addf %slice3A_383, %dot_general3A_374 : vector<2048x128xf32>
    %slice3A_385 = vector.extract_strided_slice %get3A_382 {offsets = [0, 128], sizes = [2048, 128], strides = [1, 1]} : vector<2048x256xf32> to vector<2048x128xf32>
    %add3A_386 = arith.addf %slice3A_385, %dot_general3A_379 : vector<2048x128xf32>
    %get3A_387 = arith.constant 0 : index
    %get3A_388 = arith.constant 0 : index
    %get3A_389 = vector.load %arg3[%get3A_387, %get3A_388] : memref<2048x128xf32, #tpu.memory_space<vmem>>, vector<2048x128xf32>
    %mul3A_390 = arith.mulf %get3A_389, %add3A_384 : vector<2048x128xf32>
    %iota3A = tpu.iota {dimensions = array<i32: 0>} : vector<128x8xi32>
    %jit3A = arith.constant 16 : i32
    %div3A = vector.broadcast %jit3A : i32 to vector<128x8xi32>
    %div3A_391 = arith.divsi %iota3A, %div3A : vector<128x8xi32>
    %sign3A = arith.constant 0 : i32
    %sign3A_392 = vector.broadcast %sign3A : i32 to vector<128x8xi32>
    %sign3A_393 = arith.cmpi sgt, %iota3A, %sign3A_392 : vector<128x8xi32>
    %sign3A_394 = arith.extui %sign3A_393 : vector<128x8xi1> to vector<128x8xi32>
    %sign3A_395 = arith.constant 0 : i32
    %sign3A_396 = vector.broadcast %sign3A_395 : i32 to vector<128x8xi32>
    %sign3A_397 = arith.cmpi slt, %iota3A, %sign3A_396 : vector<128x8xi32>
    %sign3A_398 = arith.extui %sign3A_397 : vector<128x8xi1> to vector<128x8xi32>
    %sign3A_399 = arith.subi %sign3A_394, %sign3A_398 : vector<128x8xi32>
    %sign3A_400 = arith.constant 0 : i32
    %sign3A_401 = arith.cmpi sgt, %jit3A, %sign3A_400 : i32
    %sign3A_402 = arith.extui %sign3A_401 : i1 to i32
    %sign3A_403 = arith.constant 0 : i32
    %sign3A_404 = arith.cmpi slt, %jit3A, %sign3A_403 : i32
    %sign3A_405 = arith.extui %sign3A_404 : i1 to i32
    %sign3A_406 = arith.subi %sign3A_402, %sign3A_405 : i32
    %ne3A = vector.broadcast %sign3A_406 : i32 to vector<128x8xi32>
    %ne3A_407 = arith.cmpi ne, %sign3A_399, %ne3A : vector<128x8xi32>
    %rem3A = vector.broadcast %jit3A : i32 to vector<128x8xi32>
    %rem3A_408 = arith.remsi %iota3A, %rem3A : vector<128x8xi32>
    %ne3A_409 = arith.constant 0 : i32
    %ne3A_410 = vector.broadcast %ne3A_409 : i32 to vector<128x8xi32>
    %ne3A_411 = arith.cmpi ne, %rem3A_408, %ne3A_410 : vector<128x8xi32>
    %and3A = arith.andi %ne3A_407, %ne3A_411 : vector<128x8xi1>
    %sub3A_412 = arith.constant 1 : i32
    %sub3A_413 = vector.broadcast %sub3A_412 : i32 to vector<128x8xi32>
    %sub3A_414 = arith.subi %div3A_391, %sub3A_413 : vector<128x8xi32>
    %select_n3A = arith.select %and3A, %sub3A_414, %div3A_391 : vector<128x8xi1>, vector<128x8xi32>
    %iota3A_415 = tpu.iota {dimensions = array<i32: 1>} : vector<128x8xi32>
    %eq3A = arith.cmpi eq, %select_n3A, %iota3A_415 : vector<128x8xi32>
    %convert_element_type3A = arith.extui %eq3A : vector<128x8xi1> to vector<128x8xi32>
    %convert_element_type3A_416 = arith.sitofp %convert_element_type3A : vector<128x8xi32> to vector<128x8xf32>
    %dot_general3A_417 = arith.constant dense<0.000000e+00> : vector<2048x8xf32>
    %dot_general3A_418 = tpu.matmul %mul3A_390, %convert_element_type3A_416, %dot_general3A_417 {dimension_numbers = #tpu.dot_dimension_numbers<[1], [0], [0], [1], [0, 0, 1, 1], [], []>, transpose_lhs_hint = false} : vector<2048x128xf32>, vector<128x8xf32>, vector<2048x8xf32> -> vector<2048x8xf32>
    %mul3A_419 = arith.constant 2.500000e-01 : f32
    %mul3A_420 = vector.broadcast %mul3A_419 : f32 to vector<2048x8xf32>
    %mul3A_421 = arith.mulf %dot_general3A_418, %mul3A_420 : vector<2048x8xf32>
    %exp3A = math.exp %mul3A_421 : vector<2048x8xf32>
    %transpose3A = tpu.transpose %convert_element_type3A_416, [1, 0] : vector<128x8xf32> -> vector<8x128xf32>
    %dot_general3A_422 = arith.constant dense<0.000000e+00> : vector<2048x128xf32>
    %dot_general3A_423 = tpu.matmul %exp3A, %transpose3A, %dot_general3A_422 {dimension_numbers = #tpu.dot_dimension_numbers<[1], [0], [0], [1], [0, 0, 1, 1], [], []>, transpose_lhs_hint = false} : vector<2048x8xf32>, vector<8x128xf32>, vector<2048x128xf32> -> vector<2048x128xf32>
    %mul3A_424 = arith.mulf %dot_general3A_423, %add3A_386 : vector<2048x128xf32>
    %swap3A = arith.constant 0 : index
    %swap3A_425 = arith.constant 0 : index
    %swap3A_426 = vector.load %arg13[%swap3A, %swap3A_425] : memref<2048x128xf32, #tpu.memory_space<vmem>>, vector<2048x128xf32>
    tpu.vector_store %arg13[%swap3A, %swap3A_425], %mul3A_424 {strides = array<i32>} : memref<2048x128xf32, #tpu.memory_space<vmem>>, vector<2048x128xf32>,
    %swap3A_427 = arith.constant 0 : index
    %swap3A_428 = arith.constant 0 : index
    %swap3A_429 = vector.load %arg14[%swap3A_427, %swap3A_428] : memref<2048x128xf32, #tpu.memory_space<vmem>>, vector<2048x128xf32>
    tpu.vector_store %arg14[%swap3A_427, %swap3A_428], %dot_general3A_423 {strides = array<i32>} : memref<2048x128xf32, #tpu.memory_space<vmem>>, vector<2048x128xf32>,
    %get3A_430 = arith.constant 0 : index
    %get3A_431 = arith.constant 0 : index
    %get3A_432 = arith.constant 0 : index
    %get3A_433 = vector.load %arg4[%get3A_430, %get3A_431, %get3A_432] : memref<1x1x2048xi32, #tpu.memory_space<vmem>>, vector<1x1x2048xi32>
    %get3A_434 = vector.shape_cast %get3A_433 : vector<1x1x2048xi32> to vector<1x2048xi32>
    %iota3A_435 = tpu.iota {dimensions = array<i32: 1>} : vector<1x2048xi32>
    %jit3A_436 = arith.constant 64 : i32
    %eq3A_437 = arith.constant 0 : i32
    %eq3A_438 = arith.cmpi eq, %jit3A_436, %eq3A_437 : i32
    %jit3A_439 = arith.constant 1 : i32
    %select_n3A_440 = arith.select %eq3A_438, %jit3A_439, %jit3A_436 : i32
    %rem3A_441 = vector.broadcast %select_n3A_440 : i32 to vector<1x2048xi32>
    %rem3A_442 = arith.remsi %iota3A_435, %rem3A_441 : vector<1x2048xi32>
    %ne3A_443 = arith.constant 0 : i32
    %ne3A_444 = vector.broadcast %ne3A_443 : i32 to vector<1x2048xi32>
    %ne3A_445 = arith.cmpi ne, %rem3A_442, %ne3A_444 : vector<1x2048xi32>
    %lt3A = arith.constant 0 : i32
    %lt3A_446 = vector.broadcast %lt3A : i32 to vector<1x2048xi32>
    %lt3A_447 = arith.cmpi slt, %rem3A_442, %lt3A_446 : vector<1x2048xi32>
    %lt3A_448 = arith.constant 0 : i32
    %lt3A_449 = arith.cmpi slt, %select_n3A_440, %lt3A_448 : i32
    %ne3A_450 = vector.broadcast %lt3A_449 : i1 to vector<1x2048xi1>
    %ne3A_451 = vector.broadcast %ne3A_450 : vector<1x2048xi1> to vector<1x2048xi1>
    %ne3A_452 = arith.xori %lt3A_447, %ne3A_451 : vector<1x2048xi1>
    %and3A_453 = arith.andi %ne3A_452, %ne3A_445 : vector<1x2048xi1>
    %add3A_454 = vector.broadcast %select_n3A_440 : i32 to vector<1x2048xi32>
    %add3A_455 = arith.addi %rem3A_442, %add3A_454 : vector<1x2048xi32>
    %select_n3A_456 = arith.select %and3A_453, %add3A_455, %rem3A_442 : vector<1x2048xi1>, vector<1x2048xi32>
    %add3A_457 = arith.constant 11520 : i32
    %add3A_458 = vector.broadcast %add3A_457 : i32 to vector<1x2048xi32>
    %add3A_459 = arith.addi %add3A_458, %select_n3A_456 : vector<1x2048xi32>
    %lt3A_460 = arith.constant 11520 : i32
    %lt3A_461 = vector.broadcast %lt3A_460 : i32 to vector<1x2048xi32>
    %lt3A_462 = arith.cmpi slt, %get3A_434, %lt3A_461 : vector<1x2048xi32>
    %select_n3A_463 = arith.select %lt3A_462, %get3A_434, %add3A_459 : vector<1x2048xi1>, vector<1x2048xi32>
    %ge3A = arith.constant 11520 : i32
    %ge3A_464 = vector.broadcast %ge3A : i32 to vector<1x2048xi32>
    %ge3A_465 = arith.cmpi sge, %get3A_434, %ge3A_464 : vector<1x2048xi32>
    %sub3A_466 = arith.constant 11520 : i32
    %sub3A_467 = vector.broadcast %sub3A_466 : i32 to vector<1x2048xi32>
    %sub3A_468 = arith.subi %get3A_434, %sub3A_467 : vector<1x2048xi32>
    %select_n3A_469 = arith.select %ge3A_465, %sub3A_468, %add3A_459 : vector<1x2048xi1>, vector<1x2048xi32>
    %concatenate3A = tpu.concatenate %select_n3A_463, %select_n3A_469 in 0 : vector<1x2048xi32>, vector<1x2048xi32> -> vector<2x2048xi32>
    %swap3A_470 = arith.constant 0 : index
    %swap3A_471 = arith.constant 0 : index
    %swap3A_472 = vector.load %arg15[%swap3A_470, %swap3A_471] : memref<2x2048xi32, #tpu.memory_space<vmem>>, vector<2x2048xi32>
    tpu.vector_store %arg15[%swap3A_470, %swap3A_471], %concatenate3A {strides = array<i32>} : memref<2x2048xi32, #tpu.memory_space<vmem>>, vector<2x2048xi32>,
    return
  }
  func.func @transform_0(%arg0: i32) -> (i32, i32) {
    %c0_i32 = arith.constant 0 : i32
    %c0_i32_0 = arith.constant 0 : i32
    return %arg0, %c0_i32 : i32, i32
  }
  func.func @transform_1(%arg0: i32) -> (i32, i32) {
    %c0_i32 = arith.constant 0 : i32
    %c0_i32_0 = arith.constant 0 : i32
    return %arg0, %c0_i32 : i32, i32
  }
  func.func @transform_2(%arg0: i32) -> (i32, i32) {
    %c0_i32 = arith.constant 0 : i32
    %c0_i32_0 = arith.constant 0 : i32
    return %arg0, %c0_i32 : i32, i32
  }
  func.func @transform_3(%arg0: i32) -> (i32, i32, i32) {
    %c0_i32 = arith.constant 0 : i32
    %c0_i32_0 = arith.constant 0 : i32
    %c0_i32_1 = arith.constant 0 : i32
    return %arg0, %c0_i32, %c0_i32_0 : i32, i32, i32
  }
  func.func @transform_4(%arg0: i32) -> (i32, i32) {
    %c0_i32 = arith.constant 0 : i32
    %c0_i32_0 = arith.constant 0 : i32
    %c0_i32_1 = arith.constant 0 : i32
    return %c0_i32, %c0_i32_0 : i32, i32
  }
  func.func @transform_5(%arg0: i32) -> (i32, i32, i32) {
    %c0_i32 = arith.constant 0 : i32
    %c0_i32_0 = arith.constant 0 : i32
    %c0_i32_1 = arith.constant 0 : i32
    %c0_i32_2 = arith.constant 0 : i32
    return %c0_i32, %c0_i32_0, %c0_i32_1 : i32, i32, i32
  }
  func.func @transform_6(%arg0: i32) -> (i32, i32) {
    %c0_i32 = arith.constant 0 : i32
    %c0_i32_0 = arith.constant 0 : i32
    %c0_i32_1 = arith.constant 0 : i32
    return %c0_i32, %c0_i32_0 : i32, i32
  }
  func.func @transform_7(%arg0: i32) -> (i32, i32, i32) {
    %c0_i32 = arith.constant 0 : i32
    %c0_i32_0 = arith.constant 0 : i32
    %c0_i32_1 = arith.constant 0 : i32
    %c0_i32_2 = arith.constant 0 : i32
    return %c0_i32, %c0_i32_0, %c0_i32_1 : i32, i32, i32
  }
  func.func @transform_8(%arg0: i32) -> (i32, i32) {
    %c0_i32 = arith.constant 0 : i32
    %c0_i32_0 = arith.constant 0 : i32
    %c0_i32_1 = arith.constant 0 : i32
    return %c0_i32, %c0_i32_0 : i32, i32
  }
  func.func @transform_9(%arg0: i32) -> (i32, i32) {
    %c0_i32 = arith.constant 0 : i32
    %c0_i32_0 = arith.constant 0 : i32
    %c0_i32_1 = arith.constant 0 : i32
    return %c0_i32, %c0_i32_0 : i32, i32
  }
  func.func @transform_10(%arg0: i32) -> (i32, i32) {
    %c0_i32 = arith.constant 0 : i32
    %c0_i32_0 = arith.constant 0 : i32
    %c0_i32_1 = arith.constant 0 : i32
    return %c0_i32, %c0_i32_0 : i32, i32
  }
  func.func @transform_11(%arg0: i32) -> (i32, i32) {
    %c0_i32 = arith.constant 0 : i32
    %c0_i32_0 = arith.constant 0 : i32
    %c0_i32_1 = arith.constant 0 : i32
    return %c0_i32, %c0_i32_0 : i32, i32
  }
  func.func @transform_12(%arg0: i32) -> (i32, i32) {
    %c0_i32 = arith.constant 0 : i32
    %c0_i32_0 = arith.constant 0 : i32
    return %arg0, %c0_i32 : i32, i32
  }
  func.func @transform_13(%arg0: i32) -> (i32, i32) {
    %c0_i32 = arith.constant 0 : i32
    %c0_i32_0 = arith.constant 0 : i32
    return %arg0, %c0_i32 : i32, i32
  }
  func.func @transform_14(%arg0: i32) -> (i32, i32) {
    %c0_i32 = arith.constant 0 : i32
    %c0_i32_0 = arith.constant 0 : i32
    return %c0_i32, %arg0 : i32, i32
  }
}

module attributes {stable_mosaic.version = 14 : i64} {
  func.func @_final_body(%arg0: i32, %arg1: memref<1x384x128xf32, #tpu.memory_space<vmem>>, %arg2: memref<1x384x128xf32, #tpu.memory_space<vmem>>, %arg3: memref<384x128xf32, #tpu.memory_space<vmem>>, %arg4: memref<384x128xf32, #tpu.memory_space<vmem>>, %arg5: memref<256x128xf32, #tpu.memory_space<vmem>>, %arg6: memref<1x128xf32, #tpu.memory_space<vmem>>, %arg7: memref<128x128xf32, #tpu.memory_space<vmem>>, %arg8: memref<1x128xf32, #tpu.memory_space<vmem>>, %arg9: memref<128x128xf32, #tpu.memory_space<vmem>>, %arg10: memref<1x128xf32, #tpu.memory_space<vmem>>, %arg11: memref<128x512xf32, #tpu.memory_space<vmem>>, %arg12: memref<1x512xf32, #tpu.memory_space<vmem>>, %arg13: memref<512x128xf32, #tpu.memory_space<vmem>>, %arg14: memref<1x128xf32, #tpu.memory_space<vmem>>, %arg15: memref<384x128xf32, #tpu.memory_space<vmem>>) attributes {dimension_semantics = [#tpu.dimension_semantics<arbitrary>], iteration_bounds = array<i64: 60>, scalar_prefetch = 0 : i64, scratch_operands = 0 : i64, tpu.core_type = #tpu.core_type<tc>, window_params = [{transform_indices = @transform_0, window_bounds = array<i64: 1, 384, 128>}, {transform_indices = @transform_1, window_bounds = array<i64: 1, 384, 128>}, {transform_indices = @transform_2, window_bounds = array<i64: 384, 128>}, {transform_indices = @transform_3, window_bounds = array<i64: 384, 128>}, {pipeline_mode = #tpu.pipeline_mode<synchronous>, transform_indices = @transform_4, window_bounds = array<i64: 256, 128>}, {pipeline_mode = #tpu.pipeline_mode<synchronous>, transform_indices = @transform_5, window_bounds = array<i64: 1, 128>}, {pipeline_mode = #tpu.pipeline_mode<synchronous>, transform_indices = @transform_6, window_bounds = array<i64: 128, 128>}, {pipeline_mode = #tpu.pipeline_mode<synchronous>, transform_indices = @transform_7, window_bounds = array<i64: 1, 128>}, {pipeline_mode = #tpu.pipeline_mode<synchronous>, transform_indices = @transform_8, window_bounds = array<i64: 128, 128>}, {pipeline_mode = #tpu.pipeline_mode<synchronous>, transform_indices = @transform_9, window_bounds = array<i64: 1, 128>}, {pipeline_mode = #tpu.pipeline_mode<synchronous>, transform_indices = @transform_10, window_bounds = array<i64: 128, 512>}, {pipeline_mode = #tpu.pipeline_mode<synchronous>, transform_indices = @transform_11, window_bounds = array<i64: 1, 512>}, {pipeline_mode = #tpu.pipeline_mode<synchronous>, transform_indices = @transform_12, window_bounds = array<i64: 512, 128>}, {pipeline_mode = #tpu.pipeline_mode<synchronous>, transform_indices = @transform_13, window_bounds = array<i64: 1, 128>}, {transform_indices = @transform_14, window_bounds = array<i64: 384, 128>}]} {
    %get3A = arith.constant 0 : index
    %get3A_0 = arith.constant 0 : index
    %get3A_1 = arith.constant 0 : index
    %get3A_2 = vector.load %arg1[%get3A, %get3A_0, %get3A_1] : memref<1x384x128xf32, #tpu.memory_space<vmem>>, vector<1x384x128xf32>
    %get3A_3 = vector.shape_cast %get3A_2 : vector<1x384x128xf32> to vector<384x128xf32>
    %get3A_4 = arith.constant 0 : index
    %get3A_5 = arith.constant 0 : index
    %get3A_6 = arith.constant 0 : index
    %get3A_7 = vector.load %arg2[%get3A_4, %get3A_5, %get3A_6] : memref<1x384x128xf32, #tpu.memory_space<vmem>>, vector<1x384x128xf32>
    %get3A_8 = vector.shape_cast %get3A_7 : vector<1x384x128xf32> to vector<384x128xf32>
    %add3A = arith.constant 9.99999971E-10 : f32
    %add3A_9 = vector.broadcast %add3A : f32 to vector<384x128xf32>
    %add3A_10 = arith.addf %get3A_8, %add3A_9 : vector<384x128xf32>
    %div3A = arith.divf %get3A_3, %add3A_10 : vector<384x128xf32>
    %get3A_11 = arith.constant 0 : index
    %get3A_12 = arith.constant 0 : index
    %get3A_13 = vector.load %arg3[%get3A_11, %get3A_12] : memref<384x128xf32, #tpu.memory_space<vmem>>, vector<384x128xf32>
    %get3A_14 = arith.constant 0 : index
    %get3A_15 = arith.constant 0 : index
    %get3A_16 = vector.load %arg5[%get3A_14, %get3A_15] : memref<256x128xf32, #tpu.memory_space<vmem>>, vector<256x128xf32>
    %slice3A = vector.extract_strided_slice %get3A_16 {offsets = [0, 0], sizes = [128, 128], strides = [1, 1]} : vector<256x128xf32> to vector<128x128xf32>
    %dot_general3A = arith.constant dense<0.000000e+00> : vector<384x128xf32>
    %dot_general3A_17 = tpu.matmul %div3A, %slice3A, %dot_general3A {dimension_numbers = #tpu.dot_dimension_numbers<[1], [0], [0], [1], [0, 0, 1, 1], [], []>, transpose_lhs_hint = false} : vector<384x128xf32>, vector<128x128xf32>, vector<384x128xf32> -> vector<384x128xf32>
    %slice3A_18 = vector.extract_strided_slice %get3A_16 {offsets = [128, 0], sizes = [128, 128], strides = [1, 1]} : vector<256x128xf32> to vector<128x128xf32>
    %dot_general3A_19 = arith.constant dense<0.000000e+00> : vector<384x128xf32>
    %dot_general3A_20 = tpu.matmul %get3A_13, %slice3A_18, %dot_general3A_19 {dimension_numbers = #tpu.dot_dimension_numbers<[1], [0], [0], [1], [0, 0, 1, 1], [], []>, transpose_lhs_hint = false} : vector<384x128xf32>, vector<128x128xf32>, vector<384x128xf32> -> vector<384x128xf32>
    %add3A_21 = arith.addf %dot_general3A_17, %dot_general3A_20 : vector<384x128xf32>
    %get3A_22 = arith.constant 0 : index
    %get3A_23 = arith.constant 0 : index
    %get3A_24 = vector.load %arg6[%get3A_22, %get3A_23] : memref<1x128xf32, #tpu.memory_space<vmem>>, vector<1x128xf32>
    %add3A_25 = vector.broadcast %get3A_24 : vector<1x128xf32> to vector<384x128xf32>
    %add3A_26 = arith.addf %add3A_21, %add3A_25 : vector<384x128xf32>
    %logistic3A = arith.negf %add3A_26 : vector<384x128xf32>
    %logistic3A_27 = math.exp %logistic3A : vector<384x128xf32>
    %logistic3A_28 = arith.constant 1.000000e+00 : f32
    %logistic3A_29 = vector.broadcast %logistic3A_28 : f32 to vector<384x128xf32>
    %logistic3A_30 = arith.addf %logistic3A_29, %logistic3A_27 : vector<384x128xf32>
    %logistic3A_31 = arith.divf %logistic3A_29, %logistic3A_30 : vector<384x128xf32>
    %get3A_32 = arith.constant 0 : index
    %get3A_33 = arith.constant 0 : index
    %get3A_34 = vector.load %arg7[%get3A_32, %get3A_33] : memref<128x128xf32, #tpu.memory_space<vmem>>, vector<128x128xf32>
    %dot_general3A_35 = arith.constant dense<0.000000e+00> : vector<384x128xf32>
    %dot_general3A_36 = tpu.matmul %get3A_13, %get3A_34, %dot_general3A_35 {dimension_numbers = #tpu.dot_dimension_numbers<[1], [0], [0], [1], [0, 0, 1, 1], [], []>, transpose_lhs_hint = false} : vector<384x128xf32>, vector<128x128xf32>, vector<384x128xf32> -> vector<384x128xf32>
    %get3A_37 = arith.constant 0 : index
    %get3A_38 = arith.constant 0 : index
    %get3A_39 = vector.load %arg8[%get3A_37, %get3A_38] : memref<1x128xf32, #tpu.memory_space<vmem>>, vector<1x128xf32>
    %add3A_40 = vector.broadcast %get3A_39 : vector<1x128xf32> to vector<384x128xf32>
    %add3A_41 = arith.addf %dot_general3A_36, %add3A_40 : vector<384x128xf32>
    %sub3A = arith.subf %add3A_41, %div3A : vector<384x128xf32>
    %mul3A = arith.mulf %logistic3A_31, %sub3A : vector<384x128xf32>
    %add3A_42 = arith.addf %div3A, %mul3A : vector<384x128xf32>
    %get3A_43 = arith.constant 0 : index
    %get3A_44 = arith.constant 0 : index
    %get3A_45 = vector.load %arg4[%get3A_43, %get3A_44] : memref<384x128xf32, #tpu.memory_space<vmem>>, vector<384x128xf32>
    %get3A_46 = arith.constant 0 : index
    %get3A_47 = arith.constant 0 : index
    %get3A_48 = vector.load %arg9[%get3A_46, %get3A_47] : memref<128x128xf32, #tpu.memory_space<vmem>>, vector<128x128xf32>
    %dot_general3A_49 = arith.constant dense<0.000000e+00> : vector<384x128xf32>
    %dot_general3A_50 = tpu.matmul %add3A_42, %get3A_48, %dot_general3A_49 {dimension_numbers = #tpu.dot_dimension_numbers<[1], [0], [0], [1], [0, 0, 1, 1], [], []>, transpose_lhs_hint = false} : vector<384x128xf32>, vector<128x128xf32>, vector<384x128xf32> -> vector<384x128xf32>
    %add3A_51 = arith.addf %get3A_45, %dot_general3A_50 : vector<384x128xf32>
    %get3A_52 = arith.constant 0 : index
    %get3A_53 = arith.constant 0 : index
    %get3A_54 = vector.load %arg10[%get3A_52, %get3A_53] : memref<1x128xf32, #tpu.memory_space<vmem>>, vector<1x128xf32>
    %add3A_55 = vector.broadcast %get3A_54 : vector<1x128xf32> to vector<384x128xf32>
    %add3A_56 = arith.addf %add3A_51, %add3A_55 : vector<384x128xf32>
    %reduce_sum3A = arith.constant dense<0.000000e+00> : vector<384xf32>
    %reduce_sum3A_57 = vector.multi_reduction <add>, %add3A_56, %reduce_sum3A [1] : vector<384x128xf32> to vector<384xf32>
    %broadcast_in_dim3A = vector.shape_cast %reduce_sum3A_57 : vector<384xf32> to vector<384x1xf32>
    %div3A_58 = arith.constant 1.280000e+02 : f32
    %div3A_59 = vector.broadcast %div3A_58 : f32 to vector<384x1xf32>
    %div3A_60 = arith.divf %broadcast_in_dim3A, %div3A_59 : vector<384x1xf32>
    %sub3A_61 = vector.broadcast %div3A_60 : vector<384x1xf32> to vector<384x128xf32>
    %sub3A_62 = arith.subf %add3A_56, %sub3A_61 : vector<384x128xf32>
    %integer_pow3A = arith.mulf %sub3A_62, %sub3A_62 : vector<384x128xf32>
    %reduce_sum3A_63 = arith.constant dense<0.000000e+00> : vector<384xf32>
    %reduce_sum3A_64 = vector.multi_reduction <add>, %integer_pow3A, %reduce_sum3A_63 [1] : vector<384x128xf32> to vector<384xf32>
    %broadcast_in_dim3A_65 = vector.shape_cast %reduce_sum3A_64 : vector<384xf32> to vector<384x1xf32>
    %div3A_66 = arith.constant 1.280000e+02 : f32
    %div3A_67 = vector.broadcast %div3A_66 : f32 to vector<384x1xf32>
    %div3A_68 = arith.divf %broadcast_in_dim3A_65, %div3A_67 : vector<384x1xf32>
    %sub3A_69 = vector.broadcast %div3A_60 : vector<384x1xf32> to vector<384x128xf32>
    %sub3A_70 = arith.subf %add3A_56, %sub3A_69 : vector<384x128xf32>
    %add3A_71 = arith.constant 9.99999974E-6 : f32
    %add3A_72 = vector.broadcast %add3A_71 : f32 to vector<384x1xf32>
    %add3A_73 = arith.addf %div3A_68, %add3A_72 : vector<384x1xf32>
    %rsqrt3A = math.rsqrt %add3A_73 : vector<384x1xf32>
    %mul3A_74 = vector.broadcast %rsqrt3A : vector<384x1xf32> to vector<384x128xf32>
    %mul3A_75 = arith.mulf %sub3A_70, %mul3A_74 : vector<384x128xf32>
    %get3A_76 = arith.constant 0 : index
    %get3A_77 = arith.constant 0 : index
    %get3A_78 = vector.load %arg11[%get3A_76, %get3A_77] : memref<128x512xf32, #tpu.memory_space<vmem>>, vector<128x512xf32>
    %dot_general3A_79 = arith.constant dense<0.000000e+00> : vector<384x512xf32>
    %dot_general3A_80 = tpu.matmul %mul3A_75, %get3A_78, %dot_general3A_79 {dimension_numbers = #tpu.dot_dimension_numbers<[1], [0], [0], [1], [0, 0, 1, 1], [], []>, transpose_lhs_hint = false} : vector<384x128xf32>, vector<128x512xf32>, vector<384x512xf32> -> vector<384x512xf32>
    %get3A_81 = arith.constant 0 : index
    %get3A_82 = arith.constant 0 : index
    %get3A_83 = vector.load %arg12[%get3A_81, %get3A_82] : memref<1x512xf32, #tpu.memory_space<vmem>>, vector<1x512xf32>
    %add3A_84 = vector.broadcast %get3A_83 : vector<1x512xf32> to vector<384x512xf32>
    %add3A_85 = arith.addf %dot_general3A_80, %add3A_84 : vector<384x512xf32>
    %max3A = arith.constant 0.000000e+00 : f32
    %max3A_86 = vector.broadcast %max3A : f32 to vector<384x512xf32>
    %max3A_87 = arith.maximumf %add3A_85, %max3A_86 : vector<384x512xf32>
    %get3A_88 = arith.constant 0 : index
    %get3A_89 = arith.constant 0 : index
    %get3A_90 = vector.load %arg13[%get3A_88, %get3A_89] : memref<512x128xf32, #tpu.memory_space<vmem>>, vector<512x128xf32>
    %dot_general3A_91 = arith.constant dense<0.000000e+00> : vector<384x128xf32>
    %dot_general3A_92 = tpu.matmul %max3A_87, %get3A_90, %dot_general3A_91 {dimension_numbers = #tpu.dot_dimension_numbers<[1], [0], [0], [1], [0, 0, 1, 1], [], []>, transpose_lhs_hint = false} : vector<384x512xf32>, vector<512x128xf32>, vector<384x128xf32> -> vector<384x128xf32>
    %add3A_93 = arith.addf %add3A_56, %dot_general3A_92 : vector<384x128xf32>
    %get3A_94 = arith.constant 0 : index
    %get3A_95 = arith.constant 0 : index
    %get3A_96 = vector.load %arg14[%get3A_94, %get3A_95] : memref<1x128xf32, #tpu.memory_space<vmem>>, vector<1x128xf32>
    %add3A_97 = vector.broadcast %get3A_96 : vector<1x128xf32> to vector<384x128xf32>
    %add3A_98 = arith.addf %add3A_93, %add3A_97 : vector<384x128xf32>
    %swap3A = arith.constant 0 : index
    %swap3A_99 = arith.constant 0 : index
    %swap3A_100 = vector.load %arg15[%swap3A, %swap3A_99] : memref<384x128xf32, #tpu.memory_space<vmem>>, vector<384x128xf32>
    tpu.vector_store %arg15[%swap3A, %swap3A_99], %add3A_98 {strides = array<i32>} : memref<384x128xf32, #tpu.memory_space<vmem>>, vector<384x128xf32>,
    return
  }
  func.func @transform_0(%arg0: i32) -> (i32, i32, i32) {
    %jit3A = arith.constant 30 : i32
    %div3A = arith.divsi %arg0, %jit3A : i32
    %sign3A = arith.constant 0 : i32
    %sign3A_0 = arith.cmpi sgt, %arg0, %sign3A : i32
    %sign3A_1 = arith.extui %sign3A_0 : i1 to i32
    %sign3A_2 = arith.constant 0 : i32
    %sign3A_3 = arith.cmpi slt, %arg0, %sign3A_2 : i32
    %sign3A_4 = arith.extui %sign3A_3 : i1 to i32
    %sign3A_5 = arith.subi %sign3A_1, %sign3A_4 : i32
    %sign3A_6 = arith.constant 0 : i32
    %sign3A_7 = arith.cmpi sgt, %jit3A, %sign3A_6 : i32
    %sign3A_8 = arith.extui %sign3A_7 : i1 to i32
    %sign3A_9 = arith.constant 0 : i32
    %sign3A_10 = arith.cmpi slt, %jit3A, %sign3A_9 : i32
    %sign3A_11 = arith.extui %sign3A_10 : i1 to i32
    %sign3A_12 = arith.subi %sign3A_8, %sign3A_11 : i32
    %ne3A = arith.cmpi ne, %sign3A_5, %sign3A_12 : i32
    %rem3A = arith.remsi %arg0, %jit3A : i32
    %ne3A_13 = arith.constant 0 : i32
    %ne3A_14 = arith.cmpi ne, %rem3A, %ne3A_13 : i32
    %and3A = arith.andi %ne3A, %ne3A_14 : i1
    %sub3A = arith.constant 1 : i32
    %sub3A_15 = arith.subi %div3A, %sub3A : i32
    %select_n3A = arith.select %and3A, %sub3A_15, %div3A : i32
    %jit3A_16 = arith.constant 30 : i32
    %eq3A = arith.constant 0 : i32
    %eq3A_17 = arith.cmpi eq, %jit3A_16, %eq3A : i32
    %jit3A_18 = arith.constant 1 : i32
    %select_n3A_19 = arith.select %eq3A_17, %jit3A_18, %jit3A_16 : i32
    %rem3A_20 = arith.remsi %arg0, %select_n3A_19 : i32
    %ne3A_21 = arith.constant 0 : i32
    %ne3A_22 = arith.cmpi ne, %rem3A_20, %ne3A_21 : i32
    %lt3A = arith.constant 0 : i32
    %lt3A_23 = arith.cmpi slt, %rem3A_20, %lt3A : i32
    %lt3A_24 = arith.constant 0 : i32
    %lt3A_25 = arith.cmpi slt, %select_n3A_19, %lt3A_24 : i32
    %ne3A_26 = arith.xori %lt3A_23, %lt3A_25 : i1
    %and3A_27 = arith.andi %ne3A_26, %ne3A_22 : i1
    %add3A = arith.addi %rem3A_20, %select_n3A_19 : i32
    %select_n3A_28 = arith.select %and3A_27, %add3A, %rem3A_20 : i32
    %c0_i32 = arith.constant 0 : i32
    %c0_i32_29 = arith.constant 0 : i32
    return %select_n3A, %select_n3A_28, %c0_i32 : i32, i32, i32
  }
  func.func @transform_1(%arg0: i32) -> (i32, i32, i32) {
    %jit3A = arith.constant 30 : i32
    %div3A = arith.divsi %arg0, %jit3A : i32
    %sign3A = arith.constant 0 : i32
    %sign3A_0 = arith.cmpi sgt, %arg0, %sign3A : i32
    %sign3A_1 = arith.extui %sign3A_0 : i1 to i32
    %sign3A_2 = arith.constant 0 : i32
    %sign3A_3 = arith.cmpi slt, %arg0, %sign3A_2 : i32
    %sign3A_4 = arith.extui %sign3A_3 : i1 to i32
    %sign3A_5 = arith.subi %sign3A_1, %sign3A_4 : i32
    %sign3A_6 = arith.constant 0 : i32
    %sign3A_7 = arith.cmpi sgt, %jit3A, %sign3A_6 : i32
    %sign3A_8 = arith.extui %sign3A_7 : i1 to i32
    %sign3A_9 = arith.constant 0 : i32
    %sign3A_10 = arith.cmpi slt, %jit3A, %sign3A_9 : i32
    %sign3A_11 = arith.extui %sign3A_10 : i1 to i32
    %sign3A_12 = arith.subi %sign3A_8, %sign3A_11 : i32
    %ne3A = arith.cmpi ne, %sign3A_5, %sign3A_12 : i32
    %rem3A = arith.remsi %arg0, %jit3A : i32
    %ne3A_13 = arith.constant 0 : i32
    %ne3A_14 = arith.cmpi ne, %rem3A, %ne3A_13 : i32
    %and3A = arith.andi %ne3A, %ne3A_14 : i1
    %sub3A = arith.constant 1 : i32
    %sub3A_15 = arith.subi %div3A, %sub3A : i32
    %select_n3A = arith.select %and3A, %sub3A_15, %div3A : i32
    %jit3A_16 = arith.constant 30 : i32
    %eq3A = arith.constant 0 : i32
    %eq3A_17 = arith.cmpi eq, %jit3A_16, %eq3A : i32
    %jit3A_18 = arith.constant 1 : i32
    %select_n3A_19 = arith.select %eq3A_17, %jit3A_18, %jit3A_16 : i32
    %rem3A_20 = arith.remsi %arg0, %select_n3A_19 : i32
    %ne3A_21 = arith.constant 0 : i32
    %ne3A_22 = arith.cmpi ne, %rem3A_20, %ne3A_21 : i32
    %lt3A = arith.constant 0 : i32
    %lt3A_23 = arith.cmpi slt, %rem3A_20, %lt3A : i32
    %lt3A_24 = arith.constant 0 : i32
    %lt3A_25 = arith.cmpi slt, %select_n3A_19, %lt3A_24 : i32
    %ne3A_26 = arith.xori %lt3A_23, %lt3A_25 : i1
    %and3A_27 = arith.andi %ne3A_26, %ne3A_22 : i1
    %add3A = arith.addi %rem3A_20, %select_n3A_19 : i32
    %select_n3A_28 = arith.select %and3A_27, %add3A, %rem3A_20 : i32
    %c0_i32 = arith.constant 0 : i32
    %c0_i32_29 = arith.constant 0 : i32
    return %select_n3A, %select_n3A_28, %c0_i32 : i32, i32, i32
  }
  func.func @transform_2(%arg0: i32) -> (i32, i32) {
    %c0_i32 = arith.constant 0 : i32
    %c0_i32_0 = arith.constant 0 : i32
    return %arg0, %c0_i32 : i32, i32
  }
  func.func @transform_3(%arg0: i32) -> (i32, i32) {
    %c0_i32 = arith.constant 0 : i32
    %c0_i32_0 = arith.constant 0 : i32
    return %arg0, %c0_i32 : i32, i32
  }
  func.func @transform_4(%arg0: i32) -> (i32, i32) {
    %c0_i32 = arith.constant 0 : i32
    %c0_i32_0 = arith.constant 0 : i32
    %c0_i32_1 = arith.constant 0 : i32
    return %c0_i32, %c0_i32_0 : i32, i32
  }
  func.func @transform_5(%arg0: i32) -> (i32, i32) {
    %c0_i32 = arith.constant 0 : i32
    %c0_i32_0 = arith.constant 0 : i32
    %c0_i32_1 = arith.constant 0 : i32
    return %c0_i32, %c0_i32_0 : i32, i32
  }
  func.func @transform_6(%arg0: i32) -> (i32, i32) {
    %c0_i32 = arith.constant 0 : i32
    %c0_i32_0 = arith.constant 0 : i32
    %c0_i32_1 = arith.constant 0 : i32
    return %c0_i32, %c0_i32_0 : i32, i32
  }
  func.func @transform_7(%arg0: i32) -> (i32, i32) {
    %c0_i32 = arith.constant 0 : i32
    %c0_i32_0 = arith.constant 0 : i32
    %c0_i32_1 = arith.constant 0 : i32
    return %c0_i32, %c0_i32_0 : i32, i32
  }
  func.func @transform_8(%arg0: i32) -> (i32, i32) {
    %c0_i32 = arith.constant 0 : i32
    %c0_i32_0 = arith.constant 0 : i32
    %c0_i32_1 = arith.constant 0 : i32
    return %c0_i32, %c0_i32_0 : i32, i32
  }
  func.func @transform_9(%arg0: i32) -> (i32, i32) {
    %c0_i32 = arith.constant 0 : i32
    %c0_i32_0 = arith.constant 0 : i32
    %c0_i32_1 = arith.constant 0 : i32
    return %c0_i32, %c0_i32_0 : i32, i32
  }
  func.func @transform_10(%arg0: i32) -> (i32, i32) {
    %c0_i32 = arith.constant 0 : i32
    %c0_i32_0 = arith.constant 0 : i32
    %c0_i32_1 = arith.constant 0 : i32
    return %c0_i32, %c0_i32_0 : i32, i32
  }
  func.func @transform_11(%arg0: i32) -> (i32, i32) {
    %c0_i32 = arith.constant 0 : i32
    %c0_i32_0 = arith.constant 0 : i32
    %c0_i32_1 = arith.constant 0 : i32
    return %c0_i32, %c0_i32_0 : i32, i32
  }
  func.func @transform_12(%arg0: i32) -> (i32, i32) {
    %c0_i32 = arith.constant 0 : i32
    %c0_i32_0 = arith.constant 0 : i32
    %c0_i32_1 = arith.constant 0 : i32
    return %c0_i32, %c0_i32_0 : i32, i32
  }
  func.func @transform_13(%arg0: i32) -> (i32, i32) {
    %c0_i32 = arith.constant 0 : i32
    %c0_i32_0 = arith.constant 0 : i32
    %c0_i32_1 = arith.constant 0 : i32
    return %c0_i32, %c0_i32_0 : i32, i32
  }
  func.func @transform_14(%arg0: i32) -> (i32, i32) {
    %c0_i32 = arith.constant 0 : i32
    %c0_i32_0 = arith.constant 0 : i32
    return %arg0, %c0_i32 : i32, i32
  }
}

</mosaic_0001>

<sc_bundles>
// kernel: kernel.12.cloned.1.call-start
scs
__scs_entry_jumppad:
0x0: {  	(pc) =	sbr.rel $0x88, $3  }
0x1: {  	(tag) =	ssettag $0x0;
	lr =	simm.s32 $0x1  }
0x2: {  	[smem:$0x3F87] =	sst lr;
	_ =	strace $0xD0000000  }
0x3: {  	_ = 	snop  }
0x4: {  	_ = 	snop  }
0x5: {  	_ = 	snop  }
0x6: {  	_ = 	snop  }
0x7: {  	_ = 	snop  }
__scs_overlays_trampoline_lowered:
0x8: {  	[smem:$0x3F96] =	sst s0  }
0x9: {  	[smem:$0x3F97] =	sst s1  }
0xa: {  	[smem:$0x3F98] =	sst s2  }
0xb: {  	[smem:$0x3F99] =	sst s3  }
0xc: {  	[smem:$0x3F9A] =	sst s4  }
0xd: {  	[smem:$0x3F9B] =	sst s5  }
0xe: {  	[smem:$0x3F9C] =	sst s6  }
0xf: {  	[smem:$0x3F9D] =	sst s7  }
0x10: {  	[smem:$0x3F9E] =	sst s8  }
0x11: {  	[smem:$0x3F9F] =	sst s9;
	s0 =	simm.s32 @!p0 $0x0  }
0x12: {  	s1 =	sld [smem:$0x3F85];
	s0 =	simm.s32 @p0 $0x1  }
0x13: {  	[smem:$0x3FA0] =	sst s0;
	s0 =	simm.s32 @!p1 $0x0  }
0x14: {  	s2 =	sld [smem:$0x3F84];
	s0 =	simm.s32 @p1 $0x1  }
0x15: {  	[smem:$0x3FA1] =	sst s0;
	s0 =	simm.s32 @!p2 $0x0  }
0x16: {  	s3 =	sld [smem:$0x3FDB];
	s0 =	simm.s32 @p2 $0x1  }
0x17: {  	s4 =	simm.s32 $0x1BF5;
	[smem:$0x3FA3] =	sst s0  }
0x18: {  	s0 =	sld [smem:$0x3F86];
	_ =	swait.ge [sflag:s4], $0x0  }
0x19: {  	s7 =	sld [smem:$0x3F87]  }
0x1a: {  	s8 =	sadd.s32 $0xFFFFE003, lr  }
0x1b: {  	s9 =	sadd.s32 $0xFFFFFEF7, lr;
	s5 =	simm.s32 $0xFFFFFFFF;
	p2 =	slt.u32 s8, $0xFFFFF086  }
0x1c: {  	p1 =	slt.u32 s9, $0xF7A;
	s5 =	simm.s32 @!p2 $0x0  }
0x1d: {  	s5 =	simm.s32 @p1 $0x1;
	p0 =	seq.s32 s7, s2  }
0x1e: {  	s7 =	smul.u32 @!p0 $0xF7A, s2;
	p2 =	seq.s32 @!p0 s5, $0x0  }
0x1f: {  	s9 =	smul.u32 $0xF7A, s1;
	s8 =	simm.s32 @!p0 $0x1BF5;
	p2 =	por !p2, p0  }
0x20: {  	[sflag:s8] =	ssyncset.s32 @!p0 $0xFFFFF086;
	s6 =	sadd.s32 @!p0 s3, s7;
	s7 =	simm.s32 @!p0 $0x108  }
0x21: {  	s3 =	sadd.s32 s3, s9;
	s6 =	sadd.s32 @!p0 $0x88, s6;
	s7 =	simm.s32 @p2 $0x1082  }
0x22: {  	[simem:s7], [sflag:s8] =	dma.local @!p0 [hbm:s6], $0xF7A  }
0x23: {  	s9 =	sor.u32 $0xD0000000, s2;
	s6 =	simm.s32 $0x108;
	_ =	swait.ge @!p0 [sflag:s8], $0x0  }
0x24: {  	s3 =	sadd.s32 $0x88, s3;
	s6 =	simm.s32 @!p1 $0x1082;
	[sflag:s4] =	ssyncset.s32 $0xFFFFF086  }
0x25: {  	[simem:s6], [sflag:s4] =	dma.local [hbm:s3], $0xF7A  }
0x26: {  	[smem:$0x3F87] =	sst s1;
	(tag) =	ssettag s2;
	_ =	strace s9  }
0x27: {  	s1 =	sld [smem:$0x3F97]  }
0x28: {  	s2 =	sld [smem:$0x3F98]  }
0x29: {  	s4 =	sld [smem:$0x3F9A]  }
0x2a: {  	p0 =	seq.s32 s5, $0x0;
	s5 =	sld [smem:$0x3F9B]  }
0x2b: {  	s6 =	sld [smem:$0x3F9C]  }
0x2c: {  	s7 =	sld [smem:$0x3F9D]  }
0x2d: {  	s3 =	simm.s32 $0x108;
	s8 =	sld [smem:$0x3F9E]  }
0x2e: {  	s3 =	simm.s32 @!p0 $0x1082;
	s9 =	sld [smem:$0x3F9F]  }
0x2f: {  	lr =	sadd.s32 s0, s3;
	s0 =	sld [smem:$0x3F96]  }
0x30: {  	s3 =	sld [smem:$0x3F99]  }
0x31: {  	[smem:$0x3FA2] =	sst s10  }
0x32: {  	s10 =	sld [smem:$0x3FA0];
	_ =	sdelay $0x3  }
0x33: {  	p0 =	seq.s32 s10, $0x1;
	s10 =	sld [smem:$0x3FA2];
	_ =	sdelay $0x3  }
0x34: {  	[smem:$0x3FA2] =	sst s10  }
0x35: {  	s10 =	sld [smem:$0x3FA1];
	_ =	sdelay $0x3  }
0x36: {  	p1 =	seq.s32 s10, $0x1;
	s10 =	sld [smem:$0x3FA2];
	_ =	sdelay $0x3  }
0x37: {  	[smem:$0x3FA2] =	sst s10  }
0x38: {  	s10 =	sld [smem:$0x3FA3]  }
0x39: {  	_ = 	snop;
	(pc) =	sbr.ind lr, $3  }
0x3a: {  	_ = 	snop  }
0x3b: {  	_ = 	snop  }
0x3c: {  	p2 =	seq.s32 s10, $0x1;
	s10 =	sld [smem:$0x3FA2]  }
0x3d: {  	_ =	shalt  }
0x3e: {  	_ =	shalt  }
0x3f: {  	_ =	shalt  }
0x40: {  	_ =	shalt  }
0x41: {  	_ =	shalt  }
0x42: {  	_ =	shalt  }
0x43: {  	_ =	shalt  }
0x44: {  	_ =	shalt  }
0x45: {  	_ =	shalt  }
0x46: {  	_ =	shalt  }
0x47: {  	_ =	shalt  }
0x48: {  	_ =	shalt  }
0x49: {  	_ =	shalt  }
0x4a: {  	_ =	shalt  }
0x4b: {  	_ =	shalt  }
0x4c: {  	_ =	shalt  }
0x4d: {  	_ =	shalt  }
0x4e: {  	_ =	shalt  }
0x4f: {  	_ =	shalt  }
0x50: {  	_ =	shalt  }
0x51: {  	_ =	shalt  }
0x52: {  	_ =	shalt  }
0x53: {  	_ =	shalt  }
0x54: {  	_ =	shalt  }
0x55: {  	_ =	shalt  }
0x56: {  	_ =	shalt  }
0x57: {  	_ =	shalt  }
0x58: {  	_ =	shalt  }
0x59: {  	_ =	shalt  }
0x5a: {  	_ =	shalt  }
0x5b: {  	_ =	shalt  }
0x5c: {  	_ =	shalt  }
0x5d: {  	_ =	shalt  }
0x5e: {  	_ =	shalt  }
0x5f: {  	_ =	shalt  }
0x60: {  	_ =	shalt  }
0x61: {  	_ =	shalt  }
0x62: {  	_ =	shalt  }
0x63: {  	_ =	shalt  }
0x64: {  	_ =	shalt  }
0x65: {  	_ =	shalt  }
0x66: {  	_ =	shalt  }
0x67: {  	_ =	shalt  }
0x68: {  	_ =	shalt  }
0x69: {  	_ =	shalt  }
0x6a: {  	_ =	shalt  }
0x6b: {  	_ =	shalt  }
0x6c: {  	_ =	shalt  }
0x6d: {  	_ =	shalt  }
0x6e: {  	_ =	shalt  }
0x6f: {  	_ =	shalt  }
0x70: {  	_ =	shalt  }
0x71: {  	_ =	shalt  }
0x72: {  	_ =	shalt  }
0x73: {  	_ =	shalt  }
0x74: {  	_ =	shalt  }
0x75: {  	_ =	shalt  }
0x76: {  	_ =	shalt  }
0x77: {  	_ =	shalt  }
0x78: {  	_ =	shalt  }
0x79: {  	_ =	shalt  }
0x7a: {  	_ =	shalt  }
0x7b: {  	_ =	shalt  }
0x7c: {  	_ =	shalt  }
0x7d: {  	_ =	shalt  }
0x7e: {  	_ =	shalt  }
0x7f: {  	_ =	shalt  }
0x80: {  	_ =	shalt  }
0x81: {  	_ =	shalt  }
0x82: {  	_ =	shalt  }
0x83: {  	_ =	shalt  }
0x84: {  	_ =	shalt  }
0x85: {  	_ =	shalt  }
0x86: {  	_ =	shalt  }
0x87: {  	_ =	shalt  }
.Lfunc_end0:
.L_simem_size_0:
called_computation.1_lowered:
.L_overlay_start_0:
0x88: {  	s2 =	sld [smem:$0x3FD9]  }
0x89: {  	s3 =	sld [smem:$0x3FFE];
	_ =	sdelay $0x1  }
0x8a: {  	s1 =	srdreg.scid  }
0x8b: {  	s0 =	sand.u32 $0x1, s1  }
0x8c: {  	s17 =	sshll.u32 s0, $0xA;
	s2 =	sadd.s32 s3, s2  }
0x8d: {  	s2 =	sadd.s32 s2, s17  }
0x8e: {  	[smem:$0x3FAE] =	sst s2  }
0x8f: {  	_ = 	snop  }
0x90: {  	(tm) =	ssettm $0x1  }
0x91: {  	s18 =	sld [smem:$0x3FFB];
	_ =	sdelay $0x3  }
0x92: {  	_ =	strace s18  }
0x93: {  	s2 =	sld [smem:$0x3FFC];
	_ =	sdelay $0x3  }
0x94: {  	_ =	strace s2  }
0x95: {  	s2 =	sld [smem:$0x3FFD];
	_ =	sdelay $0x3  }
0x96: {  	_ =	strace s2  }
0x97: {  	_ =	strace $0x8FFFFFFF  }
0x98: {  	s19 =	sld [smem:$0x3FDB];
	_ =	sdelay $0x1  }
0x99: {  	s20 =	simm.s32 $_scs_section_size  }
0x9a: {  	s4 =	simm.s32 $_size__tile_overlayer_lowered;
	s5 =	simm.s32 $_tile_overlayer_lowered  }
0x9b: {  	s6 =	simm.s32 $0x1BFF;
	s21 =	sshll.u32 s5, $0x1;
	s3 =	sadd.s32 s20, s19  }
0x9c: {  	s22 =	simm.s32 $0x0;
	s4 =	sshll.u32 s4, $0x1;
	s5 =	sadd.s32 s21, s3  }
0x9d: {  	[timem:s22], [sflag:s6] =	dma.local [hbm:s5], s4  }
0x9e: {  	_ =	swait.ge [sflag:s6], s4  }
0x9f: {  	s4 =	ssub.s32 $0x0, s4;
	[sflag:s6] =	ssyncset.done $0x0  }
0xa0: {  	[sflag:s6] =	ssyncadd.s32 s4;
	_ =	sdelay $0x1  }
0xa1: {  	s23 =	simm.s32 $0x1B8B  }
0xa2: {  	_ =	swait.ge [sflag:s23], $0x1  }
0xa3: {  	[sflag:s23] =	ssyncset.done $0x0  }
0xa4: {  	[sflag:s23] =	ssyncadd.s32 $0xFFFFFFFF  }
0xa5: {  	s4 =	sld [smem:$0x0]  }
0xa6: {  	s5 =	sand.u32 $0xFFFFFFFE, s1  }
0xa7: {  	p0 =	sne.s32 s1, s5  }
0xa8: {  	s5 =	sshll.u32 @p0 s5, $0xE  }
0xa9: {  	s5 =	sadd.s32 @p0 $0x11B8D, s5;
	s6 =	sshll.u32 @p0 s4, $0x11  }
0xaa: {  	s5 =	sor.u32 @p0 s6, s5  }
0xab: {  	[sflag:s5] =	ssyncadd.remote.s32 @p0 $0x1;
	_ =	sdelay $0x1  }
0xac: {  	s5 =	simm.s32 @p0 $0x1B8D  }
0xad: {  	_ =	swait.eq @p0 [sflag:s5], $0x1  }
0xae: {  	[sflag:s5] =	ssyncadd.s32 @p0 $0xFFFFFFFF  }
0xaf: {  	s6 =	sshll.u32 @!p0 s1, $0xE  }
0xb0: {  	s6 =	sor.u32 @!p0 $0x4000, s6;
	s5 =	simm.s32 @!p0 $0x1B8D  }
0xb1: {  	s4 =	sshll.u32 @!p0 s4, $0x11;
	s6 =	sadd.s32 @!p0 $0x11B8D, s6;
	_ =	swait.eq @!p0 [sflag:s5], $0x1  }
0xb2: {  	s4 =	sor.u32 @!p0 s4, s6;
	[sflag:s5] =	ssyncadd.s32 @!p0 $0xFFFFFFFF  }
0xb3: {  	s25 =	simm.s32 $0x1B8E;
	s24 =	sld [smem:$0x3FFE];
	[sflag:s4] =	ssyncadd.remote.s32 @!p0 $0x1  }
0xb4: {  	s26 =	simm.s32 $execute0_lowered;
	[smem:$0x3FD2] =	sst s25  }
0xb5: {  	s5 =	sshll.u32 s26, $0x1;
	_ =	strace $0x8000004C;
	[dreg:$0x1] =	wrdreg $0xFFFFFFFF  }
0xb6: {  	s28 =	simm.s32 $_size_execute0_lowered;
	s3 =	sadd.s32 s3, s5;
	[dreg:$0x0] =	wrdreg $0x0  }
0xb7: {  	s5 =	sshll.u32 s28, $0x1;
	[dreg:$0x2] =	wrdreg s3  }
0xb8: {  	[dreg:$0x3] =	wrdreg s5  }
0xb9: {  	[dreg:$0x4] =	wrdreg $0xC0  }
0xba: {  	_ =	task [dreg:s22], $0x5FFFF  }
0xbb: {  	[dreg:$0x1] =	wrdreg $0xFFFFFFFF  }
0xbc: {  	[dreg:$0x0] =	wrdreg $0x60  }
0xbd: {  	[dreg:$0x2] =	wrdreg s24  }
0xbe: {  	[dreg:$0x3] =	wrdreg $0x81000  }
0xbf: {  	[dreg:$0x4] =	wrdreg $0x9  }
0xc0: {  	_ =	task.clear_ibuf [dreg:s22], $0x5FFFF;
	_ =	strace $0x9000004C  }
0xc1: {  	s29 =	simm.s32 $0x9;
	_ =	strace $0x8000004E  }
0xc2: {  	_ =	swait.ge [sflag:s29], $0x1  }
0xc3: {  	[sflag:s29] =	ssyncadd.s32 $0xFFFFFFFF  }
0xc4: {  	_ =	strace $0x9000004E  }
0xc5: {  	_ =	sfence  }
0xc6: {  	s30 =	sld [smem:$0x0];
	_ =	sdelay $0x2  }
0xc7: {  	s31 =	sshll.u32 s1, $0xD;
	s1 =	sshrl.u32 s1, $0x2  }
0xc8: {  	s4 =	sand.u32 $0x4000, s31;
	s1 =	sadd.s32 s1, s30  }
0xc9: {  	s0 =	sor.u32 s4, s0;
	s1 =	sshll.u32 s1, $0x11  }
0xca: {  	s0 =	sor.u32 s1, s0  }
0xcb: {  	s0 =	sadd.s32 $0x8F2B, s0  }
0xcc: {  	[sflag:s0] =	ssyncadd.remote.s32 $0x1  }
0xcd: {  	_ =	sfence.sel $0xFFFF  }
0xce: {  	[dreg:$0x0] =	wrdreg $0xFFFFFFFF;
	(pc) =	sbr.abs _section_cstart, $3  }
0xcf: {  	[dreg:$0x1] =	wrdreg $0xFFFFFFFF  }
0xd0: {  	_ =	task.clear_ibuf [dreg:s22], $0x2FFFF;
	_ =	strace $0x9FFFFFFF  }
0xd1: {  	(tm) =	ssettm $0x7FFFFFFF  }
tec
execute0_lowered:
.L_overlay_start_1:
0x0: {  	(tag) =	ssettag $0x1  }
0x1: {  	s5 =	rddreg [dreg:$0x0]  }
0x2: {  	s1 =	rddreg [dreg:$0x1]  }
0x3: {  	s0 =	rddreg [dreg:$0x2];
	s2 =	srdreg.scid  }
0x4: {  	s3 =	simm.s32 $0x0;
	s18 =	simm.s32 $0x80;
	s6 =	sand.u32 $0x1, s2  }
0x5: {  	s19 =	simm.s32 $0x4100;
	s2 =	stileid.u32;
	s7 =	smul.u32 $0x16C000, s6  }
0x6: {  	s20 =	simm.s32 $0x1;
	s21 =	simm.s32 $0x2;
	s8 =	smul.u32 $0x16C00, s2  }
0x7: {  	[smem:$0x7FF] =	sst s3;
	s11 =	sadd.s32 $0x1D3E400, s5;
	s22 =	smul.u32 $0x5B000, s2  }
0x8: {  	s14 =	sadd.s32 $0x5A00, s5;
	s4 =	sadd.s32 $0x76200, s5;
	s10 =	smul.u32 $0x5A00, s2  }
0x9: {  	_ =	strace $0x8000004D;
	s9 =	ssub.s32 $0x2, s6;
	s13 =	smul.u32 $0x5A000, s6  }
0xa: {  	s23 =	sshll.u32 s2, $0x6;
	s25 =	smul.u32 $0x5A000, s2;
	s12 =	sshrl.u32 s9, $0x1  }
0xb: {  	s7 =	sadd.s32 s8, s7;
	s8 =	sshrl.u32 s22, $0x2;
	s9 =	ssub.s32 s9, s12  }
0xc: {  	s24 =	sadd.s32 s10, s13;
	s17 =	sadd.s32 $0x5980, s10;
	s22 =	simm.s32 $0x0  }
0xd: {  	s7 =	sshrl.u32 s7, $0x3;
	s16 =	sadd.s32 s8, s1;
	s26 =	sshrl.u32 s24, $0x3  }
0xe: {  	s10 =	sadd.s32 s13, s17;
	s9 =	smax.u32 s9, $0x1;
	s28 =	sshll.u32 s17, $0x4  }
0xf: {  	s29 =	sor.u32 $0x100, s24;
	s31 =	sor.u32 $0x80, s24;
	s17 =	simm.s32 $0x100  }
0x10: {  	s15 =	sadd.s32 s7, s5;
	s5 =	sor.u32 $0x1C03, s23;
	s6 =	sadd.s32 s14, s26  }
0x11: {  	s7 =	sadd.s32 s11, s25;
	s10 =	sshrl.u32 s10, $0x3;
	s11 =	sadd.s32 s11, s28  }
0x12: {  	s30 =	sshrl.u32 s29, $0x3;
	s8 =	sadd.s32 $0xD4000, s15;
	s10 =	sadd.s32 s14, s10  }
0x13: {  	s12 =	sadd.s32 $0x1000, s7;
	s13 =	sadd.s32 s30, s14;
	s15 =	sshrl.u32 s31, $0x3  }
0x14: {  	s14 =	sadd.s32 s15, s14;
	s15 =	sshrl.u32 s16, $0x3;
	s16 =	simm.s32 $0x3  }
.LBB2_1:
0x15: {  	[spmem:s15], [sflag:s5] =	dma.local [hbm:s4], $0x2D80  }
0x16: {  	_ =	swait.ge [sflag:s16], $0x2D80  }
0x17: {  	[sflag:s16] =	ssyncset.done $0x0  }
0x18: {  	[sflag:s16] =	ssyncadd.s32 $0xFFFFD280  }
0x19: {  	[bflag:$0x0] =	sbarrier.arrive $0xFFFF  }
0x1a: {  	[tilespmem:s3], [sflag:$0x1] =	stream.linear.gather [hbm4b:s6+s3], $0x80, $0x38;
	[tilespmem:$0x1ED00] =	vst v63  }
0x1b: {  	_ = 	snop  }
0x1c: {  	[tilespmem:s17], [sflag:$0x1] =	stream.linear.gather [hbm4b:s7+s3], $0x4000, $0x38;
	[tilespmem:$0x1ED00] =	vst v63  }
0x1d: {  	s23 =	sadd.s32 $0x0, s14  }
0x1e: {  	[tilespmem:s18], [sflag:$0x2] =	stream.linear.gather [hbm4b:s23+s3], $0x80, $0x38;
	[tilespmem:$0x1ED00] =	vst v63  }
0x1f: {  	s30 =	sadd.s32 $0xFFFFF800, s12  }
0x20: {  	[tilespmem:s19], [sflag:$0x2] =	stream.linear.gather [hbm4b:s30+s3], $0x4000, $0x38;
	[tilespmem:$0x1ED00] =	vst v63  }
0x21: {  	_ =	swait.ge [sflag:s20], $0x80  }
0x22: {  	[sflag:s20] =	ssyncset.done $0x0  }
0x23: {  	[sflag:s20] =	ssyncadd.s32 $0xFFFFFF80  }
0x24: {  	_ =	swait.ge [sflag:s20], $0x4000  }
0x25: {  	[sflag:s20] =	ssyncset.done $0x0  }
0x26: {  	[sflag:s20] =	ssyncadd.s32 $0xFFFFC000  }
0x27: {  	[spmem:s1] =	stream.indirect.scatter.add.f32 [tilespmem:s17], [sflag:$0x3], $0x80, s3, s18, $0xb8;
	[tilespmem:$0x1ED00] =	vst v63  }
0x28: {  	_ =	swait.ge [sflag:s16], $0x4000  }
0x29: {  	[sflag:s16] =	ssyncset.done $0x0  }
0x2a: {  	s31 =	sadd.s32 $0x0, s13;
	[sflag:s16] =	ssyncadd.s32 $0xFFFFC000  }
0x2b: {  	[tilespmem:s3], [sflag:$0x1] =	stream.linear.gather [hbm4b:s31+s3], $0x80, $0x38;
	[tilespmem:$0x1ED00] =	vst v63  }
0x2c: {  	_ = 	snop  }
0x2d: {  	[tilespmem:s17], [sflag:$0x1] =	stream.linear.gather [hbm4b:s12+s3], $0x4000, $0x38;
	[tilespmem:$0x1ED00] =	vst v63  }
0x2e: {  	_ =	swait.ge [sflag:s21], $0x80  }
0x2f: {  	[sflag:s21] =	ssyncset.done $0x0  }
0x30: {  	[sflag:s21] =	ssyncadd.s32 $0xFFFFFF80  }
0x31: {  	_ =	swait.ge [sflag:s21], $0x4000  }
0x32: {  	[sflag:s21] =	ssyncset.done $0x0  }
0x33: {  	[sflag:s21] =	ssyncadd.s32 $0xFFFFC000  }
0x34: {  	[spmem:s1] =	stream.indirect.scatter.add.f32 [tilespmem:s19], [sflag:$0x3], $0x80, s18, s18, $0xb8;
	[tilespmem:$0x1ED00] =	vst v63  }
0x35: {  	s25 =	simm.s32 $0x40;
	_ =	swait.ge [sflag:s16], $0x4000  }
0x36: {  	s24 =	sadd.s32 $0x1000, s12;
	s23 =	simm.s32 $0x20;
	[sflag:s16] =	ssyncset.done $0x0  }
.LBB2_2:
0x37: {  	s26 =	sadd.s32 s23, s14  }
0x38: {  	[sflag:s16] =	ssyncadd.s32 $0xFFFFC000;
	s28 =	smov.u32 s25;
	s29 =	sadd.s32 $0x20, s25  }
0x39: {  	[tilespmem:s18], [sflag:$0x2] =	stream.linear.gather [hbm4b:s26+s3], $0x80, $0x38;
	[tilespmem:$0x1ED00] =	vst v63  }
0x3a: {  	p0 =	sne.s32 s25, $0xB00;
	s25 =	sadd.s32 $0xFFFFF800, s24  }
0x3b: {  	[tilespmem:s19], [sflag:$0x2] =	stream.linear.gather [hbm4b:s25+s3], $0x4000, $0x38;
	[tilespmem:$0x1ED00] =	vst v63  }
0x3c: {  	_ =	swait.ge [sflag:s20], $0x80  }
0x3d: {  	[sflag:s20] =	ssyncset.done $0x0  }
0x3e: {  	[sflag:s20] =	ssyncadd.s32 $0xFFFFFF80  }
0x3f: {  	_ =	swait.ge [sflag:s20], $0x4000  }
0x40: {  	[sflag:s20] =	ssyncset.done $0x0  }
0x41: {  	[sflag:s20] =	ssyncadd.s32 $0xFFFFC000  }
0x42: {  	[spmem:s1] =	stream.indirect.scatter.add.f32 [tilespmem:s17], [sflag:$0x3], $0x80, s3, s18, $0xb8;
	[tilespmem:$0x1ED00] =	vst v63  }
0x43: {  	_ =	swait.ge [sflag:s16], $0x4000  }
0x44: {  	[sflag:s16] =	ssyncset.done $0x0  }
0x45: {  	s25 =	sadd.s32 s23, s13;
	s23 =	smov.u32 s28;
	[sflag:s16] =	ssyncadd.s32 $0xFFFFC000  }
0x46: {  	[tilespmem:s3], [sflag:$0x1] =	stream.linear.gather [hbm4b:s25+s3], $0x80, $0x38;
	[tilespmem:$0x1ED00] =	vst v63  }
0x47: {  	_ = 	snop  }
0x48: {  	[tilespmem:s17], [sflag:$0x1] =	stream.linear.gather [hbm4b:s24+s3], $0x4000, $0x38;
	[tilespmem:$0x1ED00] =	vst v63  }
0x49: {  	_ =	swait.ge [sflag:s21], $0x80  }
0x4a: {  	[sflag:s21] =	ssyncset.done $0x0  }
0x4b: {  	[sflag:s21] =	ssyncadd.s32 $0xFFFFFF80  }
0x4c: {  	_ =	swait.ge [sflag:s21], $0x4000  }
.Ltmp0:
0x4d: {  	[sflag:s21] =	ssyncset.done $0x0;
	(pc) =	sbr.rel @p0 .LBB2_2-.Ltmp0, $4  }
0x4e: {  	[sflag:s21] =	ssyncadd.s32 $0xFFFFC000  }
0x4f: {  	[spmem:s1] =	stream.indirect.scatter.add.f32 [tilespmem:s19], [sflag:$0x3], $0x80, s18, s18, $0xb8;
	[tilespmem:$0x1ED00] =	vst v63  }
0x50: {  	_ =	swait.ge [sflag:s16], $0x4000  }
0x51: {  	s25 =	smov.u32 s29;
	s24 =	sadd.s32 $0x1000, s24;
	[sflag:s16] =	ssyncset.done $0x0  }
0x52: {  	s25 =	sadd.s32 s23, s14;
	[sflag:s16] =	ssyncadd.s32 $0xFFFFC000  }
0x53: {  	[tilespmem:s18], [sflag:$0x2] =	stream.linear.gather [hbm4b:s25+s3], $0x80, $0x38;
	[tilespmem:$0x1ED00] =	vst v63  }
0x54: {  	s30 =	sadd.s32 $0xFFFFF800, s24  }
0x55: {  	[tilespmem:s19], [sflag:$0x2] =	stream.linear.gather [hbm4b:s30+s3], $0x4000, $0x38;
	[tilespmem:$0x1ED00] =	vst v63  }
0x56: {  	_ =	swait.ge [sflag:s20], $0x80  }
0x57: {  	[sflag:s20] =	ssyncset.done $0x0  }
0x58: {  	[sflag:s20] =	ssyncadd.s32 $0xFFFFFF80  }
0x59: {  	_ =	swait.ge [sflag:s20], $0x4000  }
0x5a: {  	[sflag:s20] =	ssyncset.done $0x0  }
0x5b: {  	[sflag:s20] =	ssyncadd.s32 $0xFFFFC000  }
0x5c: {  	[spmem:s1] =	stream.indirect.scatter.add.f32 [tilespmem:s17], [sflag:$0x3], $0x80, s3, s18, $0xb8;
	[tilespmem:$0x1ED00] =	vst v63  }
0x5d: {  	_ =	swait.ge [sflag:s16], $0x4000  }
0x5e: {  	[sflag:s16] =	ssyncset.done $0x0  }
0x5f: {  	s31 =	sadd.s32 s23, s13;
	[sflag:s16] =	ssyncadd.s32 $0xFFFFC000  }
0x60: {  	[tilespmem:s3], [sflag:$0x1] =	stream.linear.gather [hbm4b:s31+s3], $0x80, $0x38;
	[tilespmem:$0x1ED00] =	vst v63  }
0x61: {  	_ = 	snop  }
0x62: {  	[tilespmem:s17], [sflag:$0x1] =	stream.linear.gather [hbm4b:s24+s3], $0x4000, $0x38;
	[tilespmem:$0x1ED00] =	vst v63  }
0x63: {  	_ =	swait.ge [sflag:s21], $0x80  }
0x64: {  	[sflag:s21] =	ssyncset.done $0x0  }
0x65: {  	[sflag:s21] =	ssyncadd.s32 $0xFFFFFF80  }
0x66: {  	_ =	swait.ge [sflag:s21], $0x4000  }
0x67: {  	[sflag:s21] =	ssyncset.done $0x0  }
0x68: {  	[sflag:s21] =	ssyncadd.s32 $0xFFFFC000  }
0x69: {  	[spmem:s1] =	stream.indirect.scatter.add.f32 [tilespmem:s19], [sflag:$0x3], $0x80, s18, s18, $0xb8;
	[tilespmem:$0x1ED00] =	vst v63  }
0x6a: {  	_ =	swait.ge [sflag:s16], $0x4000  }
0x6b: {  	[sflag:s16] =	ssyncset.done $0x0  }
0x6c: {  	[sflag:s16] =	ssyncadd.s32 $0xFFFFC000  }
0x6d: {  	[tilespmem:s18], [sflag:$0x2] =	stream.linear.gather [hbm4b:s10+s3], $0x80, $0x38;
	[tilespmem:$0x1ED00] =	vst v63  }
0x6e: {  	_ = 	snop  }
0x6f: {  	[tilespmem:s19], [sflag:$0x2] =	stream.linear.gather [hbm4b:s11+s3], $0x4000, $0x38;
	[tilespmem:$0x1ED00] =	vst v63  }
0x70: {  	_ =	swait.ge [sflag:s20], $0x80  }
0x71: {  	[sflag:s20] =	ssyncset.done $0x0  }
0x72: {  	[sflag:s20] =	ssyncadd.s32 $0xFFFFFF80  }
0x73: {  	_ =	swait.ge [sflag:s20], $0x4000  }
0x74: {  	[sflag:s20] =	ssyncset.done $0x0  }
0x75: {  	[sflag:s20] =	ssyncadd.s32 $0xFFFFC000  }
0x76: {  	[spmem:s1] =	stream.indirect.scatter.add.f32 [tilespmem:s17], [sflag:$0x3], $0x80, s3, s18, $0xb8;
	[tilespmem:$0x1ED00] =	vst v63  }
0x77: {  	_ =	swait.ge [sflag:s16], $0x4000  }
0x78: {  	[sflag:s16] =	ssyncset.done $0x0  }
0x79: {  	[sflag:s16] =	ssyncadd.s32 $0xFFFFC000  }
0x7a: {  	_ =	swait.ge [sflag:s21], $0x80  }
0x7b: {  	[sflag:s21] =	ssyncset.done $0x0  }
0x7c: {  	[sflag:s21] =	ssyncadd.s32 $0xFFFFFF80  }
0x7d: {  	_ =	swait.ge [sflag:s21], $0x4000  }
0x7e: {  	[sflag:s21] =	ssyncset.done $0x0  }
0x7f: {  	[sflag:s21] =	ssyncadd.s32 $0xFFFFC000  }
0x80: {  	[spmem:s1] =	stream.indirect.scatter.add.f32 [tilespmem:s19], [sflag:$0x3], $0x80, s18, s18, $0xb8;
	[tilespmem:$0x1ED00] =	vst v63  }
0x81: {  	_ =	swait.ge [sflag:s16], $0x4000  }
0x82: {  	s22 =	sadd.s32 $0x1, s22;
	[sflag:s16] =	ssyncset.done $0x0  }
0x83: {  	p0 =	sne.s32 s22, s9;
	[sflag:s16] =	ssyncadd.s32 $0xFFFFC000  }
.Ltmp1:
0x84: {  	[bflag:$0x0] =	sbarrier.arrive $0xFFFF;
	(pc) =	sbr.rel @p0 .LBB2_1-.Ltmp1, $4  }
0x85: {  	[hbm:s8], [sflag:s5] =	dma.local [spmem:s15], $0x2D80  }
0x86: {  	_ =	swait.ge [sflag:s16], $0x2D80  }
0x87: {  	[sflag:s16] =	ssyncset.done $0x0  }
0x88: {  	[sflag:s16] =	ssyncadd.s32 $0xFFFFD280  }
0x89: {  	_ =	sfence.sel $0x180000  }
0x8a: {  	[bflag:$0x0] =	sbarrier.arrive $0xFFFF  }
0x8b: {  	p0 =	sne.s32 s2, $0x0;
	_ =	strace $0x9000004D  }
0x8c: {  	s0 =	sadd.s32 @!p0 $0x100000, s0;
	[bflag:$0x2] =	sbarrier.arrive $0xFFFF  }
0x8d: {  	[sflag:s0] =	ssyncadd.tile.s32 @!p0 $0x1;
	_ =	shalt  }
.Lfunc_end2:
_tile_overlayer_lowered:
.L_overlay_start_2:
0x8e: {  	(tag) =	ssettag $0x2  }
0x8f: {  	s0 =	rddreg [dreg:$0x0];
	s2 =	stileid.u32  }
0x90: {  	s1 =	rddreg [dreg:$0x1];
	p0 =	sne.s32 s2, $0x0  }
0x91: {  	s3 =	rddreg [dreg:$0x2];
	[bflag:$0x3] =	sbarrier.arrive $0xFFFF;
	s2 =	simm.s32 @!p0 $0x1C03  }
0x92: {  	[timem:s3], [sflag:s2] =	dma.local @!p0 [hbm:s0], s1  }
0x93: {  	s0 =	simm.s32 @!p0 $0x3  }
0x94: {  	_ =	swait.ge @!p0 [sflag:s0], s1  }
0x95: {  	s1 =	ssub.s32 @!p0 $0x0, s1;
	[sflag:s0] =	ssyncset.done @!p0 $0x0  }
0x96: {  	[sflag:s0] =	ssyncadd.s32 @!p0 s1  }
0x97: {  	[bflag:$0x3] =	sbarrier.arrive $0xFFFF  }
0x98: {  	_ =	shalt  }

// kernel: kernel.15.cloned.1.call-start
scs
__scs_entry_jumppad:
0x0: {  	(pc) =	sbr.rel $0x88, $3  }
0x1: {  	(tag) =	ssettag $0x0;
	lr =	simm.s32 $0x1  }
0x2: {  	[smem:$0x3F87] =	sst lr;
	_ =	strace $0xD0000000  }
0x3: {  	_ = 	snop  }
0x4: {  	_ = 	snop  }
0x5: {  	_ = 	snop  }
0x6: {  	_ = 	snop  }
0x7: {  	_ = 	snop  }
__scs_overlays_trampoline_lowered:
0x8: {  	[smem:$0x3F96] =	sst s0  }
0x9: {  	[smem:$0x3F97] =	sst s1  }
0xa: {  	[smem:$0x3F98] =	sst s2  }
0xb: {  	[smem:$0x3F99] =	sst s3  }
0xc: {  	[smem:$0x3F9A] =	sst s4  }
0xd: {  	[smem:$0x3F9B] =	sst s5  }
0xe: {  	[smem:$0x3F9C] =	sst s6  }
0xf: {  	[smem:$0x3F9D] =	sst s7  }
0x10: {  	[smem:$0x3F9E] =	sst s8  }
0x11: {  	[smem:$0x3F9F] =	sst s9;
	s0 =	simm.s32 @!p0 $0x0  }
0x12: {  	s1 =	sld [smem:$0x3F85];
	s0 =	simm.s32 @p0 $0x1  }
0x13: {  	[smem:$0x3FA0] =	sst s0;
	s0 =	simm.s32 @!p1 $0x0  }
0x14: {  	s2 =	sld [smem:$0x3F84];
	s0 =	simm.s32 @p1 $0x1  }
0x15: {  	[smem:$0x3FA1] =	sst s0;
	s0 =	simm.s32 @!p2 $0x0  }
0x16: {  	s3 =	sld [smem:$0x3FDB];
	s0 =	simm.s32 @p2 $0x1  }
0x17: {  	s4 =	simm.s32 $0x1BF5;
	[smem:$0x3FA3] =	sst s0  }
0x18: {  	s0 =	sld [smem:$0x3F86];
	_ =	swait.ge [sflag:s4], $0x0  }
0x19: {  	s7 =	sld [smem:$0x3F87]  }
0x1a: {  	s8 =	sadd.s32 $0xFFFFE003, lr  }
0x1b: {  	s9 =	sadd.s32 $0xFFFFFEF7, lr;
	s5 =	simm.s32 $0xFFFFFFFF;
	p2 =	slt.u32 s8, $0xFFFFF086  }
0x1c: {  	p1 =	slt.u32 s9, $0xF7A;
	s5 =	simm.s32 @!p2 $0x0  }
0x1d: {  	s5 =	simm.s32 @p1 $0x1;
	p0 =	seq.s32 s7, s2  }
0x1e: {  	s7 =	smul.u32 @!p0 $0xF7A, s2;
	p2 =	seq.s32 @!p0 s5, $0x0  }
0x1f: {  	s9 =	smul.u32 $0xF7A, s1;
	s8 =	simm.s32 @!p0 $0x1BF5;
	p2 =	por !p2, p0  }
0x20: {  	[sflag:s8] =	ssyncset.s32 @!p0 $0xFFFFF086;
	s6 =	sadd.s32 @!p0 s3, s7;
	s7 =	simm.s32 @!p0 $0x108  }
0x21: {  	s3 =	sadd.s32 s3, s9;
	s6 =	sadd.s32 @!p0 $0x88, s6;
	s7 =	simm.s32 @p2 $0x1082  }
0x22: {  	[simem:s7], [sflag:s8] =	dma.local @!p0 [hbm:s6], $0xF7A  }
0x23: {  	s9 =	sor.u32 $0xD0000000, s2;
	s6 =	simm.s32 $0x108;
	_ =	swait.ge @!p0 [sflag:s8], $0x0  }
0x24: {  	s3 =	sadd.s32 $0x88, s3;
	s6 =	simm.s32 @!p1 $0x1082;
	[sflag:s4] =	ssyncset.s32 $0xFFFFF086  }
0x25: {  	[simem:s6], [sflag:s4] =	dma.local [hbm:s3], $0xF7A  }
0x26: {  	[smem:$0x3F87] =	sst s1;
	(tag) =	ssettag s2;
	_ =	strace s9  }
0x27: {  	s1 =	sld [smem:$0x3F97]  }
0x28: {  	s2 =	sld [smem:$0x3F98]  }
0x29: {  	s4 =	sld [smem:$0x3F9A]  }
0x2a: {  	p0 =	seq.s32 s5, $0x0;
	s5 =	sld [smem:$0x3F9B]  }
0x2b: {  	s6 =	sld [smem:$0x3F9C]  }
0x2c: {  	s7 =	sld [smem:$0x3F9D]  }
0x2d: {  	s3 =	simm.s32 $0x108;
	s8 =	sld [smem:$0x3F9E]  }
0x2e: {  	s3 =	simm.s32 @!p0 $0x1082;
	s9 =	sld [smem:$0x3F9F]  }
0x2f: {  	lr =	sadd.s32 s0, s3;
	s0 =	sld [smem:$0x3F96]  }
0x30: {  	s3 =	sld [smem:$0x3F99]  }
0x31: {  	[smem:$0x3FA2] =	sst s10  }
0x32: {  	s10 =	sld [smem:$0x3FA0];
	_ =	sdelay $0x3  }
0x33: {  	p0 =	seq.s32 s10, $0x1;
	s10 =	sld [smem:$0x3FA2];
	_ =	sdelay $0x3  }
0x34: {  	[smem:$0x3FA2] =	sst s10  }
0x35: {  	s10 =	sld [smem:$0x3FA1];
	_ =	sdelay $0x3  }
0x36: {  	p1 =	seq.s32 s10, $0x1;
	s10 =	sld [smem:$0x3FA2];
	_ =	sdelay $0x3  }
0x37: {  	[smem:$0x3FA2] =	sst s10  }
0x38: {  	s10 =	sld [smem:$0x3FA3]  }
0x39: {  	_ = 	snop;
	(pc) =	sbr.ind lr, $3  }
0x3a: {  	_ = 	snop  }
0x3b: {  	_ = 	snop  }
0x3c: {  	p2 =	seq.s32 s10, $0x1;
	s10 =	sld [smem:$0x3FA2]  }
0x3d: {  	_ =	shalt  }
0x3e: {  	_ =	shalt  }
0x3f: {  	_ =	shalt  }
0x40: {  	_ =	shalt  }
0x41: {  	_ =	shalt  }
0x42: {  	_ =	shalt  }
0x43: {  	_ =	shalt  }
0x44: {  	_ =	shalt  }
0x45: {  	_ =	shalt  }
0x46: {  	_ =	shalt  }
0x47: {  	_ =	shalt  }
0x48: {  	_ =	shalt  }
0x49: {  	_ =	shalt  }
0x4a: {  	_ =	shalt  }
0x4b: {  	_ =	shalt  }
0x4c: {  	_ =	shalt  }
0x4d: {  	_ =	shalt  }
0x4e: {  	_ =	shalt  }
0x4f: {  	_ =	shalt  }
0x50: {  	_ =	shalt  }
0x51: {  	_ =	shalt  }
0x52: {  	_ =	shalt  }
0x53: {  	_ =	shalt  }
0x54: {  	_ =	shalt  }
0x55: {  	_ =	shalt  }
0x56: {  	_ =	shalt  }
0x57: {  	_ =	shalt  }
0x58: {  	_ =	shalt  }
0x59: {  	_ =	shalt  }
0x5a: {  	_ =	shalt  }
0x5b: {  	_ =	shalt  }
0x5c: {  	_ =	shalt  }
0x5d: {  	_ =	shalt  }
0x5e: {  	_ =	shalt  }
0x5f: {  	_ =	shalt  }
0x60: {  	_ =	shalt  }
0x61: {  	_ =	shalt  }
0x62: {  	_ =	shalt  }
0x63: {  	_ =	shalt  }
0x64: {  	_ =	shalt  }
0x65: {  	_ =	shalt  }
0x66: {  	_ =	shalt  }
0x67: {  	_ =	shalt  }
0x68: {  	_ =	shalt  }
0x69: {  	_ =	shalt  }
0x6a: {  	_ =	shalt  }
0x6b: {  	_ =	shalt  }
0x6c: {  	_ =	shalt  }
0x6d: {  	_ =	shalt  }
0x6e: {  	_ =	shalt  }
0x6f: {  	_ =	shalt  }
0x70: {  	_ =	shalt  }
0x71: {  	_ =	shalt  }
0x72: {  	_ =	shalt  }
0x73: {  	_ =	shalt  }
0x74: {  	_ =	shalt  }
0x75: {  	_ =	shalt  }
0x76: {  	_ =	shalt  }
0x77: {  	_ =	shalt  }
0x78: {  	_ =	shalt  }
0x79: {  	_ =	shalt  }
0x7a: {  	_ =	shalt  }
0x7b: {  	_ =	shalt  }
0x7c: {  	_ =	shalt  }
0x7d: {  	_ =	shalt  }
0x7e: {  	_ =	shalt  }
0x7f: {  	_ =	shalt  }
0x80: {  	_ =	shalt  }
0x81: {  	_ =	shalt  }
0x82: {  	_ =	shalt  }
0x83: {  	_ =	shalt  }
0x84: {  	_ =	shalt  }
0x85: {  	_ =	shalt  }
0x86: {  	_ =	shalt  }
0x87: {  	_ =	shalt  }
.Lfunc_end0:
.L_simem_size_0:
called_computation.2_lowered:
.L_overlay_start_0:
0x88: {  	s2 =	sld [smem:$0x3FD9]  }
0x89: {  	s3 =	sld [smem:$0x3FFE];
	_ =	sdelay $0x1  }
0x8a: {  	s1 =	srdreg.scid  }
0x8b: {  	s0 =	sand.u32 $0x1, s1  }
0x8c: {  	s16 =	sshll.u32 s0, $0xA;
	s2 =	sadd.s32 s3, s2  }
0x8d: {  	s2 =	sadd.s32 s2, s16  }
0x8e: {  	[smem:$0x3FAE] =	sst s2  }
0x8f: {  	_ = 	snop  }
0x90: {  	(tm) =	ssettm $0x1  }
0x91: {  	s17 =	sld [smem:$0x3FFB];
	_ =	sdelay $0x3  }
0x92: {  	_ =	strace s17  }
0x93: {  	s2 =	sld [smem:$0x3FFC];
	_ =	sdelay $0x3  }
0x94: {  	_ =	strace s2  }
0x95: {  	s2 =	sld [smem:$0x3FFD];
	_ =	sdelay $0x3  }
0x96: {  	_ =	strace s2  }
0x97: {  	_ =	strace $0x8FFFFFFF  }
0x98: {  	s18 =	sld [smem:$0x3FDB];
	_ =	sdelay $0x1  }
0x99: {  	s19 =	simm.s32 $_scs_section_size  }
0x9a: {  	s4 =	simm.s32 $_size__tile_overlayer_lowered;
	s5 =	simm.s32 $_tile_overlayer_lowered  }
0x9b: {  	s22 =	simm.s32 $0x1BFF;
	s21 =	sshll.u32 s5, $0x1;
	s2 =	sadd.s32 s19, s18  }
0x9c: {  	s6 =	simm.s32 $0x0;
	s20 =	sshll.u32 s4, $0x1;
	s4 =	sadd.s32 s21, s2  }
0x9d: {  	[timem:s6], [sflag:s22] =	dma.local [hbm:s4], s20  }
0x9e: {  	_ =	swait.ge [sflag:s22], s20  }
0x9f: {  	s3 =	ssub.s32 $0x0, s20;
	[sflag:s22] =	ssyncset.done $0x0  }
0xa0: {  	[sflag:s22] =	ssyncadd.s32 s3;
	_ =	sdelay $0x1  }
0xa1: {  	s23 =	simm.s32 $0x1B8B  }
0xa2: {  	_ =	swait.ge [sflag:s23], $0x1  }
0xa3: {  	[sflag:s23] =	ssyncset.done $0x0  }
0xa4: {  	s25 =	simm.s32 $0x1B8E;
	s24 =	sld [smem:$0x3FFE];
	[sflag:s23] =	ssyncadd.s32 $0xFFFFFFFF  }
0xa5: {  	s26 =	simm.s32 $execute0_lowered;
	[smem:$0x3FD2] =	sst s25  }
0xa6: {  	s4 =	sshll.u32 s26, $0x1;
	_ =	strace $0x80000049;
	[dreg:$0x1] =	wrdreg $0xFFFFFFFF  }
0xa7: {  	s28 =	simm.s32 $_size_execute0_lowered;
	s2 =	sadd.s32 s2, s4;
	[dreg:$0x0] =	wrdreg $0x0  }
0xa8: {  	s4 =	sshll.u32 s28, $0x1;
	[dreg:$0x2] =	wrdreg s2  }
0xa9: {  	[dreg:$0x3] =	wrdreg s4  }
0xaa: {  	[dreg:$0x4] =	wrdreg $0xC0  }
0xab: {  	_ =	task [dreg:s6], $0x5FFFF  }
0xac: {  	[dreg:$0x1] =	wrdreg $0xFFFFFFFF  }
0xad: {  	[dreg:$0x0] =	wrdreg $0x60  }
0xae: {  	[dreg:$0x2] =	wrdreg s24  }
0xaf: {  	[dreg:$0x3] =	wrdreg $0x81000  }
0xb0: {  	[dreg:$0x4] =	wrdreg $0xA  }
0xb1: {  	_ =	task.clear_ibuf [dreg:s6], $0x5FFFF;
	_ =	strace $0x90000049  }
0xb2: {  	s29 =	simm.s32 $0xA;
	_ =	strace $0x8000004B  }
0xb3: {  	_ =	swait.ge [sflag:s29], $0x1  }
0xb4: {  	[sflag:s29] =	ssyncadd.s32 $0xFFFFFFFF  }
0xb5: {  	_ =	strace $0x9000004B  }
0xb6: {  	_ =	sfence  }
0xb7: {  	s30 =	sld [smem:$0x0];
	_ =	sdelay $0x2  }
0xb8: {  	s31 =	sshll.u32 s1, $0xD;
	s1 =	sshrl.u32 s1, $0x2  }
0xb9: {  	s3 =	sand.u32 $0x4000, s31;
	s1 =	sadd.s32 s1, s30  }
0xba: {  	s0 =	sor.u32 s3, s0;
	s1 =	sshll.u32 s1, $0x11  }
0xbb: {  	s0 =	sor.u32 s1, s0  }
0xbc: {  	s0 =	sadd.s32 $0x8F2B, s0  }
0xbd: {  	[sflag:s0] =	ssyncadd.remote.s32 $0x1  }
0xbe: {  	_ =	sfence.sel $0xFFFF  }
0xbf: {  	[dreg:$0x0] =	wrdreg $0xFFFFFFFF;
	(pc) =	sbr.abs _section_cstart, $3  }
0xc0: {  	[dreg:$0x1] =	wrdreg $0xFFFFFFFF  }
0xc1: {  	_ =	task.clear_ibuf [dreg:s6], $0x2FFFF;
	_ =	strace $0x9FFFFFFF  }
0xc2: {  	(tm) =	ssettm $0x7FFFFFFF  }
0xc3: {  	_ =	shalt  }
tec
execute0_lowered:
.L_overlay_start_1:
0x0: {  	(tag) =	ssettag $0x1  }
0x1: {  	s5 =	rddreg [dreg:$0x0]  }
0x2: {  	s1 =	rddreg [dreg:$0x1]  }
0x3: {  	s0 =	rddreg [dreg:$0x2];
	s2 =	srdreg.scid  }
0x4: {  	s3 =	simm.s32 $0x0;
	s18 =	simm.s32 $0x80;
	s6 =	sand.u32 $0x1, s2  }
0x5: {  	s19 =	simm.s32 $0x4100;
	s2 =	stileid.u32;
	s7 =	smul.u32 $0x16C000, s6  }
0x6: {  	s20 =	simm.s32 $0x1;
	s21 =	simm.s32 $0x2;
	s8 =	smul.u32 $0x16C00, s2  }
0x7: {  	[smem:$0x7FF] =	sst s3;
	s11 =	sadd.s32 $0x179E400, s5;
	s22 =	smul.u32 $0x5B000, s2  }
0x8: {  	s14 =	sadd.s32 $0x5A00, s5;
	s4 =	sadd.s32 $0x76200, s5;
	s10 =	smul.u32 $0x5A00, s2  }
0x9: {  	_ =	strace $0x8000004A;
	s9 =	ssub.s32 $0x2, s6;
	s13 =	smul.u32 $0x5A000, s6  }
0xa: {  	s23 =	sshll.u32 s2, $0x6;
	s25 =	smul.u32 $0x5A000, s2;
	s12 =	sshrl.u32 s9, $0x1  }
0xb: {  	s7 =	sadd.s32 s8, s7;
	s8 =	sshrl.u32 s22, $0x2;
	s9 =	ssub.s32 s9, s12  }
0xc: {  	s24 =	sadd.s32 s10, s13;
	s17 =	sadd.s32 $0x5980, s10;
	s22 =	simm.s32 $0x0  }
0xd: {  	s7 =	sshrl.u32 s7, $0x3;
	s16 =	sadd.s32 s8, s1;
	s26 =	sshrl.u32 s24, $0x3  }
0xe: {  	s10 =	sadd.s32 s13, s17;
	s9 =	smax.u32 s9, $0x1;
	s28 =	sshll.u32 s17, $0x4  }
0xf: {  	s29 =	sor.u32 $0x100, s24;
	s31 =	sor.u32 $0x80, s24;
	s17 =	simm.s32 $0x100  }
0x10: {  	s15 =	sadd.s32 s7, s5;
	s5 =	sor.u32 $0x1C03, s23;
	s6 =	sadd.s32 s14, s26  }
0x11: {  	s7 =	sadd.s32 s11, s25;
	s10 =	sshrl.u32 s10, $0x3;
	s11 =	sadd.s32 s11, s28  }
0x12: {  	s30 =	sshrl.u32 s29, $0x3;
	s8 =	sadd.s32 $0x79000, s15;
	s10 =	sadd.s32 s14, s10  }
0x13: {  	s12 =	sadd.s32 $0x1000, s7;
	s13 =	sadd.s32 s30, s14;
	s15 =	sshrl.u32 s31, $0x3  }
0x14: {  	s14 =	sadd.s32 s15, s14;
	s15 =	sshrl.u32 s16, $0x3;
	s16 =	simm.s32 $0x3  }
.LBB2_1:
0x15: {  	[spmem:s15], [sflag:s5] =	dma.local [hbm:s4], $0x2D80  }
0x16: {  	_ =	swait.ge [sflag:s16], $0x2D80  }
0x17: {  	[sflag:s16] =	ssyncset.done $0x0  }
0x18: {  	[sflag:s16] =	ssyncadd.s32 $0xFFFFD280  }
0x19: {  	[bflag:$0x0] =	sbarrier.arrive $0xFFFF  }
0x1a: {  	[tilespmem:s3], [sflag:$0x1] =	stream.linear.gather [hbm4b:s6+s3], $0x80, $0x38;
	[tilespmem:$0x1ED00] =	vst v63  }
0x1b: {  	_ = 	snop  }
0x1c: {  	[tilespmem:s17], [sflag:$0x1] =	stream.linear.gather [hbm4b:s7+s3], $0x4000, $0x38;
	[tilespmem:$0x1ED00] =	vst v63  }
0x1d: {  	s23 =	sadd.s32 $0x0, s14  }
0x1e: {  	[tilespmem:s18], [sflag:$0x2] =	stream.linear.gather [hbm4b:s23+s3], $0x80, $0x38;
	[tilespmem:$0x1ED00] =	vst v63  }
0x1f: {  	s30 =	sadd.s32 $0xFFFFF800, s12  }
0x20: {  	[tilespmem:s19], [sflag:$0x2] =	stream.linear.gather [hbm4b:s30+s3], $0x4000, $0x38;
	[tilespmem:$0x1ED00] =	vst v63  }
0x21: {  	_ =	swait.ge [sflag:s20], $0x80  }
0x22: {  	[sflag:s20] =	ssyncset.done $0x0  }
0x23: {  	[sflag:s20] =	ssyncadd.s32 $0xFFFFFF80  }
0x24: {  	_ =	swait.ge [sflag:s20], $0x4000  }
0x25: {  	[sflag:s20] =	ssyncset.done $0x0  }
0x26: {  	[sflag:s20] =	ssyncadd.s32 $0xFFFFC000  }
0x27: {  	[spmem:s1] =	stream.indirect.scatter.add.f32 [tilespmem:s17], [sflag:$0x3], $0x80, s3, s18, $0xb8;
	[tilespmem:$0x1ED00] =	vst v63  }
0x28: {  	_ =	swait.ge [sflag:s16], $0x4000  }
0x29: {  	[sflag:s16] =	ssyncset.done $0x0  }
0x2a: {  	s31 =	sadd.s32 $0x0, s13;
	[sflag:s16] =	ssyncadd.s32 $0xFFFFC000  }
0x2b: {  	[tilespmem:s3], [sflag:$0x1] =	stream.linear.gather [hbm4b:s31+s3], $0x80, $0x38;
	[tilespmem:$0x1ED00] =	vst v63  }
0x2c: {  	_ = 	snop  }
0x2d: {  	[tilespmem:s17], [sflag:$0x1] =	stream.linear.gather [hbm4b:s12+s3], $0x4000, $0x38;
	[tilespmem:$0x1ED00] =	vst v63  }
0x2e: {  	_ =	swait.ge [sflag:s21], $0x80  }
0x2f: {  	[sflag:s21] =	ssyncset.done $0x0  }
0x30: {  	[sflag:s21] =	ssyncadd.s32 $0xFFFFFF80  }
0x31: {  	_ =	swait.ge [sflag:s21], $0x4000  }
0x32: {  	[sflag:s21] =	ssyncset.done $0x0  }
0x33: {  	[sflag:s21] =	ssyncadd.s32 $0xFFFFC000  }
0x34: {  	[spmem:s1] =	stream.indirect.scatter.add.f32 [tilespmem:s19], [sflag:$0x3], $0x80, s18, s18, $0xb8;
	[tilespmem:$0x1ED00] =	vst v63  }
0x35: {  	s25 =	simm.s32 $0x40;
	_ =	swait.ge [sflag:s16], $0x4000  }
0x36: {  	s24 =	sadd.s32 $0x1000, s12;
	s23 =	simm.s32 $0x20;
	[sflag:s16] =	ssyncset.done $0x0  }
.LBB2_2:
0x37: {  	s26 =	sadd.s32 s23, s14  }
0x38: {  	[sflag:s16] =	ssyncadd.s32 $0xFFFFC000;
	s28 =	smov.u32 s25;
	s29 =	sadd.s32 $0x20, s25  }
0x39: {  	[tilespmem:s18], [sflag:$0x2] =	stream.linear.gather [hbm4b:s26+s3], $0x80, $0x38;
	[tilespmem:$0x1ED00] =	vst v63  }
0x3a: {  	p0 =	sne.s32 s25, $0xB00;
	s25 =	sadd.s32 $0xFFFFF800, s24  }
0x3b: {  	[tilespmem:s19], [sflag:$0x2] =	stream.linear.gather [hbm4b:s25+s3], $0x4000, $0x38;
	[tilespmem:$0x1ED00] =	vst v63  }
0x3c: {  	_ =	swait.ge [sflag:s20], $0x80  }
0x3d: {  	[sflag:s20] =	ssyncset.done $0x0  }
0x3e: {  	[sflag:s20] =	ssyncadd.s32 $0xFFFFFF80  }
0x3f: {  	_ =	swait.ge [sflag:s20], $0x4000  }
0x40: {  	[sflag:s20] =	ssyncset.done $0x0  }
0x41: {  	[sflag:s20] =	ssyncadd.s32 $0xFFFFC000  }
0x42: {  	[spmem:s1] =	stream.indirect.scatter.add.f32 [tilespmem:s17], [sflag:$0x3], $0x80, s3, s18, $0xb8;
	[tilespmem:$0x1ED00] =	vst v63  }
0x43: {  	_ =	swait.ge [sflag:s16], $0x4000  }
0x44: {  	[sflag:s16] =	ssyncset.done $0x0  }
0x45: {  	s25 =	sadd.s32 s23, s13;
	s23 =	smov.u32 s28;
	[sflag:s16] =	ssyncadd.s32 $0xFFFFC000  }
0x46: {  	[tilespmem:s3], [sflag:$0x1] =	stream.linear.gather [hbm4b:s25+s3], $0x80, $0x38;
	[tilespmem:$0x1ED00] =	vst v63  }
0x47: {  	_ = 	snop  }
0x48: {  	[tilespmem:s17], [sflag:$0x1] =	stream.linear.gather [hbm4b:s24+s3], $0x4000, $0x38;
	[tilespmem:$0x1ED00] =	vst v63  }
0x49: {  	_ =	swait.ge [sflag:s21], $0x80  }
0x4a: {  	[sflag:s21] =	ssyncset.done $0x0  }
0x4b: {  	[sflag:s21] =	ssyncadd.s32 $0xFFFFFF80  }
0x4c: {  	_ =	swait.ge [sflag:s21], $0x4000  }
.Ltmp0:
0x4d: {  	[sflag:s21] =	ssyncset.done $0x0;
	(pc) =	sbr.rel @p0 .LBB2_2-.Ltmp0, $4  }
0x4e: {  	[sflag:s21] =	ssyncadd.s32 $0xFFFFC000  }
0x4f: {  	[spmem:s1] =	stream.indirect.scatter.add.f32 [tilespmem:s19], [sflag:$0x3], $0x80, s18, s18, $0xb8;
	[tilespmem:$0x1ED00] =	vst v63  }
0x50: {  	_ =	swait.ge [sflag:s16], $0x4000  }
0x51: {  	s25 =	smov.u32 s29;
	s24 =	sadd.s32 $0x1000, s24;
	[sflag:s16] =	ssyncset.done $0x0  }
0x52: {  	s25 =	sadd.s32 s23, s14;
	[sflag:s16] =	ssyncadd.s32 $0xFFFFC000  }
0x53: {  	[tilespmem:s18], [sflag:$0x2] =	stream.linear.gather [hbm4b:s25+s3], $0x80, $0x38;
	[tilespmem:$0x1ED00] =	vst v63  }
0x54: {  	s30 =	sadd.s32 $0xFFFFF800, s24  }
0x55: {  	[tilespmem:s19], [sflag:$0x2] =	stream.linear.gather [hbm4b:s30+s3], $0x4000, $0x38;
	[tilespmem:$0x1ED00] =	vst v63  }
0x56: {  	_ =	swait.ge [sflag:s20], $0x80  }
0x57: {  	[sflag:s20] =	ssyncset.done $0x0  }
0x58: {  	[sflag:s20] =	ssyncadd.s32 $0xFFFFFF80  }
0x59: {  	_ =	swait.ge [sflag:s20], $0x4000  }
0x5a: {  	[sflag:s20] =	ssyncset.done $0x0  }
0x5b: {  	[sflag:s20] =	ssyncadd.s32 $0xFFFFC000  }
0x5c: {  	[spmem:s1] =	stream.indirect.scatter.add.f32 [tilespmem:s17], [sflag:$0x3], $0x80, s3, s18, $0xb8;
	[tilespmem:$0x1ED00] =	vst v63  }
0x5d: {  	_ =	swait.ge [sflag:s16], $0x4000  }
0x5e: {  	[sflag:s16] =	ssyncset.done $0x0  }
0x5f: {  	s31 =	sadd.s32 s23, s13;
	[sflag:s16] =	ssyncadd.s32 $0xFFFFC000  }
0x60: {  	[tilespmem:s3], [sflag:$0x1] =	stream.linear.gather [hbm4b:s31+s3], $0x80, $0x38;
	[tilespmem:$0x1ED00] =	vst v63  }
0x61: {  	_ = 	snop  }
0x62: {  	[tilespmem:s17], [sflag:$0x1] =	stream.linear.gather [hbm4b:s24+s3], $0x4000, $0x38;
	[tilespmem:$0x1ED00] =	vst v63  }
0x63: {  	_ =	swait.ge [sflag:s21], $0x80  }
0x64: {  	[sflag:s21] =	ssyncset.done $0x0  }
0x65: {  	[sflag:s21] =	ssyncadd.s32 $0xFFFFFF80  }
0x66: {  	_ =	swait.ge [sflag:s21], $0x4000  }
0x67: {  	[sflag:s21] =	ssyncset.done $0x0  }
0x68: {  	[sflag:s21] =	ssyncadd.s32 $0xFFFFC000  }
0x69: {  	[spmem:s1] =	stream.indirect.scatter.add.f32 [tilespmem:s19], [sflag:$0x3], $0x80, s18, s18, $0xb8;
	[tilespmem:$0x1ED00] =	vst v63  }
0x6a: {  	_ =	swait.ge [sflag:s16], $0x4000  }
0x6b: {  	[sflag:s16] =	ssyncset.done $0x0  }
0x6c: {  	[sflag:s16] =	ssyncadd.s32 $0xFFFFC000  }
0x6d: {  	[tilespmem:s18], [sflag:$0x2] =	stream.linear.gather [hbm4b:s10+s3], $0x80, $0x38;
	[tilespmem:$0x1ED00] =	vst v63  }
0x6e: {  	_ = 	snop  }
0x6f: {  	[tilespmem:s19], [sflag:$0x2] =	stream.linear.gather [hbm4b:s11+s3], $0x4000, $0x38;
	[tilespmem:$0x1ED00] =	vst v63  }
0x70: {  	_ =	swait.ge [sflag:s20], $0x80  }
0x71: {  	[sflag:s20] =	ssyncset.done $0x0  }
0x72: {  	[sflag:s20] =	ssyncadd.s32 $0xFFFFFF80  }
0x73: {  	_ =	swait.ge [sflag:s20], $0x4000  }
0x74: {  	[sflag:s20] =	ssyncset.done $0x0  }
0x75: {  	[sflag:s20] =	ssyncadd.s32 $0xFFFFC000  }
0x76: {  	[spmem:s1] =	stream.indirect.scatter.add.f32 [tilespmem:s17], [sflag:$0x3], $0x80, s3, s18, $0xb8;
	[tilespmem:$0x1ED00] =	vst v63  }
0x77: {  	_ =	swait.ge [sflag:s16], $0x4000  }
0x78: {  	[sflag:s16] =	ssyncset.done $0x0  }
0x79: {  	[sflag:s16] =	ssyncadd.s32 $0xFFFFC000  }
0x7a: {  	_ =	swait.ge [sflag:s21], $0x80  }
0x7b: {  	[sflag:s21] =	ssyncset.done $0x0  }
0x7c: {  	[sflag:s21] =	ssyncadd.s32 $0xFFFFFF80  }
0x7d: {  	_ =	swait.ge [sflag:s21], $0x4000  }
0x7e: {  	[sflag:s21] =	ssyncset.done $0x0  }
0x7f: {  	[sflag:s21] =	ssyncadd.s32 $0xFFFFC000  }
0x80: {  	[spmem:s1] =	stream.indirect.scatter.add.f32 [tilespmem:s19], [sflag:$0x3], $0x80, s18, s18, $0xb8;
	[tilespmem:$0x1ED00] =	vst v63  }
0x81: {  	_ =	swait.ge [sflag:s16], $0x4000  }
0x82: {  	s22 =	sadd.s32 $0x1, s22;
	[sflag:s16] =	ssyncset.done $0x0  }
0x83: {  	p0 =	sne.s32 s22, s9;
	[sflag:s16] =	ssyncadd.s32 $0xFFFFC000  }
.Ltmp1:
0x84: {  	[bflag:$0x0] =	sbarrier.arrive $0xFFFF;
	(pc) =	sbr.rel @p0 .LBB2_1-.Ltmp1, $4  }
0x85: {  	[hbm:s8], [sflag:s5] =	dma.local [spmem:s15], $0x2D80  }
0x86: {  	_ =	swait.ge [sflag:s16], $0x2D80  }
0x87: {  	[sflag:s16] =	ssyncset.done $0x0  }
0x88: {  	[sflag:s16] =	ssyncadd.s32 $0xFFFFD280  }
0x89: {  	_ =	sfence.sel $0x180000  }
0x8a: {  	[bflag:$0x0] =	sbarrier.arrive $0xFFFF  }
0x8b: {  	p0 =	sne.s32 s2, $0x0;
	_ =	strace $0x9000004A  }
0x8c: {  	s0 =	sadd.s32 @!p0 $0x100000, s0;
	[bflag:$0x2] =	sbarrier.arrive $0xFFFF  }
0x8d: {  	[sflag:s0] =	ssyncadd.tile.s32 @!p0 $0x1;
	_ =	shalt  }
.Lfunc_end2:
_tile_overlayer_lowered:
.L_overlay_start_2:
0x8e: {  	(tag) =	ssettag $0x2  }
0x8f: {  	s0 =	rddreg [dreg:$0x0];
	s2 =	stileid.u32  }
0x90: {  	s1 =	rddreg [dreg:$0x1];
	p0 =	sne.s32 s2, $0x0  }
0x91: {  	s3 =	rddreg [dreg:$0x2];
	[bflag:$0x3] =	sbarrier.arrive $0xFFFF;
	s2 =	simm.s32 @!p0 $0x1C03  }
0x92: {  	[timem:s3], [sflag:s2] =	dma.local @!p0 [hbm:s0], s1  }
0x93: {  	s0 =	simm.s32 @!p0 $0x3  }
0x94: {  	_ =	swait.ge @!p0 [sflag:s0], s1  }
0x95: {  	s1 =	ssub.s32 @!p0 $0x0, s1;
	[sflag:s0] =	ssyncset.done @!p0 $0x0  }
0x96: {  	[sflag:s0] =	ssyncadd.s32 @!p0 s1  }
0x97: {  	[bflag:$0x3] =	sbarrier.arrive $0xFFFF  }
0x98: {  	_ =	shalt  }

// kernel: kernel.9.cloned.1.call-start
scs
__scs_entry_jumppad:
0x0: {  	(pc) =	sbr.rel $0x88, $3  }
0x1: {  	(tag) =	ssettag $0x0;
	lr =	simm.s32 $0x1  }
0x2: {  	[smem:$0x3F87] =	sst lr;
	_ =	strace $0xD0000000  }
0x3: {  	_ = 	snop  }
0x4: {  	_ = 	snop  }
0x5: {  	_ = 	snop  }
0x6: {  	_ = 	snop  }
0x7: {  	_ = 	snop  }
__scs_overlays_trampoline_lowered:
0x8: {  	[smem:$0x3F96] =	sst s0  }
0x9: {  	[smem:$0x3F97] =	sst s1  }
0xa: {  	[smem:$0x3F98] =	sst s2  }
0xb: {  	[smem:$0x3F99] =	sst s3  }
0xc: {  	[smem:$0x3F9A] =	sst s4  }
0xd: {  	[smem:$0x3F9B] =	sst s5  }
0xe: {  	[smem:$0x3F9C] =	sst s6  }
0xf: {  	[smem:$0x3F9D] =	sst s7  }
0x10: {  	[smem:$0x3F9E] =	sst s8  }
0x11: {  	[smem:$0x3F9F] =	sst s9;
	s0 =	simm.s32 @!p0 $0x0  }
0x12: {  	s1 =	sld [smem:$0x3F85];
	s0 =	simm.s32 @p0 $0x1  }
0x13: {  	[smem:$0x3FA0] =	sst s0;
	s0 =	simm.s32 @!p1 $0x0  }
0x14: {  	s2 =	sld [smem:$0x3F84];
	s0 =	simm.s32 @p1 $0x1  }
0x15: {  	[smem:$0x3FA1] =	sst s0;
	s0 =	simm.s32 @!p2 $0x0  }
0x16: {  	s3 =	sld [smem:$0x3FDB];
	s0 =	simm.s32 @p2 $0x1  }
0x17: {  	s4 =	simm.s32 $0x1BF5;
	[smem:$0x3FA3] =	sst s0  }
0x18: {  	s0 =	sld [smem:$0x3F86];
	_ =	swait.ge [sflag:s4], $0x0  }
0x19: {  	s7 =	sld [smem:$0x3F87]  }
0x1a: {  	s8 =	sadd.s32 $0xFFFFE003, lr  }
0x1b: {  	s9 =	sadd.s32 $0xFFFFFEF7, lr;
	s5 =	simm.s32 $0xFFFFFFFF;
	p2 =	slt.u32 s8, $0xFFFFF086  }
0x1c: {  	p1 =	slt.u32 s9, $0xF7A;
	s5 =	simm.s32 @!p2 $0x0  }
0x1d: {  	s5 =	simm.s32 @p1 $0x1;
	p0 =	seq.s32 s7, s2  }
0x1e: {  	s7 =	smul.u32 @!p0 $0xF7A, s2;
	p2 =	seq.s32 @!p0 s5, $0x0  }
0x1f: {  	s9 =	smul.u32 $0xF7A, s1;
	s8 =	simm.s32 @!p0 $0x1BF5;
	p2 =	por !p2, p0  }
0x20: {  	[sflag:s8] =	ssyncset.s32 @!p0 $0xFFFFF086;
	s6 =	sadd.s32 @!p0 s3, s7;
	s7 =	simm.s32 @!p0 $0x108  }
0x21: {  	s3 =	sadd.s32 s3, s9;
	s6 =	sadd.s32 @!p0 $0x88, s6;
	s7 =	simm.s32 @p2 $0x1082  }
0x22: {  	[simem:s7], [sflag:s8] =	dma.local @!p0 [hbm:s6], $0xF7A  }
0x23: {  	s9 =	sor.u32 $0xD0000000, s2;
	s6 =	simm.s32 $0x108;
	_ =	swait.ge @!p0 [sflag:s8], $0x0  }
0x24: {  	s3 =	sadd.s32 $0x88, s3;
	s6 =	simm.s32 @!p1 $0x1082;
	[sflag:s4] =	ssyncset.s32 $0xFFFFF086  }
0x25: {  	[simem:s6], [sflag:s4] =	dma.local [hbm:s3], $0xF7A  }
0x26: {  	[smem:$0x3F87] =	sst s1;
	(tag) =	ssettag s2;
	_ =	strace s9  }
0x27: {  	s1 =	sld [smem:$0x3F97]  }
0x28: {  	s2 =	sld [smem:$0x3F98]  }
0x29: {  	s4 =	sld [smem:$0x3F9A]  }
0x2a: {  	p0 =	seq.s32 s5, $0x0;
	s5 =	sld [smem:$0x3F9B]  }
0x2b: {  	s6 =	sld [smem:$0x3F9C]  }
0x2c: {  	s7 =	sld [smem:$0x3F9D]  }
0x2d: {  	s3 =	simm.s32 $0x108;
	s8 =	sld [smem:$0x3F9E]  }
0x2e: {  	s3 =	simm.s32 @!p0 $0x1082;
	s9 =	sld [smem:$0x3F9F]  }
0x2f: {  	lr =	sadd.s32 s0, s3;
	s0 =	sld [smem:$0x3F96]  }
0x30: {  	s3 =	sld [smem:$0x3F99]  }
0x31: {  	[smem:$0x3FA2] =	sst s10  }
0x32: {  	s10 =	sld [smem:$0x3FA0];
	_ =	sdelay $0x3  }
0x33: {  	p0 =	seq.s32 s10, $0x1;
	s10 =	sld [smem:$0x3FA2];
	_ =	sdelay $0x3  }
0x34: {  	[smem:$0x3FA2] =	sst s10  }
0x35: {  	s10 =	sld [smem:$0x3FA1];
	_ =	sdelay $0x3  }
0x36: {  	p1 =	seq.s32 s10, $0x1;
	s10 =	sld [smem:$0x3FA2];
	_ =	sdelay $0x3  }
0x37: {  	[smem:$0x3FA2] =	sst s10  }
0x38: {  	s10 =	sld [smem:$0x3FA3]  }
0x39: {  	_ = 	snop;
	(pc) =	sbr.ind lr, $3  }
0x3a: {  	_ = 	snop  }
0x3b: {  	_ = 	snop  }
0x3c: {  	p2 =	seq.s32 s10, $0x1;
	s10 =	sld [smem:$0x3FA2]  }
0x3d: {  	_ =	shalt  }
0x3e: {  	_ =	shalt  }
0x3f: {  	_ =	shalt  }
0x40: {  	_ =	shalt  }
0x41: {  	_ =	shalt  }
0x42: {  	_ =	shalt  }
0x43: {  	_ =	shalt  }
0x44: {  	_ =	shalt  }
0x45: {  	_ =	shalt  }
0x46: {  	_ =	shalt  }
0x47: {  	_ =	shalt  }
0x48: {  	_ =	shalt  }
0x49: {  	_ =	shalt  }
0x4a: {  	_ =	shalt  }
0x4b: {  	_ =	shalt  }
0x4c: {  	_ =	shalt  }
0x4d: {  	_ =	shalt  }
0x4e: {  	_ =	shalt  }
0x4f: {  	_ =	shalt  }
0x50: {  	_ =	shalt  }
0x51: {  	_ =	shalt  }
0x52: {  	_ =	shalt  }
0x53: {  	_ =	shalt  }
0x54: {  	_ =	shalt  }
0x55: {  	_ =	shalt  }
0x56: {  	_ =	shalt  }
0x57: {  	_ =	shalt  }
0x58: {  	_ =	shalt  }
0x59: {  	_ =	shalt  }
0x5a: {  	_ =	shalt  }
0x5b: {  	_ =	shalt  }
0x5c: {  	_ =	shalt  }
0x5d: {  	_ =	shalt  }
0x5e: {  	_ =	shalt  }
0x5f: {  	_ =	shalt  }
0x60: {  	_ =	shalt  }
0x61: {  	_ =	shalt  }
0x62: {  	_ =	shalt  }
0x63: {  	_ =	shalt  }
0x64: {  	_ =	shalt  }
0x65: {  	_ =	shalt  }
0x66: {  	_ =	shalt  }
0x67: {  	_ =	shalt  }
0x68: {  	_ =	shalt  }
0x69: {  	_ =	shalt  }
0x6a: {  	_ =	shalt  }
0x6b: {  	_ =	shalt  }
0x6c: {  	_ =	shalt  }
0x6d: {  	_ =	shalt  }
0x6e: {  	_ =	shalt  }
0x6f: {  	_ =	shalt  }
0x70: {  	_ =	shalt  }
0x71: {  	_ =	shalt  }
0x72: {  	_ =	shalt  }
0x73: {  	_ =	shalt  }
0x74: {  	_ =	shalt  }
0x75: {  	_ =	shalt  }
0x76: {  	_ =	shalt  }
0x77: {  	_ =	shalt  }
0x78: {  	_ =	shalt  }
0x79: {  	_ =	shalt  }
0x7a: {  	_ =	shalt  }
0x7b: {  	_ =	shalt  }
0x7c: {  	_ =	shalt  }
0x7d: {  	_ =	shalt  }
0x7e: {  	_ =	shalt  }
0x7f: {  	_ =	shalt  }
0x80: {  	_ =	shalt  }
0x81: {  	_ =	shalt  }
0x82: {  	_ =	shalt  }
0x83: {  	_ =	shalt  }
0x84: {  	_ =	shalt  }
0x85: {  	_ =	shalt  }
0x86: {  	_ =	shalt  }
0x87: {  	_ =	shalt  }
.Lfunc_end0:
.L_simem_size_0:
called_computation_lowered:
.L_overlay_start_0:
0x88: {  	s2 =	sld [smem:$0x3FD9]  }
0x89: {  	s3 =	sld [smem:$0x3FFE];
	_ =	sdelay $0x1  }
0x8a: {  	s1 =	srdreg.scid  }
0x8b: {  	s0 =	sand.u32 $0x1, s1  }
0x8c: {  	s16 =	sshll.u32 s0, $0xA;
	s2 =	sadd.s32 s3, s2  }
0x8d: {  	s2 =	sadd.s32 s2, s16  }
0x8e: {  	[smem:$0x3FAE] =	sst s2  }
0x8f: {  	_ = 	snop  }
0x90: {  	(tm) =	ssettm $0x1  }
0x91: {  	s17 =	sld [smem:$0x3FFB];
	_ =	sdelay $0x3  }
0x92: {  	_ =	strace s17  }
0x93: {  	s2 =	sld [smem:$0x3FFC];
	_ =	sdelay $0x3  }
0x94: {  	_ =	strace s2  }
0x95: {  	s2 =	sld [smem:$0x3FFD];
	_ =	sdelay $0x3  }
0x96: {  	_ =	strace s2  }
0x97: {  	_ =	strace $0x8FFFFFFF  }
0x98: {  	s18 =	sld [smem:$0x3FDB];
	_ =	sdelay $0x1  }
0x99: {  	s19 =	simm.s32 $_scs_section_size  }
0x9a: {  	s4 =	simm.s32 $_size__tile_overlayer_lowered;
	s5 =	simm.s32 $_tile_overlayer_lowered  }
0x9b: {  	s22 =	simm.s32 $0x1BFF;
	s21 =	sshll.u32 s5, $0x1;
	s2 =	sadd.s32 s19, s18  }
0x9c: {  	s6 =	simm.s32 $0x0;
	s20 =	sshll.u32 s4, $0x1;
	s4 =	sadd.s32 s21, s2  }
0x9d: {  	[timem:s6], [sflag:s22] =	dma.local [hbm:s4], s20  }
0x9e: {  	_ =	swait.ge [sflag:s22], s20  }
0x9f: {  	s3 =	ssub.s32 $0x0, s20;
	[sflag:s22] =	ssyncset.done $0x0  }
0xa0: {  	[sflag:s22] =	ssyncadd.s32 s3;
	_ =	sdelay $0x1  }
0xa1: {  	s23 =	simm.s32 $0x1B8B  }
0xa2: {  	_ =	swait.ge [sflag:s23], $0x1  }
0xa3: {  	[sflag:s23] =	ssyncset.done $0x0  }
0xa4: {  	s25 =	simm.s32 $0x1B8E;
	s24 =	sld [smem:$0x3FFE];
	[sflag:s23] =	ssyncadd.s32 $0xFFFFFFFF  }
0xa5: {  	s26 =	simm.s32 $execute0_lowered;
	[smem:$0x3FD2] =	sst s25  }
0xa6: {  	s4 =	sshll.u32 s26, $0x1;
	_ =	strace $0x80000046;
	[dreg:$0x1] =	wrdreg $0xFFFFFFFF  }
0xa7: {  	s28 =	simm.s32 $_size_execute0_lowered;
	s2 =	sadd.s32 s2, s4;
	[dreg:$0x0] =	wrdreg $0x0  }
0xa8: {  	s4 =	sshll.u32 s28, $0x1;
	[dreg:$0x2] =	wrdreg s2  }
0xa9: {  	[dreg:$0x3] =	wrdreg s4  }
0xaa: {  	[dreg:$0x4] =	wrdreg $0xC0  }
0xab: {  	_ =	task [dreg:s6], $0x5FFFF  }
0xac: {  	[dreg:$0x1] =	wrdreg $0xFFFFFFFF  }
0xad: {  	[dreg:$0x0] =	wrdreg $0x60  }
0xae: {  	[dreg:$0x2] =	wrdreg s24  }
0xaf: {  	[dreg:$0x3] =	wrdreg $0x9  }
0xb0: {  	_ =	task.clear_ibuf [dreg:s6], $0x4FFFF;
	_ =	strace $0x90000046  }
0xb1: {  	s29 =	simm.s32 $0x9;
	_ =	strace $0x80000048  }
0xb2: {  	_ =	swait.ge [sflag:s29], $0x1  }
0xb3: {  	[sflag:s29] =	ssyncadd.s32 $0xFFFFFFFF  }
0xb4: {  	_ =	strace $0x90000048  }
0xb5: {  	_ =	sfence  }
0xb6: {  	s30 =	sld [smem:$0x0];
	_ =	sdelay $0x2  }
0xb7: {  	s31 =	sshll.u32 s1, $0xD;
	s1 =	sshrl.u32 s1, $0x2  }
0xb8: {  	s3 =	sand.u32 $0x4000, s31;
	s1 =	sadd.s32 s1, s30  }
0xb9: {  	s0 =	sor.u32 s3, s0;
	s1 =	sshll.u32 s1, $0x11  }
0xba: {  	s0 =	sor.u32 s1, s0  }
0xbb: {  	s0 =	sadd.s32 $0x8F2B, s0  }
0xbc: {  	[sflag:s0] =	ssyncadd.remote.s32 $0x1  }
0xbd: {  	_ =	sfence.sel $0xFFFF  }
0xbe: {  	[dreg:$0x0] =	wrdreg $0xFFFFFFFF;
	(pc) =	sbr.abs _section_cstart, $3  }
0xbf: {  	[dreg:$0x1] =	wrdreg $0xFFFFFFFF  }
0xc0: {  	_ =	task.clear_ibuf [dreg:s6], $0x2FFFF;
	_ =	strace $0x9FFFFFFF  }
0xc1: {  	(tm) =	ssettm $0x7FFFFFFF  }
tec
execute0_lowered:
.L_overlay_start_1:
0x0: {  	(tag) =	ssettag $0x1  }
0x1: {  	s14 =	stileid.u32;
	s0 =	srdreg.scid  }
0x2: {  	s1 =	rddreg [dreg:$0x0];
	s2 =	simm.s32 $0x0;
	s23 =	simm.s32 $0xA00  }
0x3: {  	s25 =	simm.s32 $0x1200;
	s3 =	smul.u32 $0x5A00, s14;
	[smem:$0x7FF] =	sst s2  }
0x4: {  	s8 =	smul.u32 $0xB4000, s14;
	_ =	strace $0x80000047;
	[dreg:$0x4] =	wrdreg s23  }
0x5: {  	s30 =	simm.s32 $0x1A00;
	s10 =	smul.u32 $0x5A000, s14;
	[dreg:$0x5] =	wrdreg s25  }
0x6: {  	s31 =	sshll.u32 s14, $0x1;
	s14 =	simm.s32 $0x2A00;
	[dreg:$0x6] =	wrdreg s30  }
0x7: {  	s15 =	simm.s32 $0x3200;
	s17 =	simm.s32 $0x3A00;
	[dreg:$0x8] =	wrdreg s14  }
0x8: {  	s19 =	simm.s32 $0x4200;
	s21 =	simm.s32 $0x4A00;
	[dreg:$0x9] =	wrdreg s15  }
0x9: {  	s28 =	simm.s32 $0x6;
	s29 =	simm.s32 $0x0;
	[dreg:$0xa] =	wrdreg s17  }
0xa: {  	s0 =	sand.u32 $0x1, s0;
	s5 =	sadd.s32 $0x10E00, s1;
	[dreg:$0xb] =	wrdreg s19  }
0xb: {  	s4 =	smul.u32 $0x2D00, s0;
	s24 =	ssub.s32 $0x2, s0;
	[dreg:$0xc] =	wrdreg s21  }
0xc: {  	s23 =	simm.s32 $0x5200;
	s15 =	simm.s32 $0x7A00;
	s17 =	simm.s32 $0xA200  }
0xd: {  	s19 =	simm.s32 $0xB200;
	s21 =	simm.s32 $0xC200;
	[dreg:$0xd] =	wrdreg s23  }
0xe: {  	s12 =	sadd.s32 s8, s1;
	s13 =	sadd.s32 s10, s1;
	[dreg:$0x12] =	wrdreg s15  }
0xf: {  	s26 =	sshrl.u32 s24, $0x1;
	s10 =	sor.u32 s0, s31;
	[dreg:$0x16] =	wrdreg s17  }
0x10: {  	s31 =	simm.s32 $0x6A00;
	s8 =	simm.s32 $0x7200;
	[dreg:$0x18] =	wrdreg s19  }
0x11: {  	s15 =	simm.s32 $0x9200;
	s17 =	simm.s32 $0x180;
	[dreg:$0x1a] =	wrdreg s21  }
0x12: {  	s23 =	simm.s32 $0xD200;
	s19 =	simm.s32 $0x200;
	s21 =	simm.s32 $0x3  }
0x13: {  	s7 =	sadd.s32 s4, s3;
	s3 =	sadd.s32 $0xD0200, s1;
	[dreg:$0x10] =	wrdreg s31  }
0x14: {  	s4 =	sadd.s32 $0x76200, s1;
	s10 =	smul.u32 $0x2D00, s10;
	[dreg:$0x11] =	wrdreg s8  }
0x15: {  	s16 =	ssub.s32 s24, s26;
	s24 =	simm.s32 $0x5A00;
	[dreg:$0x14] =	wrdreg s15  }
0x16: {  	s26 =	simm.s32 $0x6200;
	s15 =	simm.s32 $0x100;
	[dreg:$0x1c] =	wrdreg s23  }
0x17: {  	s23 =	simm.s32 $0x8200;
	s31 =	simm.s32 $0xFA00;
	[dreg:$0xe] =	wrdreg s24  }
0x18: {  	s6 =	sadd.s32 $0x180, s7;
	[dreg:$0xf] =	wrdreg s26;
	s24 =	simm.s32 $0xDA00  }
0x19: {  	s26 =	simm.s32 $0xEA00;
	[smem:$0x7FD] =	sst s31;
	s9 =	sshrl.u32 s6, $0x3  }
0x1a: {  	s6 =	sadd.s32 $0x5A00, s1;
	s18 =	sshrl.u32 s10, $0x3;
	[dreg:$0x1d] =	wrdreg s24  }
0x1b: {  	s1 =	sadd.s32 $0x100, s7;
	[dreg:$0x1f] =	wrdreg s26;
	s11 =	sadd.s32 s9, s5  }
0x1c: {  	s24 =	simm.s32 $0x14200;
	s22 =	sadd.s32 s9, s6;
	[dreg:$0x2] =	wrdreg s11  }
0x1d: {  	s26 =	simm.s32 $0x5;
	s20 =	sadd.s32 s6, s18;
	[dreg:$0x3] =	wrdreg s22  }
0x1e: {  	s10 =	sor.u32 $0x10, s18;
	s11 =	simm.s32 $0x2200;
	[smem:$0x7F8] =	sst s20  }
0x1f: {  	s9 =	smul.u32 $0x2D000, s0;
	s22 =	sadd.s32 s5, s18;
	[dreg:$0x7] =	wrdreg s11  }
0x20: {  	s0 =	smul.u32 $0x5A000, s0;
	s25 =	sadd.s32 s6, s10;
	[smem:$0x7F9] =	sst s22  }
0x21: {  	s30 =	sadd.s32 s5, s10;
	s10 =	simm.s32 $0x8A00;
	[smem:$0x7FA] =	sst s25  }
0x22: {  	s18 =	simm.s32 $0xAA00;
	s20 =	simm.s32 $0xBA00;
	[smem:$0x7FB] =	sst s30  }
0x23: {  	s11 =	smax.u32 s16, $0x1;
	s13 =	sadd.s32 s9, s13;
	[dreg:$0x13] =	wrdreg s10  }
0x24: {  	s16 =	simm.s32 $0x9A00;
	s0 =	sadd.s32 s0, s12;
	[dreg:$0x17] =	wrdreg s18  }
0x25: {  	[dreg:$0x19] =	wrdreg s20;
	s22 =	simm.s32 $0xCA00;
	s18 =	simm.s32 $0x1  }
0x26: {  	s20 =	simm.s32 $0x10200;
	s25 =	simm.s32 $0xE200;
	[dreg:$0x15] =	wrdreg s16  }
0x27: {  	v2 =	vlaneseq.u32;
	s30 =	simm.s32 $0xF200;
	s13 =	sadd.s32 $0xC5EC00, s13;
	[dreg:$0x1b] =	wrdreg s22  }
0x28: {  	vm0 =	vmmov $0xffff;
	v1 =	vshrl.u32 v2, $0x3;
	s14 =	sadd.s32 $0x11F400, s0;
	s16 =	simm.s32 $0x80;
	[dreg:$0x1e] =	wrdreg s25  }
0x29: {  	v0 =	vand.u32 $0x7, v2;
	v2 =	vor.u32 $0x8, v2;
	v1 =	vmul.u32 $0x8, v1;
	s22 =	simm.s32 $0x2;
	[smem:$0x7FC] =	sst s30;
	s25 =	simm.s32 $0x4  }
.LBB2_1:
0x2a: {  	s0 =	sld [smem:$0x7F8];
	_ =	sdelay $0x1  }
0x2b: {  	s9 =	sld [smem:$0x7F9]  }
0x2c: {  	[tilespmem:s2], [sflag:$0x1] =	stream.linear.gather [hbm4b:s0+s2], $0x80, $0x38;
	[tilespmem:$0x18200] =	vst v63  }
0x2d: {  	s10 =	sld [smem:$0x7FA]  }
0x2e: {  	[tilespmem:s15], [sflag:$0x1] =	stream.linear.gather [hbm4b:s9+s2], $0x80, $0x38;
	[tilespmem:$0x18200] =	vst v63  }
0x2f: {  	s12 =	sld [smem:$0x7FB]  }
0x30: {  	[tilespmem:s16], [sflag:$0x2] =	stream.linear.gather [hbm4b:s10+s2], $0x80, $0x38;
	[tilespmem:$0x18200] =	vst v63  }
0x31: {  	s30 =	smov.u32 s14  }
0x32: {  	[tilespmem:s17], [sflag:$0x2] =	stream.linear.gather [hbm4b:s12+s2], $0x80, $0x38;
	[tilespmem:$0x18200] =	vst v63  }
0x33: {  	s31 =	smov.u32 s13;
	s0 =	simm.s32 $0x0;
	s12 =	smov.u32 s1  }
.LBB2_2:
0x34: {  	p1 =	seq.s32 s0, $0x0  }
0x35: {  	s7 =	simm.s32 @!p1 $0x5  }
0x36: {  	_ =	swait.ge @!p1 [sflag:s7], $0x8000  }
0x37: {  	[sflag:s7] =	ssyncset.done @!p1 $0x0  }
0x38: {  	[sflag:s7] =	ssyncadd.s32 @!p1 $0xFFFF8000  }
0x39: {  	_ =	swait.ge @!p1 [sflag:s7], $0x4000  }
0x3a: {  	[sflag:s7] =	ssyncset.done @!p1 $0x0  }
0x3b: {  	[sflag:s7] =	ssyncadd.s32 @!p1 $0xFFFFC000  }
0x3c: {  	_ =	swait.ge [sflag:s18], $0x80  }
0x3d: {  	[sflag:s18] =	ssyncset.done $0x0  }
0x3e: {  	[sflag:s18] =	ssyncadd.s32 $0xFFFFFF80  }
0x3f: {  	_ =	swait.ge [sflag:s18], $0x80  }
0x40: {  	[sflag:s18] =	ssyncset.done $0x0  }
0x41: {  	[sflag:s18] =	ssyncadd.s32 $0xFFFFFF80  }
0x42: {  	v3 =	vld [tilespmem:$0x0];
	_ =	sdelay $0x4  }
0x43: {  	v4 =	vshll.u32 v3, $0x1  }
0x44: {  	v3 =	vand.u32 $0x7, v3;
	v4 =	vand.u32 $0xFFFFFFF0, v4  }
0x45: {  	v3 =	vor.u32 v3, v4  }
0x46: {  	v4 =	vperm.xlane v3, v0;
	_ =	sdelay $0x1  }
0x47: {  	v3 =	vperm.xlane v3, v2;
	v4 =	vadd.s32 v1, v4;
	_ =	sdelay $0x1  }
0x48: {  	v3 =	vadd.s32 v1, v3;
	_ =	sdelay $0x2  }
0x49: {  	[tilespmem:s19], [sflag:$0x3] =	stream.indirect_vreg.gather [hbm4b:s3+s2], $0x80, v4, vm0, $0xb8;
	[tilespmem:$0x18200] =	vst v63  }
0x4a: {  	s9 =	rddreg [dreg:$0x4]  }
0x4b: {  	[tilespmem:s9], [sflag:$0x3] =	stream.indirect_vreg.gather [hbm4b:s3+s2], $0x80, v3, vm0, $0xb8;
	[tilespmem:$0x18200] =	vst v63  }
0x4c: {  	v3 =	vld [tilespmem:$0x10];
	_ =	sdelay $0x4  }
0x4d: {  	v49 =	vshll.u32 v3, $0x1  }
0x4e: {  	v3 =	vand.u32 $0x7, v3;
	v4 =	vand.u32 $0xFFFFFFF0, v49  }
0x4f: {  	v3 =	vor.u32 v3, v4  }
0x50: {  	v4 =	vperm.xlane v3, v0;
	_ =	sdelay $0x1  }
0x51: {  	v3 =	vperm.xlane v3, v2;
	v4 =	vadd.s32 v1, v4;
	_ =	sdelay $0x1  }
0x52: {  	v3 =	vadd.s32 v1, v3;
	_ =	sdelay $0x1  }
0x53: {  	s10 =	rddreg [dreg:$0x5]  }
0x54: {  	[tilespmem:s10], [sflag:$0x3] =	stream.indirect_vreg.gather [hbm4b:s3+s2], $0x80, v4, vm0, $0xb8;
	[tilespmem:$0x18200] =	vst v63  }
0x55: {  	s8 =	rddreg [dreg:$0x6]  }
0x56: {  	[tilespmem:s8], [sflag:$0x3] =	stream.indirect_vreg.gather [hbm4b:s3+s2], $0x80, v3, vm0, $0xb8;
	[tilespmem:$0x18200] =	vst v63  }
0x57: {  	v3 =	vld [tilespmem:$0x20];
	_ =	sdelay $0x4  }
0x58: {  	v50 =	vshll.u32 v3, $0x1  }
0x59: {  	v3 =	vand.u32 $0x7, v3;
	v4 =	vand.u32 $0xFFFFFFF0, v50  }
0x5a: {  	v3 =	vor.u32 v3, v4  }
0x5b: {  	v4 =	vperm.xlane v3, v0;
	_ =	sdelay $0x1  }
0x5c: {  	v3 =	vperm.xlane v3, v2;
	v4 =	vadd.s32 v1, v4;
	_ =	sdelay $0x1  }
0x5d: {  	v3 =	vadd.s32 v1, v3;
	_ =	sdelay $0x1  }
0x5e: {  	s9 =	rddreg [dreg:$0x7]  }
0x5f: {  	[tilespmem:s9], [sflag:$0x3] =	stream.indirect_vreg.gather [hbm4b:s3+s2], $0x80, v4, vm0, $0xb8;
	[tilespmem:$0x18200] =	vst v63  }
0x60: {  	s10 =	rddreg [dreg:$0x8]  }
0x61: {  	[tilespmem:s10], [sflag:$0x3] =	stream.indirect_vreg.gather [hbm4b:s3+s2], $0x80, v3, vm0, $0xb8;
	[tilespmem:$0x18200] =	vst v63  }
0x62: {  	v3 =	vld [tilespmem:$0x30];
	_ =	sdelay $0x4  }
0x63: {  	v51 =	vshll.u32 v3, $0x1  }
0x64: {  	v3 =	vand.u32 $0x7, v3;
	v4 =	vand.u32 $0xFFFFFFF0, v51  }
0x65: {  	v3 =	vor.u32 v3, v4  }
0x66: {  	v4 =	vperm.xlane v3, v0;
	_ =	sdelay $0x1  }
0x67: {  	v3 =	vperm.xlane v3, v2;
	v4 =	vadd.s32 v1, v4;
	_ =	sdelay $0x1  }
0x68: {  	v3 =	vadd.s32 v1, v3;
	_ =	sdelay $0x1  }
0x69: {  	s9 =	rddreg [dreg:$0x9]  }
0x6a: {  	[tilespmem:s9], [sflag:$0x3] =	stream.indirect_vreg.gather [hbm4b:s3+s2], $0x80, v4, vm0, $0xb8;
	[tilespmem:$0x18200] =	vst v63  }
0x6b: {  	s10 =	rddreg [dreg:$0xa]  }
0x6c: {  	[tilespmem:s10], [sflag:$0x3] =	stream.indirect_vreg.gather [hbm4b:s3+s2], $0x80, v3, vm0, $0xb8;
	[tilespmem:$0x18200] =	vst v63  }
0x6d: {  	v3 =	vld [tilespmem:$0x40];
	_ =	sdelay $0x4  }
0x6e: {  	v52 =	vshll.u32 v3, $0x1  }
0x6f: {  	v3 =	vand.u32 $0x7, v3;
	v4 =	vand.u32 $0xFFFFFFF0, v52  }
0x70: {  	v3 =	vor.u32 v3, v4  }
0x71: {  	v4 =	vperm.xlane v3, v0;
	_ =	sdelay $0x1  }
0x72: {  	v3 =	vperm.xlane v3, v2;
	v4 =	vadd.s32 v1, v4;
	_ =	sdelay $0x1  }
0x73: {  	v3 =	vadd.s32 v1, v3;
	_ =	sdelay $0x1  }
0x74: {  	s9 =	rddreg [dreg:$0xb]  }
0x75: {  	[tilespmem:s9], [sflag:$0x3] =	stream.indirect_vreg.gather [hbm4b:s3+s2], $0x80, v4, vm0, $0xb8;
	[tilespmem:$0x18200] =	vst v63  }
0x76: {  	s10 =	rddreg [dreg:$0xc]  }
0x77: {  	[tilespmem:s10], [sflag:$0x3] =	stream.indirect_vreg.gather [hbm4b:s3+s2], $0x80, v3, vm0, $0xb8;
	[tilespmem:$0x18200] =	vst v63  }
0x78: {  	v3 =	vld [tilespmem:$0x50];
	_ =	sdelay $0x4  }
0x79: {  	v53 =	vshll.u32 v3, $0x1  }
0x7a: {  	v3 =	vand.u32 $0x7, v3;
	v4 =	vand.u32 $0xFFFFFFF0, v53  }
0x7b: {  	v3 =	vor.u32 v3, v4  }
0x7c: {  	v4 =	vperm.xlane v3, v0;
	_ =	sdelay $0x1  }
0x7d: {  	v3 =	vperm.xlane v3, v2;
	v4 =	vadd.s32 v1, v4;
	_ =	sdelay $0x1  }
0x7e: {  	v3 =	vadd.s32 v1, v3;
	_ =	sdelay $0x1  }
0x7f: {  	s9 =	rddreg [dreg:$0xd]  }
0x80: {  	[tilespmem:s9], [sflag:$0x3] =	stream.indirect_vreg.gather [hbm4b:s3+s2], $0x80, v4, vm0, $0xb8;
	[tilespmem:$0x18200] =	vst v63  }
0x81: {  	s10 =	rddreg [dreg:$0xe]  }
0x82: {  	[tilespmem:s10], [sflag:$0x3] =	stream.indirect_vreg.gather [hbm4b:s3+s2], $0x80, v3, vm0, $0xb8;
	[tilespmem:$0x18200] =	vst v63  }
0x83: {  	v3 =	vld [tilespmem:$0x60];
	_ =	sdelay $0x4  }
0x84: {  	v54 =	vshll.u32 v3, $0x1  }
0x85: {  	v3 =	vand.u32 $0x7, v3;
	v4 =	vand.u32 $0xFFFFFFF0, v54  }
0x86: {  	v3 =	vor.u32 v3, v4  }
0x87: {  	v4 =	vperm.xlane v3, v0;
	_ =	sdelay $0x1  }
0x88: {  	v3 =	vperm.xlane v3, v2;
	v4 =	vadd.s32 v1, v4;
	_ =	sdelay $0x1  }
0x89: {  	v3 =	vadd.s32 v1, v3;
	_ =	sdelay $0x1  }
0x8a: {  	s9 =	rddreg [dreg:$0xf]  }
0x8b: {  	[tilespmem:s9], [sflag:$0x3] =	stream.indirect_vreg.gather [hbm4b:s3+s2], $0x80, v4, vm0, $0xb8;
	[tilespmem:$0x18200] =	vst v63  }
0x8c: {  	s10 =	rddreg [dreg:$0x10]  }
0x8d: {  	[tilespmem:s10], [sflag:$0x3] =	stream.indirect_vreg.gather [hbm4b:s3+s2], $0x80, v3, vm0, $0xb8;
	[tilespmem:$0x18200] =	vst v63  }
0x8e: {  	v3 =	vld [tilespmem:$0x70];
	_ =	sdelay $0x4  }
0x8f: {  	v55 =	vshll.u32 v3, $0x1  }
0x90: {  	v3 =	vand.u32 $0x7, v3;
	v4 =	vand.u32 $0xFFFFFFF0, v55  }
0x91: {  	v3 =	vor.u32 v3, v4  }
0x92: {  	v4 =	vperm.xlane v3, v0;
	_ =	sdelay $0x1  }
0x93: {  	v3 =	vperm.xlane v3, v2;
	v4 =	vadd.s32 v1, v4;
	_ =	sdelay $0x1  }
0x94: {  	v3 =	vadd.s32 v1, v3;
	_ =	sdelay $0x1  }
0x95: {  	s8 =	rddreg [dreg:$0x11]  }
0x96: {  	[tilespmem:s8], [sflag:$0x3] =	stream.indirect_vreg.gather [hbm4b:s3+s2], $0x80, v4, vm0, $0xb8;
	[tilespmem:$0x18200] =	vst v63  }
0x97: {  	s9 =	rddreg [dreg:$0x12]  }
0x98: {  	[tilespmem:s9], [sflag:$0x3] =	stream.indirect_vreg.gather [hbm4b:s3+s2], $0x80, v3, vm0, $0xb8;
	[tilespmem:$0x18200] =	vst v63  }
0x99: {  	_ = 	snop  }
0x9a: {  	[tilespmem:s20], [sflag:$0x3] =	stream.indirect.gather [hbm4b:s4+s16], $0x80, s15, s16, $0xb8;
	[tilespmem:$0x18200] =	vst v63  }
0x9b: {  	_ =	swait.ge [sflag:s21], $0x8000  }
0x9c: {  	[sflag:s21] =	ssyncset.done $0x0  }
0x9d: {  	[sflag:s21] =	ssyncadd.s32 $0xFFFF8000  }
0x9e: {  	p0 =	seq.s32 s0, $0x580;
	_ =	swait.ge [sflag:s21], $0x4000  }
0x9f: {  	s8 =	sshrl.u32 @!p0 s12, $0x3;
	[sflag:s21] =	ssyncset.done $0x0  }
0xa0: {  	s7 =	simm.s32 @!p0 $0x0;
	s9 =	sadd.s32 @!p0 s6, s8;
	[sflag:s21] =	ssyncadd.s32 $0xFFFFC000  }
0xa1: {  	[tilespmem:s7], [sflag:$0x1] =	stream.linear.gather @!p0 [hbm4b:s9+s7], $0x80, $0x38;
	[tilespmem:$0x18200] =	vst v63  }
0xa2: {  	s8 =	sadd.s32 @!p0 s5, s8;
	s9 =	simm.s32 @!p0 $0x100  }
0xa3: {  	[tilespmem:s9], [sflag:$0x1] =	stream.linear.gather @!p0 [hbm4b:s8+s7], $0x80, $0x38;
	[tilespmem:$0x18200] =	vst v63  }
0xa4: {  	s10 =	sadd.s32 $0xFFFFF000, s30  }
0xa5: {  	[hbm4b:s10+s2] =	stream.linear.scatter [tilespmem:s19], [sflag:$0x5], $0x8000, $0x38;
	[tilespmem:$0x18200] =	vst v63  }
0xa6: {  	s9 =	sadd.s32 $0xFFFFF800, s31;
	s8 =	simm.s32 @!p1 $0x6  }
0xa7: {  	[hbm4b:s9+s2] =	stream.linear.scatter [tilespmem:s20], [sflag:$0x5], $0x4000, $0x38;
	[tilespmem:$0x18200] =	vst v63  }
0xa8: {  	_ =	swait.ge @!p1 [sflag:s8], $0x8000  }
0xa9: {  	[sflag:s8] =	ssyncset.done @!p1 $0x0  }
0xaa: {  	[sflag:s8] =	ssyncadd.s32 @!p1 $0xFFFF8000  }
0xab: {  	_ =	swait.ge @!p1 [sflag:s8], $0x4000  }
0xac: {  	[sflag:s8] =	ssyncset.done @!p1 $0x0  }
0xad: {  	[sflag:s8] =	ssyncadd.s32 @!p1 $0xFFFFC000  }
0xae: {  	_ =	swait.ge [sflag:s22], $0x80  }
0xaf: {  	[sflag:s22] =	ssyncset.done $0x0  }
0xb0: {  	[sflag:s22] =	ssyncadd.s32 $0xFFFFFF80  }
0xb1: {  	_ =	swait.ge [sflag:s22], $0x80  }
0xb2: {  	[sflag:s22] =	ssyncset.done $0x0  }
0xb3: {  	[sflag:s22] =	ssyncadd.s32 $0xFFFFFF80  }
0xb4: {  	v3 =	vld [tilespmem:$0x80];
	_ =	sdelay $0x4  }
0xb5: {  	v56 =	vshll.u32 v3, $0x1  }
0xb6: {  	v3 =	vand.u32 $0x7, v3;
	v4 =	vand.u32 $0xFFFFFFF0, v56  }
0xb7: {  	v3 =	vor.u32 v3, v4  }
0xb8: {  	v4 =	vperm.xlane v3, v0;
	_ =	sdelay $0x1  }
0xb9: {  	v3 =	vperm.xlane v3, v2;
	v4 =	vadd.s32 v1, v4;
	_ =	sdelay $0x1  }
0xba: {  	v3 =	vadd.s32 v1, v3;
	_ =	sdelay $0x2  }
0xbb: {  	[tilespmem:s23], [sflag:$0x4] =	stream.indirect_vreg.gather [hbm4b:s3+s2], $0x80, v4, vm0, $0xb8;
	[tilespmem:$0x18200] =	vst v63  }
0xbc: {  	s10 =	rddreg [dreg:$0x13]  }
0xbd: {  	[tilespmem:s10], [sflag:$0x4] =	stream.indirect_vreg.gather [hbm4b:s3+s2], $0x80, v3, vm0, $0xb8;
	[tilespmem:$0x18200] =	vst v63  }
0xbe: {  	v3 =	vld [tilespmem:$0x90];
	_ =	sdelay $0x4  }
0xbf: {  	v57 =	vshll.u32 v3, $0x1  }
0xc0: {  	v3 =	vand.u32 $0x7, v3;
	v4 =	vand.u32 $0xFFFFFFF0, v57  }
0xc1: {  	v3 =	vor.u32 v3, v4  }
0xc2: {  	v4 =	vperm.xlane v3, v0;
	_ =	sdelay $0x1  }
0xc3: {  	v3 =	vperm.xlane v3, v2;
	v4 =	vadd.s32 v1, v4;
	_ =	sdelay $0x1  }
0xc4: {  	v3 =	vadd.s32 v1, v3;
	_ =	sdelay $0x1  }
0xc5: {  	s9 =	rddreg [dreg:$0x14]  }
0xc6: {  	[tilespmem:s9], [sflag:$0x4] =	stream.indirect_vreg.gather [hbm4b:s3+s2], $0x80, v4, vm0, $0xb8;
	[tilespmem:$0x18200] =	vst v63  }
0xc7: {  	s10 =	rddreg [dreg:$0x15]  }
0xc8: {  	[tilespmem:s10], [sflag:$0x4] =	stream.indirect_vreg.gather [hbm4b:s3+s2], $0x80, v3, vm0, $0xb8;
	[tilespmem:$0x18200] =	vst v63  }
0xc9: {  	v3 =	vld [tilespmem:$0xA0];
	_ =	sdelay $0x4  }
0xca: {  	v58 =	vshll.u32 v3, $0x1  }
0xcb: {  	v3 =	vand.u32 $0x7, v3;
	v4 =	vand.u32 $0xFFFFFFF0, v58  }
0xcc: {  	v3 =	vor.u32 v3, v4  }
0xcd: {  	v4 =	vperm.xlane v3, v0;
	_ =	sdelay $0x1  }
0xce: {  	v3 =	vperm.xlane v3, v2;
	v4 =	vadd.s32 v1, v4;
	_ =	sdelay $0x1  }
0xcf: {  	v3 =	vadd.s32 v1, v3;
	_ =	sdelay $0x1  }
0xd0: {  	s9 =	rddreg [dreg:$0x16]  }
0xd1: {  	[tilespmem:s9], [sflag:$0x4] =	stream.indirect_vreg.gather [hbm4b:s3+s2], $0x80, v4, vm0, $0xb8;
	[tilespmem:$0x18200] =	vst v63  }
0xd2: {  	s10 =	rddreg [dreg:$0x17]  }
0xd3: {  	[tilespmem:s10], [sflag:$0x4] =	stream.indirect_vreg.gather [hbm4b:s3+s2], $0x80, v3, vm0, $0xb8;
	[tilespmem:$0x18200] =	vst v63  }
0xd4: {  	v3 =	vld [tilespmem:$0xB0];
	_ =	sdelay $0x4  }
0xd5: {  	v59 =	vshll.u32 v3, $0x1  }
0xd6: {  	v3 =	vand.u32 $0x7, v3;
	v4 =	vand.u32 $0xFFFFFFF0, v59  }
0xd7: {  	v3 =	vor.u32 v3, v4  }
0xd8: {  	v4 =	vperm.xlane v3, v0;
	_ =	sdelay $0x1  }
0xd9: {  	v3 =	vperm.xlane v3, v2;
	v4 =	vadd.s32 v1, v4;
	_ =	sdelay $0x1  }
0xda: {  	v3 =	vadd.s32 v1, v3;
	_ =	sdelay $0x1  }
0xdb: {  	s9 =	rddreg [dreg:$0x18]  }
0xdc: {  	[tilespmem:s9], [sflag:$0x4] =	stream.indirect_vreg.gather [hbm4b:s3+s2], $0x80, v4, vm0, $0xb8;
	[tilespmem:$0x18200] =	vst v63  }
0xdd: {  	s10 =	rddreg [dreg:$0x19]  }
0xde: {  	[tilespmem:s10], [sflag:$0x4] =	stream.indirect_vreg.gather [hbm4b:s3+s2], $0x80, v3, vm0, $0xb8;
	[tilespmem:$0x18200] =	vst v63  }
0xdf: {  	v3 =	vld [tilespmem:$0xC0];
	_ =	sdelay $0x4  }
0xe0: {  	v60 =	vshll.u32 v3, $0x1  }
0xe1: {  	v3 =	vand.u32 $0x7, v3;
	v4 =	vand.u32 $0xFFFFFFF0, v60  }
0xe2: {  	v3 =	vor.u32 v3, v4  }
0xe3: {  	v4 =	vperm.xlane v3, v0;
	_ =	sdelay $0x1  }
0xe4: {  	v3 =	vperm.xlane v3, v2;
	v4 =	vadd.s32 v1, v4;
	_ =	sdelay $0x1  }
0xe5: {  	v3 =	vadd.s32 v1, v3;
	_ =	sdelay $0x1  }
0xe6: {  	s9 =	rddreg [dreg:$0x1a]  }
0xe7: {  	[tilespmem:s9], [sflag:$0x4] =	stream.indirect_vreg.gather [hbm4b:s3+s2], $0x80, v4, vm0, $0xb8;
	[tilespmem:$0x18200] =	vst v63  }
0xe8: {  	s10 =	rddreg [dreg:$0x1b]  }
0xe9: {  	[tilespmem:s10], [sflag:$0x4] =	stream.indirect_vreg.gather [hbm4b:s3+s2], $0x80, v3, vm0, $0xb8;
	[tilespmem:$0x18200] =	vst v63  }
0xea: {  	v3 =	vld [tilespmem:$0xD0];
	_ =	sdelay $0x4  }
0xeb: {  	v61 =	vshll.u32 v3, $0x1  }
0xec: {  	v3 =	vand.u32 $0x7, v3;
	v4 =	vand.u32 $0xFFFFFFF0, v61  }
0xed: {  	v3 =	vor.u32 v3, v4  }
0xee: {  	v4 =	vperm.xlane v3, v0;
	_ =	sdelay $0x1  }
0xef: {  	v3 =	vperm.xlane v3, v2;
	v4 =	vadd.s32 v1, v4;
	_ =	sdelay $0x1  }
0xf0: {  	v3 =	vadd.s32 v1, v3;
	_ =	sdelay $0x1  }
0xf1: {  	s9 =	rddreg [dreg:$0x1c]  }
0xf2: {  	[tilespmem:s9], [sflag:$0x4] =	stream.indirect_vreg.gather [hbm4b:s3+s2], $0x80, v4, vm0, $0xb8;
	[tilespmem:$0x18200] =	vst v63  }
0xf3: {  	s10 =	rddreg [dreg:$0x1d]  }
0xf4: {  	[tilespmem:s10], [sflag:$0x4] =	stream.indirect_vreg.gather [hbm4b:s3+s2], $0x80, v3, vm0, $0xb8;
	[tilespmem:$0x18200] =	vst v63  }
0xf5: {  	v3 =	vld [tilespmem:$0xE0];
	_ =	sdelay $0x4  }
0xf6: {  	v62 =	vshll.u32 v3, $0x1  }
0xf7: {  	v3 =	vand.u32 $0x7, v3;
	v4 =	vand.u32 $0xFFFFFFF0, v62  }
0xf8: {  	v3 =	vor.u32 v3, v4  }
0xf9: {  	v4 =	vperm.xlane v3, v0;
	_ =	sdelay $0x1  }
0xfa: {  	v3 =	vperm.xlane v3, v2;
	v4 =	vadd.s32 v1, v4;
	_ =	sdelay $0x1  }
0xfb: {  	v3 =	vadd.s32 v1, v3;
	_ =	sdelay $0x1  }
0xfc: {  	s9 =	rddreg [dreg:$0x1e]  }
0xfd: {  	[tilespmem:s9], [sflag:$0x4] =	stream.indirect_vreg.gather [hbm4b:s3+s2], $0x80, v4, vm0, $0xb8;
	[tilespmem:$0x18200] =	vst v63  }
0xfe: {  	s10 =	rddreg [dreg:$0x1f]  }
0xff: {  	[tilespmem:s10], [sflag:$0x4] =	stream.indirect_vreg.gather [hbm4b:s3+s2], $0x80, v3, vm0, $0xb8;
	[tilespmem:$0x18200] =	vst v63  }
0x100: {  	v3 =	vld [tilespmem:$0xF0];
	_ =	sdelay $0x4  }
0x101: {  	v63 =	vshll.u32 v3, $0x1  }
0x102: {  	v3 =	vand.u32 $0x7, v3;
	v4 =	vand.u32 $0xFFFFFFF0, v63  }
0x103: {  	v3 =	vor.u32 v3, v4  }
0x104: {  	v4 =	vperm.xlane v3, v0;
	_ =	sdelay $0x1  }
0x105: {  	v3 =	vperm.xlane v3, v2;
	v4 =	vadd.s32 v1, v4;
	_ =	sdelay $0x1  }
0x106: {  	s9 =	sld [smem:$0x7FC];
	v3 =	vadd.s32 v1, v3;
	_ =	sdelay $0x1  }
0x107: {  	s10 =	sld [smem:$0x7FD]  }
0x108: {  	[tilespmem:s9], [sflag:$0x4] =	stream.indirect_vreg.gather [hbm4b:s3+s2], $0x80, v4, vm0, $0xb8;
	[tilespmem:$0x18200] =	vst v63  }
0x109: {  	_ = 	snop  }
0x10a: {  	[tilespmem:s10], [sflag:$0x4] =	stream.indirect_vreg.gather [hbm4b:s3+s2], $0x80, v3, vm0, $0xb8;
	[tilespmem:$0x18200] =	vst v63  }
0x10b: {  	_ = 	snop  }
0x10c: {  	[tilespmem:s24], [sflag:$0x4] =	stream.indirect.gather [hbm4b:s4+s16], $0x80, s17, s16, $0xb8;
	[tilespmem:$0x18200] =	vst v63  }
0x10d: {  	_ =	swait.ge [sflag:s25], $0x8000  }
0x10e: {  	[sflag:s25] =	ssyncset.done $0x0  }
0x10f: {  	[sflag:s25] =	ssyncadd.s32 $0xFFFF8000  }
0x110: {  	_ =	swait.ge [sflag:s25], $0x4000  }
0x111: {  	s10 =	simm.s32 @!p0 $0x80;
	s8 =	rddreg [dreg:$0x3];
	[sflag:s25] =	ssyncset.done $0x0  }
0x112: {  	s9 =	rddreg [dreg:$0x2];
	[sflag:s25] =	ssyncadd.s32 $0xFFFFC000;
	s8 =	sadd.s32 @!p0 s0, s8  }
0x113: {  	[tilespmem:s10], [sflag:$0x2] =	stream.linear.gather @!p0 [hbm4b:s8+s7], $0x80, $0x38;
	[tilespmem:$0x18200] =	vst v63  }
0x114: {  	s8 =	sadd.s32 @!p0 s0, s9;
	s9 =	simm.s32 @!p0 $0x180;
	s0 =	sadd.s32 $0x20, s0  }
0x115: {  	[tilespmem:s9], [sflag:$0x2] =	stream.linear.gather @!p0 [hbm4b:s8+s7], $0x80, $0x38;
	[tilespmem:$0x18200] =	vst v63  }
0x116: {  	p0 =	sne.s32 s0, $0x5A0  }
.Ltmp0:
0x117: {  	_ = 	snop;
	(pc) =	sbr.rel @p0 .LBB2_2-.Ltmp0, $4  }
0x118: {  	[hbm4b:s30+s2] =	stream.linear.scatter [tilespmem:s23], [sflag:$0x6], $0x8000, $0x38;
	[tilespmem:$0x18200] =	vst v63  }
0x119: {  	_ = 	snop  }
0x11a: {  	[hbm4b:s31+s2] =	stream.linear.scatter [tilespmem:s24], [sflag:$0x6], $0x4000, $0x38;
	[tilespmem:$0x18200] =	vst v63  }
0x11b: {  	s12 =	sadd.s32 $0x100, s12;
	s30 =	sadd.s32 $0x2000, s30;
	s31 =	sadd.s32 $0x1000, s31  }
0x11c: {  	_ =	swait.ge [sflag:s26], $0x8000  }
0x11d: {  	[sflag:s26] =	ssyncset.done $0x0  }
0x11e: {  	[sflag:s26] =	ssyncadd.s32 $0xFFFF8000  }
0x11f: {  	_ =	swait.ge [sflag:s26], $0x4000  }
0x120: {  	[sflag:s26] =	ssyncset.done $0x0  }
0x121: {  	s29 =	sadd.s32 $0x1, s29;
	[sflag:s26] =	ssyncadd.s32 $0xFFFFC000  }
0x122: {  	p0 =	sne.s32 s29, s11;
	_ =	swait.ge [sflag:s28], $0x8000  }
.Ltmp1:
0x123: {  	[sflag:s28] =	ssyncset.done $0x0;
	(pc) =	sbr.rel @p0 .LBB2_1-.Ltmp1, $4  }
0x124: {  	[sflag:s28] =	ssyncadd.s32 $0xFFFF8000  }
0x125: {  	_ =	swait.ge [sflag:s28], $0x4000  }
0x126: {  	[sflag:s28] =	ssyncset.done $0x0  }
0x127: {  	[sflag:s28] =	ssyncadd.s32 $0xFFFFC000  }
0x128: {  	_ =	sfence.sel $0x180000  }
0x129: {  	[bflag:$0x0] =	sbarrier.arrive $0xFFFF  }
0x12a: {  	_ =	strace $0x90000047  }
0x12b: {  	s0 =	stileid.u32;
	[bflag:$0x2] =	sbarrier.arrive $0xFFFF  }
0x12c: {  	p0 =	sne.s32 s0, $0x0;
	s0 =	rddreg [dreg:$0x1]  }
0x12d: {  	s0 =	sadd.s32 @!p0 $0x100000, s0  }
0x12e: {  	[sflag:s0] =	ssyncadd.tile.s32 @!p0 $0x1;
	_ =	shalt  }
.Lfunc_end2:
_tile_overlayer_lowered:
.L_overlay_start_2:
0x12f: {  	(tag) =	ssettag $0x2  }
0x130: {  	s0 =	rddreg [dreg:$0x0];
	s2 =	stileid.u32  }
0x131: {  	s1 =	rddreg [dreg:$0x1];
	p0 =	sne.s32 s2, $0x0  }
0x132: {  	s3 =	rddreg [dreg:$0x2];
	[bflag:$0x3] =	sbarrier.arrive $0xFFFF;
	s2 =	simm.s32 @!p0 $0x1C07  }
0x133: {  	[timem:s3], [sflag:s2] =	dma.local @!p0 [hbm:s0], s1  }
0x134: {  	s0 =	simm.s32 @!p0 $0x7  }
0x135: {  	_ =	swait.ge @!p0 [sflag:s0], s1  }
0x136: {  	s1 =	ssub.s32 @!p0 $0x0, s1;
	[sflag:s0] =	ssyncset.done @!p0 $0x0  }
0x137: {  	[sflag:s0] =	ssyncadd.s32 @!p0 s1  }
0x138: {  	[bflag:$0x3] =	sbarrier.arrive $0xFFFF  }
0x139: {  	_ =	shalt  }

</sc_bundles>
